<compile_context>
chip_gen: v7x
topology: tpu7x:2x2x1
jax: 0.10.2.dev20260603
libtpu: 0.0.44.dev20260713+nightly
codegen_flags: <defaults>
</compile_context>

<pallas_src>
import functools
import math

import jax
import jax.numpy as jnp
from jax import lax
from jax.experimental import pallas as pl
from jax.experimental.pallas import tpu as pltpu
from jax.experimental.pallas import tpu_sc as plsc

EMB = 128
SCALE = math.sqrt(128.0)

NC = 2
NS = 16
NW = NC * NS
LANES = 16
NBUF = 8
NOB = 4
RU = 2


@functools.cache
def _build(S0, S1):
    assert S0 % NW == 0 and S1 % RU == 0
    nchunk = S0 // NW
    assert nchunk % NBUF == 0 and NBUF % NOB == 0
    mesh = plsc.VectorSubcoreMesh(core_axis_name="c", subcore_axis_name="s")

    @functools.partial(
        pl.kernel,
        mesh=mesh,
        out_type=jax.ShapeDtypeStruct((S0, S1, EMB), jnp.float32),
        scratch_types=[
            pltpu.VMEM((nchunk, S1), jnp.int32),
        ]
        + [pltpu.VMEM((S1, EMB), jnp.float32) for _ in range(NBUF)]
        + [pltpu.VMEM((S1, EMB), jnp.float32) for _ in range(NOB)]
        + [pltpu.SemaphoreType.DMA for _ in range(NBUF)]
        + [pltpu.SemaphoreType.DMA for _ in range(NOB)],
    )
    def emb_kernel(idx_hbm, table_hbm, out_hbm, idx_v, *scratch):
        bufs = scratch[:NBUF]
        obufs = scratch[NBUF:NBUF + NOB]
        gsems = scratch[NBUF + NOB:2 * NBUF + NOB]
        osems = scratch[2 * NBUF + NOB:]
        wid = lax.axis_index("s") * NC + lax.axis_index("c")
        base = wid * nchunk
        pltpu.sync_copy(idx_hbm.at[pl.ds(base, nchunk)], idx_v)

        for b in range(NBUF):
            pltpu.async_copy(table_hbm.at[idx_v.at[b]], bufs[b], gsems[b])

        def outer_body(o, carry):
            for b in range(NBUF):
                ob = b % NOB
                cc = o * NBUF + b
                pltpu.make_async_copy(
                    table_hbm.at[idx_v.at[cc]], bufs[b], gsems[b]
                ).wait()

                @pl.when(cc >= NOB)
                def _():
                    pltpu.make_async_copy(
                        obufs[ob], out_hbm.at[base], osems[ob]
                    ).wait()

                def row_body(r, carry2):
                    for rr in range(RU):
                        row = r * RU + rr
                        for j in range(EMB // LANES):
                            sl = pl.ds(j * LANES, LANES)
                            obufs[ob][row, sl] = bufs[b][row, sl] * SCALE
                    return carry2

                lax.fori_loop(0, S1 // RU, row_body, 0)

                nxt = cc + NBUF

                @pl.when(nxt < nchunk)
                def _():
                    pltpu.async_copy(table_hbm.at[idx_v.at[nxt]], bufs[b], gsems[b])

                pltpu.async_copy(obufs[ob], out_hbm.at[base + cc], osems[ob])

            return carry

        lax.fori_loop(0, nchunk // NBUF, outer_body, 0)

        for ob in range(NOB):
            pltpu.make_async_copy(
                obufs[ob], out_hbm.at[base], osems[ob]
            ).wait()

    return emb_kernel


def kernel(x, table):
    s0, s1 = x.shape
    return _build(s0, s1)(x.astype(jnp.int32), table)

# --- scband reference (transcript-rebuilt; emitter-appended) ---
"""Pipeline reference for scband-embedding-31018253812439 (READ-ONLY COPY).

The authoritative reference and input builder live on the scoring server;
editing this copy changes nothing except your own understanding.
"""

import jax, jax.numpy as jnp
import numpy as np
import math

VOCAB = 100000
EMB = 128

def setup_inputs(seed: int = 0) -> dict:
    key = jax.random.key(seed)
    k1, k2 = jax.random.split(key)
    x = jax.random.randint(k1, (4096, 50), 0, VOCAB, dtype=jnp.int64) if jax.config.jax_enable_x64 else jax.random.randint(k1, (4096, 50), 0, VOCAB, dtype=jnp.int32)
    table = jax.random.normal(k2, (VOCAB, EMB), dtype=jnp.float32)
    return {"x": x, "table": table}

def reference(x, table):
    # nn.Embedding lookup: gather rows of the table by index
    emb = jnp.take(table, x, axis=0)
    # scale by sqrt(emb_dim)
    return emb * math.sqrt(EMB)

if __name__ == "__main__":
    import jax
    _d = setup_inputs()
    print(jax.jit(kernel)(*tuple(_d.values())))

</pallas_src>

<mosaic_0001>
#map = affine_map<(d0, d1) -> (0, 0)>
#map1 = affine_map<(d0, d1) -> (0, 0, 0)>
module attributes {stable_mosaic.version = 14 : i64} {
  func.func @emb_kernel(%arg0: i32, %arg1: i32, %arg2: memref<4096x50xi32, #tpu.memory_space<hbm>>, %arg3: memref<100000x128xf32, #tpu.memory_space<hbm>>, %arg4: memref<4096x50x128xf32, #tpu.memory_space<hbm>>, %arg5: memref<128x50xi32, #tpu.memory_space<vmem>>, %arg6: memref<50x128xf32, #tpu.memory_space<vmem>>, %arg7: memref<50x128xf32, #tpu.memory_space<vmem>>, %arg8: memref<50x128xf32, #tpu.memory_space<vmem>>, %arg9: memref<50x128xf32, #tpu.memory_space<vmem>>, %arg10: memref<50x128xf32, #tpu.memory_space<vmem>>, %arg11: memref<50x128xf32, #tpu.memory_space<vmem>>, %arg12: memref<50x128xf32, #tpu.memory_space<vmem>>, %arg13: memref<50x128xf32, #tpu.memory_space<vmem>>, %arg14: memref<50x128xf32, #tpu.memory_space<vmem>>, %arg15: memref<50x128xf32, #tpu.memory_space<vmem>>, %arg16: memref<50x128xf32, #tpu.memory_space<vmem>>, %arg17: memref<50x128xf32, #tpu.memory_space<vmem>>, %arg18: memref<!tpu.dma_semaphore, #tpu.memory_space<semaphore_mem>>, %arg19: memref<!tpu.dma_semaphore, #tpu.memory_space<semaphore_mem>>, %arg20: memref<!tpu.dma_semaphore, #tpu.memory_space<semaphore_mem>>, %arg21: memref<!tpu.dma_semaphore, #tpu.memory_space<semaphore_mem>>, %arg22: memref<!tpu.dma_semaphore, #tpu.memory_space<semaphore_mem>>, %arg23: memref<!tpu.dma_semaphore, #tpu.memory_space<semaphore_mem>>, %arg24: memref<!tpu.dma_semaphore, #tpu.memory_space<semaphore_mem>>, %arg25: memref<!tpu.dma_semaphore, #tpu.memory_space<semaphore_mem>>, %arg26: memref<!tpu.dma_semaphore, #tpu.memory_space<semaphore_mem>>, %arg27: memref<!tpu.dma_semaphore, #tpu.memory_space<semaphore_mem>>, %arg28: memref<!tpu.dma_semaphore, #tpu.memory_space<semaphore_mem>>, %arg29: memref<!tpu.dma_semaphore, #tpu.memory_space<semaphore_mem>>) attributes {dimension_semantics = [#tpu.dimension_semantics<core_parallel>, #tpu.dimension_semantics<subcore_parallel>], iteration_bounds = array<i64: 2, 16>, scalar_prefetch = 0 : i64, scratch_operands = 25 : i64, tpu.core_type = #tpu.core_type<sc_vector_subcore>, window_params = [{transform_indices = #map}, {transform_indices = #map}, {transform_indices = #map1}]} {
    %mul3A = arith.constant 2 : i32
    %mul3A_0 = arith.muli %arg1, %mul3A : i32
    %add3A = arith.addi %mul3A_0, %arg0 : i32
    %mul3A_1 = arith.constant 128 : i32
    %mul3A_2 = arith.muli %add3A, %mul3A_1 : i32
    "tpu.region"() ({
      %run_scoped3A = tpu.sem_alloc : memref<!tpu.dma_semaphore, #tpu.memory_space<semaphore_mem>>
      %dma_start3A_94 = arith.constant 0 : i32
      %dma_start3A_95 = tpu.memref_slice %arg2[%mul3A_2, %dma_start3A_94] : memref<4096x50xi32, #tpu.memory_space<hbm>> -> memref<128x50xi32, #tpu.memory_space<hbm>>
      %dma_start3A_96 = arith.constant 0 : i32
      %dma_start3A_97 = tpu.memref_slice %arg2[%mul3A_2, %dma_start3A_96] : memref<4096x50xi32, #tpu.memory_space<hbm>> -> memref<128x50xi32, #tpu.memory_space<hbm>>
      tpu.enqueue_dma source(%dma_start3A_97 : memref<128x50xi32, #tpu.memory_space<hbm>>) target(%arg5 : memref<128x50xi32, #tpu.memory_space<vmem>>) target_semaphore(%run_scoped3A : memref<!tpu.dma_semaphore, #tpu.memory_space<semaphore_mem>>)
      %dma_wait3A_98 = arith.constant 0 : i32
      %dma_wait3A_99 = tpu.memref_slice %arg2[%mul3A_2, %dma_wait3A_98] : memref<4096x50xi32, #tpu.memory_space<hbm>> -> memref<128x50xi32, #tpu.memory_space<hbm>>
      %dma_wait3A_100 = arith.constant 0 : i32
      %dma_wait3A_101 = tpu.memref_slice %arg2[%mul3A_2, %dma_wait3A_100] : memref<4096x50xi32, #tpu.memory_space<hbm>> -> memref<128x50xi32, #tpu.memory_space<hbm>>
      tpu.wait_dma2 semaphore(%run_scoped3A : memref<!tpu.dma_semaphore, #tpu.memory_space<semaphore_mem>>) src(%dma_wait3A_101 : memref<128x50xi32, #tpu.memory_space<hbm>>) dst(%arg5 : memref<128x50xi32, #tpu.memory_space<vmem>>)
      tpu.yield
    }) : () -> ()
    %dma_start3A = arith.constant 0 : i32
    %dma_start3A_3 = arith.constant 0 : i32
    %dma_start3A_4 = tpu.memref_slice %arg5[%dma_start3A, %dma_start3A_3] : memref<128x50xi32, #tpu.memory_space<vmem>> -> memref<1x50xi32, #tpu.memory_space<vmem>>
    %dma_start3A_5 = tpu.memref_squeeze %dma_start3A_4 : memref<1x50xi32, #tpu.memory_space<vmem>> -> memref<50xi32, #tpu.memory_space<vmem>>
    %dma_start3A_6 = arith.constant 0 : i32
    %dma_start3A_7 = arith.constant 0 : i32
    %dma_start3A_8 = tpu.memref_slice %arg3[%dma_start3A_6, %dma_start3A_7] : memref<100000x128xf32, #tpu.memory_space<hbm>> -> memref<100000x128xf32, #tpu.memory_space<hbm>>
    tpu.enqueue_indirect_dma source(%dma_start3A_8 : memref<100000x128xf32, #tpu.memory_space<hbm>>) target(%arg6 : memref<50x128xf32, #tpu.memory_space<vmem>>) offsets(%dma_start3A_5 : memref<50xi32, #tpu.memory_space<vmem>>) semaphore(%arg18 : memref<!tpu.dma_semaphore, #tpu.memory_space<semaphore_mem>>)
    %dma_start3A_9 = arith.constant 1 : i32
    %dma_start3A_10 = arith.constant 0 : i32
    %dma_start3A_11 = tpu.memref_slice %arg5[%dma_start3A_9, %dma_start3A_10] : memref<128x50xi32, #tpu.memory_space<vmem>> -> memref<1x50xi32, #tpu.memory_space<vmem>>
    %dma_start3A_12 = tpu.memref_squeeze %dma_start3A_11 : memref<1x50xi32, #tpu.memory_space<vmem>> -> memref<50xi32, #tpu.memory_space<vmem>>
    %dma_start3A_13 = arith.constant 0 : i32
    %dma_start3A_14 = arith.constant 0 : i32
    %dma_start3A_15 = tpu.memref_slice %arg3[%dma_start3A_13, %dma_start3A_14] : memref<100000x128xf32, #tpu.memory_space<hbm>> -> memref<100000x128xf32, #tpu.memory_space<hbm>>
    tpu.enqueue_indirect_dma source(%dma_start3A_15 : memref<100000x128xf32, #tpu.memory_space<hbm>>) target(%arg7 : memref<50x128xf32, #tpu.memory_space<vmem>>) offsets(%dma_start3A_12 : memref<50xi32, #tpu.memory_space<vmem>>) semaphore(%arg19 : memref<!tpu.dma_semaphore, #tpu.memory_space<semaphore_mem>>)
    %dma_start3A_16 = arith.constant 2 : i32
    %dma_start3A_17 = arith.constant 0 : i32
    %dma_start3A_18 = tpu.memref_slice %arg5[%dma_start3A_16, %dma_start3A_17] : memref<128x50xi32, #tpu.memory_space<vmem>> -> memref<1x50xi32, #tpu.memory_space<vmem>>
    %dma_start3A_19 = tpu.memref_squeeze %dma_start3A_18 : memref<1x50xi32, #tpu.memory_space<vmem>> -> memref<50xi32, #tpu.memory_space<vmem>>
    %dma_start3A_20 = arith.constant 0 : i32
    %dma_start3A_21 = arith.constant 0 : i32
    %dma_start3A_22 = tpu.memref_slice %arg3[%dma_start3A_20, %dma_start3A_21] : memref<100000x128xf32, #tpu.memory_space<hbm>> -> memref<100000x128xf32, #tpu.memory_space<hbm>>
    tpu.enqueue_indirect_dma source(%dma_start3A_22 : memref<100000x128xf32, #tpu.memory_space<hbm>>) target(%arg8 : memref<50x128xf32, #tpu.memory_space<vmem>>) offsets(%dma_start3A_19 : memref<50xi32, #tpu.memory_space<vmem>>) semaphore(%arg20 : memref<!tpu.dma_semaphore, #tpu.memory_space<semaphore_mem>>)
    %dma_start3A_23 = arith.constant 3 : i32
    %dma_start3A_24 = arith.constant 0 : i32
    %dma_start3A_25 = tpu.memref_slice %arg5[%dma_start3A_23, %dma_start3A_24] : memref<128x50xi32, #tpu.memory_space<vmem>> -> memref<1x50xi32, #tpu.memory_space<vmem>>
    %dma_start3A_26 = tpu.memref_squeeze %dma_start3A_25 : memref<1x50xi32, #tpu.memory_space<vmem>> -> memref<50xi32, #tpu.memory_space<vmem>>
    %dma_start3A_27 = arith.constant 0 : i32
    %dma_start3A_28 = arith.constant 0 : i32
    %dma_start3A_29 = tpu.memref_slice %arg3[%dma_start3A_27, %dma_start3A_28] : memref<100000x128xf32, #tpu.memory_space<hbm>> -> memref<100000x128xf32, #tpu.memory_space<hbm>>
    tpu.enqueue_indirect_dma source(%dma_start3A_29 : memref<100000x128xf32, #tpu.memory_space<hbm>>) target(%arg9 : memref<50x128xf32, #tpu.memory_space<vmem>>) offsets(%dma_start3A_26 : memref<50xi32, #tpu.memory_space<vmem>>) semaphore(%arg21 : memref<!tpu.dma_semaphore, #tpu.memory_space<semaphore_mem>>)
    %dma_start3A_30 = arith.constant 4 : i32
    %dma_start3A_31 = arith.constant 0 : i32
    %dma_start3A_32 = tpu.memref_slice %arg5[%dma_start3A_30, %dma_start3A_31] : memref<128x50xi32, #tpu.memory_space<vmem>> -> memref<1x50xi32, #tpu.memory_space<vmem>>
    %dma_start3A_33 = tpu.memref_squeeze %dma_start3A_32 : memref<1x50xi32, #tpu.memory_space<vmem>> -> memref<50xi32, #tpu.memory_space<vmem>>
    %dma_start3A_34 = arith.constant 0 : i32
    %dma_start3A_35 = arith.constant 0 : i32
    %dma_start3A_36 = tpu.memref_slice %arg3[%dma_start3A_34, %dma_start3A_35] : memref<100000x128xf32, #tpu.memory_space<hbm>> -> memref<100000x128xf32, #tpu.memory_space<hbm>>
    tpu.enqueue_indirect_dma source(%dma_start3A_36 : memref<100000x128xf32, #tpu.memory_space<hbm>>) target(%arg10 : memref<50x128xf32, #tpu.memory_space<vmem>>) offsets(%dma_start3A_33 : memref<50xi32, #tpu.memory_space<vmem>>) semaphore(%arg22 : memref<!tpu.dma_semaphore, #tpu.memory_space<semaphore_mem>>)
    %dma_start3A_37 = arith.constant 5 : i32
    %dma_start3A_38 = arith.constant 0 : i32
    %dma_start3A_39 = tpu.memref_slice %arg5[%dma_start3A_37, %dma_start3A_38] : memref<128x50xi32, #tpu.memory_space<vmem>> -> memref<1x50xi32, #tpu.memory_space<vmem>>
    %dma_start3A_40 = tpu.memref_squeeze %dma_start3A_39 : memref<1x50xi32, #tpu.memory_space<vmem>> -> memref<50xi32, #tpu.memory_space<vmem>>
    %dma_start3A_41 = arith.constant 0 : i32
    %dma_start3A_42 = arith.constant 0 : i32
    %dma_start3A_43 = tpu.memref_slice %arg3[%dma_start3A_41, %dma_start3A_42] : memref<100000x128xf32, #tpu.memory_space<hbm>> -> memref<100000x128xf32, #tpu.memory_space<hbm>>
    tpu.enqueue_indirect_dma source(%dma_start3A_43 : memref<100000x128xf32, #tpu.memory_space<hbm>>) target(%arg11 : memref<50x128xf32, #tpu.memory_space<vmem>>) offsets(%dma_start3A_40 : memref<50xi32, #tpu.memory_space<vmem>>) semaphore(%arg23 : memref<!tpu.dma_semaphore, #tpu.memory_space<semaphore_mem>>)
    %dma_start3A_44 = arith.constant 6 : i32
    %dma_start3A_45 = arith.constant 0 : i32
    %dma_start3A_46 = tpu.memref_slice %arg5[%dma_start3A_44, %dma_start3A_45] : memref<128x50xi32, #tpu.memory_space<vmem>> -> memref<1x50xi32, #tpu.memory_space<vmem>>
    %dma_start3A_47 = tpu.memref_squeeze %dma_start3A_46 : memref<1x50xi32, #tpu.memory_space<vmem>> -> memref<50xi32, #tpu.memory_space<vmem>>
    %dma_start3A_48 = arith.constant 0 : i32
    %dma_start3A_49 = arith.constant 0 : i32
    %dma_start3A_50 = tpu.memref_slice %arg3[%dma_start3A_48, %dma_start3A_49] : memref<100000x128xf32, #tpu.memory_space<hbm>> -> memref<100000x128xf32, #tpu.memory_space<hbm>>
    tpu.enqueue_indirect_dma source(%dma_start3A_50 : memref<100000x128xf32, #tpu.memory_space<hbm>>) target(%arg12 : memref<50x128xf32, #tpu.memory_space<vmem>>) offsets(%dma_start3A_47 : memref<50xi32, #tpu.memory_space<vmem>>) semaphore(%arg24 : memref<!tpu.dma_semaphore, #tpu.memory_space<semaphore_mem>>)
    %dma_start3A_51 = arith.constant 7 : i32
    %dma_start3A_52 = arith.constant 0 : i32
    %dma_start3A_53 = tpu.memref_slice %arg5[%dma_start3A_51, %dma_start3A_52] : memref<128x50xi32, #tpu.memory_space<vmem>> -> memref<1x50xi32, #tpu.memory_space<vmem>>
    %dma_start3A_54 = tpu.memref_squeeze %dma_start3A_53 : memref<1x50xi32, #tpu.memory_space<vmem>> -> memref<50xi32, #tpu.memory_space<vmem>>
    %dma_start3A_55 = arith.constant 0 : i32
    %dma_start3A_56 = arith.constant 0 : i32
    %dma_start3A_57 = tpu.memref_slice %arg3[%dma_start3A_55, %dma_start3A_56] : memref<100000x128xf32, #tpu.memory_space<hbm>> -> memref<100000x128xf32, #tpu.memory_space<hbm>>
    tpu.enqueue_indirect_dma source(%dma_start3A_57 : memref<100000x128xf32, #tpu.memory_space<hbm>>) target(%arg13 : memref<50x128xf32, #tpu.memory_space<vmem>>) offsets(%dma_start3A_54 : memref<50xi32, #tpu.memory_space<vmem>>) semaphore(%arg25 : memref<!tpu.dma_semaphore, #tpu.memory_space<semaphore_mem>>)
    %scan3A = arith.constant 0 : i32
    %scan3A_58 = arith.constant 0 : i32
    %scan3A_59 = arith.constant 16 : i32
    %scan3A_60 = arith.addi %scan3A_58, %scan3A_59 : i32
    %scan3A_61 = arith.constant 1 : i32
    scf.for %scan3A_94 = %scan3A_58 to %scan3A_60 step %scan3A_61  : i32 {
      %mul3A_95 = arith.constant 8 : i32
      %mul3A_96 = arith.muli %scan3A_94, %mul3A_95 : i32
      %add3A_97 = arith.constant 0 : i32
      %add3A_98 = arith.addi %mul3A_96, %add3A_97 : i32
      %dma_wait3A_99 = arith.constant 0 : i32
      %dma_wait3A_100 = tpu.memref_slice %arg5[%add3A_98, %dma_wait3A_99] : memref<128x50xi32, #tpu.memory_space<vmem>> -> memref<1x50xi32, #tpu.memory_space<vmem>>
      %dma_wait3A_101 = tpu.memref_squeeze %dma_wait3A_100 : memref<1x50xi32, #tpu.memory_space<vmem>> -> memref<50xi32, #tpu.memory_space<vmem>>
      %dma_wait3A_102 = arith.constant 0 : i32
      %dma_wait3A_103 = arith.constant 0 : i32
      %dma_wait3A_104 = tpu.memref_slice %arg3[%dma_wait3A_102, %dma_wait3A_103] : memref<100000x128xf32, #tpu.memory_space<hbm>> -> memref<100000x128xf32, #tpu.memory_space<hbm>>
      tpu.wait_indirect_dma semaphore(%arg18 : memref<!tpu.dma_semaphore, #tpu.memory_space<semaphore_mem>>) src(%dma_wait3A_104 : memref<100000x128xf32, #tpu.memory_space<hbm>>) dst(%arg6 : memref<50x128xf32, #tpu.memory_space<vmem>>)
      %ge3A = arith.constant 4 : i32
      %ge3A_105 = arith.cmpi sge, %add3A_98, %ge3A : i32
      %convert_element_type3A = arith.extui %ge3A_105 : i1 to i32
      %cond3A = arith.constant 0 : i32
      %cond3A_106 = arith.cmpi ne, %convert_element_type3A, %cond3A : i32
      scf.if %cond3A_106 {
        %dma_wait3A_387 = arith.constant 0 : i32
        %dma_wait3A_388 = arith.constant 0 : i32
        %dma_wait3A_389 = tpu.memref_slice %arg4[%mul3A_2, %dma_wait3A_387, %dma_wait3A_388] : memref<4096x50x128xf32, #tpu.memory_space<hbm>> -> memref<1x50x128xf32, #tpu.memory_space<hbm>>
        %dma_wait3A_390 = tpu.memref_squeeze %dma_wait3A_389 : memref<1x50x128xf32, #tpu.memory_space<hbm>> -> memref<50x128xf32, #tpu.memory_space<hbm>>
        %dma_wait3A_391 = arith.constant 0 : i32
        %dma_wait3A_392 = arith.constant 0 : i32
        %dma_wait3A_393 = tpu.memref_slice %arg4[%mul3A_2, %dma_wait3A_391, %dma_wait3A_392] : memref<4096x50x128xf32, #tpu.memory_space<hbm>> -> memref<1x50x128xf32, #tpu.memory_space<hbm>>
        %dma_wait3A_394 = tpu.memref_squeeze %dma_wait3A_393 : memref<1x50x128xf32, #tpu.memory_space<hbm>> -> memref<50x128xf32, #tpu.memory_space<hbm>>
        tpu.wait_dma2 semaphore(%arg26 : memref<!tpu.dma_semaphore, #tpu.memory_space<semaphore_mem>>) src(%arg14 : memref<50x128xf32, #tpu.memory_space<vmem>>) dst(%dma_wait3A_394 : memref<50x128xf32, #tpu.memory_space<hbm>>)
      } else {
      }
      %scan3A_107 = arith.constant 0 : i32
      %scan3A_108 = arith.constant 0 : i32
      %scan3A_109 = arith.constant 25 : i32
      %scan3A_110 = arith.addi %scan3A_108, %scan3A_109 : i32
      %scan3A_111 = arith.constant 1 : i32
      scf.for %scan3A_387 = %scan3A_108 to %scan3A_110 step %scan3A_111  : i32 {
        %mul3A_388 = arith.constant 2 : i32
        %mul3A_389 = arith.muli %scan3A_387, %mul3A_388 : i32
        %add3A_390 = arith.constant 0 : i32
        %add3A_391 = arith.addi %mul3A_389, %add3A_390 : i32
        %get3A = arith.index_cast %add3A_391 : i32 to index
        %get3A_392 = arith.constant 0 : index
        %get3A_393 = tpu.vector_load %arg6[%get3A, %get3A_392] {strides = array<i32>} : memref<50x128xf32, #tpu.memory_space<vmem>>, vector<1x16xf32>,
        %get3A_394 = vector.shape_cast %get3A_393 : vector<1x16xf32> to vector<16xf32>
        %mul3A_395 = arith.constant 11.3137083 : f32
        %mul3A_396 = vector.broadcast %mul3A_395 : f32 to vector<16xf32>
        %mul3A_397 = arith.mulf %get3A_394, %mul3A_396 : vector<16xf32>
        %swap3A = arith.index_cast %add3A_391 : i32 to index
        %swap3A_398 = arith.constant 0 : index
        %swap3A_399 = tpu.vector_load %arg14[%swap3A, %swap3A_398] {strides = array<i32>} : memref<50x128xf32, #tpu.memory_space<vmem>>, vector<1x16xf32>,
        %swap3A_400 = vector.shape_cast %swap3A_399 : vector<1x16xf32> to vector<16xf32>
        %swap3A_401 = vector.shape_cast %mul3A_397 : vector<16xf32> to vector<1x16xf32>
        tpu.vector_store %arg14[%swap3A, %swap3A_398], %swap3A_401 {strides = array<i32>} : memref<50x128xf32, #tpu.memory_space<vmem>>, vector<1x16xf32>,
        %get3A_402 = arith.index_cast %add3A_391 : i32 to index
        %get3A_403 = arith.constant 16 : index
        %get3A_404 = tpu.vector_load %arg6[%get3A_402, %get3A_403] {strides = array<i32>} : memref<50x128xf32, #tpu.memory_space<vmem>>, vector<1x16xf32>,
        %get3A_405 = vector.shape_cast %get3A_404 : vector<1x16xf32> to vector<16xf32>
        %mul3A_406 = arith.constant 11.3137083 : f32
        %mul3A_407 = vector.broadcast %mul3A_406 : f32 to vector<16xf32>
        %mul3A_408 = arith.mulf %get3A_405, %mul3A_407 : vector<16xf32>
        %swap3A_409 = arith.index_cast %add3A_391 : i32 to index
        %swap3A_410 = arith.constant 16 : index
        %swap3A_411 = tpu.vector_load %arg14[%swap3A_409, %swap3A_410] {strides = array<i32>} : memref<50x128xf32, #tpu.memory_space<vmem>>, vector<1x16xf32>,
        %swap3A_412 = vector.shape_cast %swap3A_411 : vector<1x16xf32> to vector<16xf32>
        %swap3A_413 = vector.shape_cast %mul3A_408 : vector<16xf32> to vector<1x16xf32>
        tpu.vector_store %arg14[%swap3A_409, %swap3A_410], %swap3A_413 {strides = array<i32>} : memref<50x128xf32, #tpu.memory_space<vmem>>, vector<1x16xf32>,
        %get3A_414 = arith.index_cast %add3A_391 : i32 to index
        %get3A_415 = arith.constant 32 : index
        %get3A_416 = tpu.vector_load %arg6[%get3A_414, %get3A_415] {strides = array<i32>} : memref<50x128xf32, #tpu.memory_space<vmem>>, vector<1x16xf32>,
        %get3A_417 = vector.shape_cast %get3A_416 : vector<1x16xf32> to vector<16xf32>
        %mul3A_418 = arith.constant 11.3137083 : f32
        %mul3A_419 = vector.broadcast %mul3A_418 : f32 to vector<16xf32>
        %mul3A_420 = arith.mulf %get3A_417, %mul3A_419 : vector<16xf32>
        %swap3A_421 = arith.index_cast %add3A_391 : i32 to index
        %swap3A_422 = arith.constant 32 : index
        %swap3A_423 = tpu.vector_load %arg14[%swap3A_421, %swap3A_422] {strides = array<i32>} : memref<50x128xf32, #tpu.memory_space<vmem>>, vector<1x16xf32>,
        %swap3A_424 = vector.shape_cast %swap3A_423 : vector<1x16xf32> to vector<16xf32>
        %swap3A_425 = vector.shape_cast %mul3A_420 : vector<16xf32> to vector<1x16xf32>
        tpu.vector_store %arg14[%swap3A_421, %swap3A_422], %swap3A_425 {strides = array<i32>} : memref<50x128xf32, #tpu.memory_space<vmem>>, vector<1x16xf32>,
        %get3A_426 = arith.index_cast %add3A_391 : i32 to index
        %get3A_427 = arith.constant 48 : index
        %get3A_428 = tpu.vector_load %arg6[%get3A_426, %get3A_427] {strides = array<i32>} : memref<50x128xf32, #tpu.memory_space<vmem>>, vector<1x16xf32>,
        %get3A_429 = vector.shape_cast %get3A_428 : vector<1x16xf32> to vector<16xf32>
        %mul3A_430 = arith.constant 11.3137083 : f32
        %mul3A_431 = vector.broadcast %mul3A_430 : f32 to vector<16xf32>
        %mul3A_432 = arith.mulf %get3A_429, %mul3A_431 : vector<16xf32>
        %swap3A_433 = arith.index_cast %add3A_391 : i32 to index
        %swap3A_434 = arith.constant 48 : index
        %swap3A_435 = tpu.vector_load %arg14[%swap3A_433, %swap3A_434] {strides = array<i32>} : memref<50x128xf32, #tpu.memory_space<vmem>>, vector<1x16xf32>,
        %swap3A_436 = vector.shape_cast %swap3A_435 : vector<1x16xf32> to vector<16xf32>
        %swap3A_437 = vector.shape_cast %mul3A_432 : vector<16xf32> to vector<1x16xf32>
        tpu.vector_store %arg14[%swap3A_433, %swap3A_434], %swap3A_437 {strides = array<i32>} : memref<50x128xf32, #tpu.memory_space<vmem>>, vector<1x16xf32>,
        %get3A_438 = arith.index_cast %add3A_391 : i32 to index
        %get3A_439 = arith.constant 64 : index
        %get3A_440 = tpu.vector_load %arg6[%get3A_438, %get3A_439] {strides = array<i32>} : memref<50x128xf32, #tpu.memory_space<vmem>>, vector<1x16xf32>,
        %get3A_441 = vector.shape_cast %get3A_440 : vector<1x16xf32> to vector<16xf32>
        %mul3A_442 = arith.constant 11.3137083 : f32
        %mul3A_443 = vector.broadcast %mul3A_442 : f32 to vector<16xf32>
        %mul3A_444 = arith.mulf %get3A_441, %mul3A_443 : vector<16xf32>
        %swap3A_445 = arith.index_cast %add3A_391 : i32 to index
        %swap3A_446 = arith.constant 64 : index
        %swap3A_447 = tpu.vector_load %arg14[%swap3A_445, %swap3A_446] {strides = array<i32>} : memref<50x128xf32, #tpu.memory_space<vmem>>, vector<1x16xf32>,
        %swap3A_448 = vector.shape_cast %swap3A_447 : vector<1x16xf32> to vector<16xf32>
        %swap3A_449 = vector.shape_cast %mul3A_444 : vector<16xf32> to vector<1x16xf32>
        tpu.vector_store %arg14[%swap3A_445, %swap3A_446], %swap3A_449 {strides = array<i32>} : memref<50x128xf32, #tpu.memory_space<vmem>>, vector<1x16xf32>,
        %get3A_450 = arith.index_cast %add3A_391 : i32 to index
        %get3A_451 = arith.constant 80 : index
        %get3A_452 = tpu.vector_load %arg6[%get3A_450, %get3A_451] {strides = array<i32>} : memref<50x128xf32, #tpu.memory_space<vmem>>, vector<1x16xf32>,
        %get3A_453 = vector.shape_cast %get3A_452 : vector<1x16xf32> to vector<16xf32>
        %mul3A_454 = arith.constant 11.3137083 : f32
        %mul3A_455 = vector.broadcast %mul3A_454 : f32 to vector<16xf32>
        %mul3A_456 = arith.mulf %get3A_453, %mul3A_455 : vector<16xf32>
        %swap3A_457 = arith.index_cast %add3A_391 : i32 to index
        %swap3A_458 = arith.constant 80 : index
        %swap3A_459 = tpu.vector_load %arg14[%swap3A_457, %swap3A_458] {strides = array<i32>} : memref<50x128xf32, #tpu.memory_space<vmem>>, vector<1x16xf32>,
        %swap3A_460 = vector.shape_cast %swap3A_459 : vector<1x16xf32> to vector<16xf32>
        %swap3A_461 = vector.shape_cast %mul3A_456 : vector<16xf32> to vector<1x16xf32>
        tpu.vector_store %arg14[%swap3A_457, %swap3A_458], %swap3A_461 {strides = array<i32>} : memref<50x128xf32, #tpu.memory_space<vmem>>, vector<1x16xf32>,
        %get3A_462 = arith.index_cast %add3A_391 : i32 to index
        %get3A_463 = arith.constant 96 : index
        %get3A_464 = tpu.vector_load %arg6[%get3A_462, %get3A_463] {strides = array<i32>} : memref<50x128xf32, #tpu.memory_space<vmem>>, vector<1x16xf32>,
        %get3A_465 = vector.shape_cast %get3A_464 : vector<1x16xf32> to vector<16xf32>
        %mul3A_466 = arith.constant 11.3137083 : f32
        %mul3A_467 = vector.broadcast %mul3A_466 : f32 to vector<16xf32>
        %mul3A_468 = arith.mulf %get3A_465, %mul3A_467 : vector<16xf32>
        %swap3A_469 = arith.index_cast %add3A_391 : i32 to index
        %swap3A_470 = arith.constant 96 : index
        %swap3A_471 = tpu.vector_load %arg14[%swap3A_469, %swap3A_470] {strides = array<i32>} : memref<50x128xf32, #tpu.memory_space<vmem>>, vector<1x16xf32>,
        %swap3A_472 = vector.shape_cast %swap3A_471 : vector<1x16xf32> to vector<16xf32>
        %swap3A_473 = vector.shape_cast %mul3A_468 : vector<16xf32> to vector<1x16xf32>
        tpu.vector_store %arg14[%swap3A_469, %swap3A_470], %swap3A_473 {strides = array<i32>} : memref<50x128xf32, #tpu.memory_space<vmem>>, vector<1x16xf32>,
        %get3A_474 = arith.index_cast %add3A_391 : i32 to index
        %get3A_475 = arith.constant 112 : index
        %get3A_476 = tpu.vector_load %arg6[%get3A_474, %get3A_475] {strides = array<i32>} : memref<50x128xf32, #tpu.memory_space<vmem>>, vector<1x16xf32>,
        %get3A_477 = vector.shape_cast %get3A_476 : vector<1x16xf32> to vector<16xf32>
        %mul3A_478 = arith.constant 11.3137083 : f32
        %mul3A_479 = vector.broadcast %mul3A_478 : f32 to vector<16xf32>
        %mul3A_480 = arith.mulf %get3A_477, %mul3A_479 : vector<16xf32>
        %swap3A_481 = arith.index_cast %add3A_391 : i32 to index
        %swap3A_482 = arith.constant 112 : index
        %swap3A_483 = tpu.vector_load %arg14[%swap3A_481, %swap3A_482] {strides = array<i32>} : memref<50x128xf32, #tpu.memory_space<vmem>>, vector<1x16xf32>,
        %swap3A_484 = vector.shape_cast %swap3A_483 : vector<1x16xf32> to vector<16xf32>
        %swap3A_485 = vector.shape_cast %mul3A_480 : vector<16xf32> to vector<1x16xf32>
        tpu.vector_store %arg14[%swap3A_481, %swap3A_482], %swap3A_485 {strides = array<i32>} : memref<50x128xf32, #tpu.memory_space<vmem>>, vector<1x16xf32>,
        %mul3A_486 = arith.constant 2 : i32
        %mul3A_487 = arith.muli %scan3A_387, %mul3A_486 : i32
        %add3A_488 = arith.constant 1 : i32
        %add3A_489 = arith.addi %mul3A_487, %add3A_488 : i32
        %get3A_490 = arith.index_cast %add3A_489 : i32 to index
        %get3A_491 = arith.constant 0 : index
        %get3A_492 = tpu.vector_load %arg6[%get3A_490, %get3A_491] {strides = array<i32>} : memref<50x128xf32, #tpu.memory_space<vmem>>, vector<1x16xf32>,
        %get3A_493 = vector.shape_cast %get3A_492 : vector<1x16xf32> to vector<16xf32>
        %mul3A_494 = arith.constant 11.3137083 : f32
        %mul3A_495 = vector.broadcast %mul3A_494 : f32 to vector<16xf32>
        %mul3A_496 = arith.mulf %get3A_493, %mul3A_495 : vector<16xf32>
        %swap3A_497 = arith.index_cast %add3A_489 : i32 to index
        %swap3A_498 = arith.constant 0 : index
        %swap3A_499 = tpu.vector_load %arg14[%swap3A_497, %swap3A_498] {strides = array<i32>} : memref<50x128xf32, #tpu.memory_space<vmem>>, vector<1x16xf32>,
        %swap3A_500 = vector.shape_cast %swap3A_499 : vector<1x16xf32> to vector<16xf32>
        %swap3A_501 = vector.shape_cast %mul3A_496 : vector<16xf32> to vector<1x16xf32>
        tpu.vector_store %arg14[%swap3A_497, %swap3A_498], %swap3A_501 {strides = array<i32>} : memref<50x128xf32, #tpu.memory_space<vmem>>, vector<1x16xf32>,
        %get3A_502 = arith.index_cast %add3A_489 : i32 to index
        %get3A_503 = arith.constant 16 : index
        %get3A_504 = tpu.vector_load %arg6[%get3A_502, %get3A_503] {strides = array<i32>} : memref<50x128xf32, #tpu.memory_space<vmem>>, vector<1x16xf32>,
        %get3A_505 = vector.shape_cast %get3A_504 : vector<1x16xf32> to vector<16xf32>
        %mul3A_506 = arith.constant 11.3137083 : f32
        %mul3A_507 = vector.broadcast %mul3A_506 : f32 to vector<16xf32>
        %mul3A_508 = arith.mulf %get3A_505, %mul3A_507 : vector<16xf32>
        %swap3A_509 = arith.index_cast %add3A_489 : i32 to index
        %swap3A_510 = arith.constant 16 : index
        %swap3A_511 = tpu.vector_load %arg14[%swap3A_509, %swap3A_510] {strides = array<i32>} : memref<50x128xf32, #tpu.memory_space<vmem>>, vector<1x16xf32>,
        %swap3A_512 = vector.shape_cast %swap3A_511 : vector<1x16xf32> to vector<16xf32>
        %swap3A_513 = vector.shape_cast %mul3A_508 : vector<16xf32> to vector<1x16xf32>
        tpu.vector_store %arg14[%swap3A_509, %swap3A_510], %swap3A_513 {strides = array<i32>} : memref<50x128xf32, #tpu.memory_space<vmem>>, vector<1x16xf32>,
        %get3A_514 = arith.index_cast %add3A_489 : i32 to index
        %get3A_515 = arith.constant 32 : index
        %get3A_516 = tpu.vector_load %arg6[%get3A_514, %get3A_515] {strides = array<i32>} : memref<50x128xf32, #tpu.memory_space<vmem>>, vector<1x16xf32>,
        %get3A_517 = vector.shape_cast %get3A_516 : vector<1x16xf32> to vector<16xf32>
        %mul3A_518 = arith.constant 11.3137083 : f32
        %mul3A_519 = vector.broadcast %mul3A_518 : f32 to vector<16xf32>
        %mul3A_520 = arith.mulf %get3A_517, %mul3A_519 : vector<16xf32>
        %swap3A_521 = arith.index_cast %add3A_489 : i32 to index
        %swap3A_522 = arith.constant 32 : index
        %swap3A_523 = tpu.vector_load %arg14[%swap3A_521, %swap3A_522] {strides = array<i32>} : memref<50x128xf32, #tpu.memory_space<vmem>>, vector<1x16xf32>,
        %swap3A_524 = vector.shape_cast %swap3A_523 : vector<1x16xf32> to vector<16xf32>
        %swap3A_525 = vector.shape_cast %mul3A_520 : vector<16xf32> to vector<1x16xf32>
        tpu.vector_store %arg14[%swap3A_521, %swap3A_522], %swap3A_525 {strides = array<i32>} : memref<50x128xf32, #tpu.memory_space<vmem>>, vector<1x16xf32>,
        %get3A_526 = arith.index_cast %add3A_489 : i32 to index
        %get3A_527 = arith.constant 48 : index
        %get3A_528 = tpu.vector_load %arg6[%get3A_526, %get3A_527] {strides = array<i32>} : memref<50x128xf32, #tpu.memory_space<vmem>>, vector<1x16xf32>,
        %get3A_529 = vector.shape_cast %get3A_528 : vector<1x16xf32> to vector<16xf32>
        %mul3A_530 = arith.constant 11.3137083 : f32
        %mul3A_531 = vector.broadcast %mul3A_530 : f32 to vector<16xf32>
        %mul3A_532 = arith.mulf %get3A_529, %mul3A_531 : vector<16xf32>
        %swap3A_533 = arith.index_cast %add3A_489 : i32 to index
        %swap3A_534 = arith.constant 48 : index
        %swap3A_535 = tpu.vector_load %arg14[%swap3A_533, %swap3A_534] {strides = array<i32>} : memref<50x128xf32, #tpu.memory_space<vmem>>, vector<1x16xf32>,
        %swap3A_536 = vector.shape_cast %swap3A_535 : vector<1x16xf32> to vector<16xf32>
        %swap3A_537 = vector.shape_cast %mul3A_532 : vector<16xf32> to vector<1x16xf32>
        tpu.vector_store %arg14[%swap3A_533, %swap3A_534], %swap3A_537 {strides = array<i32>} : memref<50x128xf32, #tpu.memory_space<vmem>>, vector<1x16xf32>,
        %get3A_538 = arith.index_cast %add3A_489 : i32 to index
        %get3A_539 = arith.constant 64 : index
        %get3A_540 = tpu.vector_load %arg6[%get3A_538, %get3A_539] {strides = array<i32>} : memref<50x128xf32, #tpu.memory_space<vmem>>, vector<1x16xf32>,
        %get3A_541 = vector.shape_cast %get3A_540 : vector<1x16xf32> to vector<16xf32>
        %mul3A_542 = arith.constant 11.3137083 : f32
        %mul3A_543 = vector.broadcast %mul3A_542 : f32 to vector<16xf32>
        %mul3A_544 = arith.mulf %get3A_541, %mul3A_543 : vector<16xf32>
        %swap3A_545 = arith.index_cast %add3A_489 : i32 to index
        %swap3A_546 = arith.constant 64 : index
        %swap3A_547 = tpu.vector_load %arg14[%swap3A_545, %swap3A_546] {strides = array<i32>} : memref<50x128xf32, #tpu.memory_space<vmem>>, vector<1x16xf32>,
        %swap3A_548 = vector.shape_cast %swap3A_547 : vector<1x16xf32> to vector<16xf32>
        %swap3A_549 = vector.shape_cast %mul3A_544 : vector<16xf32> to vector<1x16xf32>
        tpu.vector_store %arg14[%swap3A_545, %swap3A_546], %swap3A_549 {strides = array<i32>} : memref<50x128xf32, #tpu.memory_space<vmem>>, vector<1x16xf32>,
        %get3A_550 = arith.index_cast %add3A_489 : i32 to index
        %get3A_551 = arith.constant 80 : index
        %get3A_552 = tpu.vector_load %arg6[%get3A_550, %get3A_551] {strides = array<i32>} : memref<50x128xf32, #tpu.memory_space<vmem>>, vector<1x16xf32>,
        %get3A_553 = vector.shape_cast %get3A_552 : vector<1x16xf32> to vector<16xf32>
        %mul3A_554 = arith.constant 11.3137083 : f32
        %mul3A_555 = vector.broadcast %mul3A_554 : f32 to vector<16xf32>
        %mul3A_556 = arith.mulf %get3A_553, %mul3A_555 : vector<16xf32>
        %swap3A_557 = arith.index_cast %add3A_489 : i32 to index
        %swap3A_558 = arith.constant 80 : index
        %swap3A_559 = tpu.vector_load %arg14[%swap3A_557, %swap3A_558] {strides = array<i32>} : memref<50x128xf32, #tpu.memory_space<vmem>>, vector<1x16xf32>,
        %swap3A_560 = vector.shape_cast %swap3A_559 : vector<1x16xf32> to vector<16xf32>
        %swap3A_561 = vector.shape_cast %mul3A_556 : vector<16xf32> to vector<1x16xf32>
        tpu.vector_store %arg14[%swap3A_557, %swap3A_558], %swap3A_561 {strides = array<i32>} : memref<50x128xf32, #tpu.memory_space<vmem>>, vector<1x16xf32>,
        %get3A_562 = arith.index_cast %add3A_489 : i32 to index
        %get3A_563 = arith.constant 96 : index
        %get3A_564 = tpu.vector_load %arg6[%get3A_562, %get3A_563] {strides = array<i32>} : memref<50x128xf32, #tpu.memory_space<vmem>>, vector<1x16xf32>,
        %get3A_565 = vector.shape_cast %get3A_564 : vector<1x16xf32> to vector<16xf32>
        %mul3A_566 = arith.constant 11.3137083 : f32
        %mul3A_567 = vector.broadcast %mul3A_566 : f32 to vector<16xf32>
        %mul3A_568 = arith.mulf %get3A_565, %mul3A_567 : vector<16xf32>
        %swap3A_569 = arith.index_cast %add3A_489 : i32 to index
        %swap3A_570 = arith.constant 96 : index
        %swap3A_571 = tpu.vector_load %arg14[%swap3A_569, %swap3A_570] {strides = array<i32>} : memref<50x128xf32, #tpu.memory_space<vmem>>, vector<1x16xf32>,
        %swap3A_572 = vector.shape_cast %swap3A_571 : vector<1x16xf32> to vector<16xf32>
        %swap3A_573 = vector.shape_cast %mul3A_568 : vector<16xf32> to vector<1x16xf32>
        tpu.vector_store %arg14[%swap3A_569, %swap3A_570], %swap3A_573 {strides = array<i32>} : memref<50x128xf32, #tpu.memory_space<vmem>>, vector<1x16xf32>,
        %get3A_574 = arith.index_cast %add3A_489 : i32 to index
        %get3A_575 = arith.constant 112 : index
        %get3A_576 = tpu.vector_load %arg6[%get3A_574, %get3A_575] {strides = array<i32>} : memref<50x128xf32, #tpu.memory_space<vmem>>, vector<1x16xf32>,
        %get3A_577 = vector.shape_cast %get3A_576 : vector<1x16xf32> to vector<16xf32>
        %mul3A_578 = arith.constant 11.3137083 : f32
        %mul3A_579 = vector.broadcast %mul3A_578 : f32 to vector<16xf32>
        %mul3A_580 = arith.mulf %get3A_577, %mul3A_579 : vector<16xf32>
        %swap3A_581 = arith.index_cast %add3A_489 : i32 to index
        %swap3A_582 = arith.constant 112 : index
        %swap3A_583 = tpu.vector_load %arg14[%swap3A_581, %swap3A_582] {strides = array<i32>} : memref<50x128xf32, #tpu.memory_space<vmem>>, vector<1x16xf32>,
        %swap3A_584 = vector.shape_cast %swap3A_583 : vector<1x16xf32> to vector<16xf32>
        %swap3A_585 = vector.shape_cast %mul3A_580 : vector<16xf32> to vector<1x16xf32>
        tpu.vector_store %arg14[%swap3A_581, %swap3A_582], %swap3A_585 {strides = array<i32>} : memref<50x128xf32, #tpu.memory_space<vmem>>, vector<1x16xf32>,
      }
      %scan3A_112 = arith.constant 25 : i32
      %add3A_113 = arith.constant 8 : i32
      %add3A_114 = arith.addi %add3A_98, %add3A_113 : i32
      %lt3A = arith.constant 128 : i32
      %lt3A_115 = arith.cmpi slt, %add3A_114, %lt3A : i32
      %convert_element_type3A_116 = arith.extui %lt3A_115 : i1 to i32
      %cond3A_117 = arith.constant 0 : i32
      %cond3A_118 = arith.cmpi ne, %convert_element_type3A_116, %cond3A_117 : i32
      scf.if %cond3A_118 {
        %dma_start3A_387 = arith.constant 0 : i32
        %dma_start3A_388 = tpu.memref_slice %arg5[%add3A_114, %dma_start3A_387] : memref<128x50xi32, #tpu.memory_space<vmem>> -> memref<1x50xi32, #tpu.memory_space<vmem>>
        %dma_start3A_389 = tpu.memref_squeeze %dma_start3A_388 : memref<1x50xi32, #tpu.memory_space<vmem>> -> memref<50xi32, #tpu.memory_space<vmem>>
        %dma_start3A_390 = arith.constant 0 : i32
        %dma_start3A_391 = arith.constant 0 : i32
        %dma_start3A_392 = tpu.memref_slice %arg3[%dma_start3A_390, %dma_start3A_391] : memref<100000x128xf32, #tpu.memory_space<hbm>> -> memref<100000x128xf32, #tpu.memory_space<hbm>>
        tpu.enqueue_indirect_dma source(%dma_start3A_392 : memref<100000x128xf32, #tpu.memory_space<hbm>>) target(%arg6 : memref<50x128xf32, #tpu.memory_space<vmem>>) offsets(%dma_start3A_389 : memref<50xi32, #tpu.memory_space<vmem>>) semaphore(%arg18 : memref<!tpu.dma_semaphore, #tpu.memory_space<semaphore_mem>>)
      } else {
      }
      %add3A_119 = arith.addi %mul3A_2, %add3A_98 : i32
      %dma_start3A_120 = arith.constant 0 : i32
      %dma_start3A_121 = arith.constant 0 : i32
      %dma_start3A_122 = tpu.memref_slice %arg4[%add3A_119, %dma_start3A_120, %dma_start3A_121] : memref<4096x50x128xf32, #tpu.memory_space<hbm>> -> memref<1x50x128xf32, #tpu.memory_space<hbm>>
      %dma_start3A_123 = tpu.memref_squeeze %dma_start3A_122 : memref<1x50x128xf32, #tpu.memory_space<hbm>> -> memref<50x128xf32, #tpu.memory_space<hbm>>
      %dma_start3A_124 = arith.constant 0 : i32
      %dma_start3A_125 = arith.constant 0 : i32
      %dma_start3A_126 = tpu.memref_slice %arg4[%add3A_119, %dma_start3A_124, %dma_start3A_125] : memref<4096x50x128xf32, #tpu.memory_space<hbm>> -> memref<1x50x128xf32, #tpu.memory_space<hbm>>
      %dma_start3A_127 = tpu.memref_squeeze %dma_start3A_126 : memref<1x50x128xf32, #tpu.memory_space<hbm>> -> memref<50x128xf32, #tpu.memory_space<hbm>>
      tpu.enqueue_dma source(%arg14 : memref<50x128xf32, #tpu.memory_space<vmem>>) target(%dma_start3A_127 : memref<50x128xf32, #tpu.memory_space<hbm>>) target_semaphore(%arg26 : memref<!tpu.dma_semaphore, #tpu.memory_space<semaphore_mem>>)
      %mul3A_128 = arith.constant 8 : i32
      %mul3A_129 = arith.muli %scan3A_94, %mul3A_128 : i32
      %add3A_130 = arith.constant 1 : i32
      %add3A_131 = arith.addi %mul3A_129, %add3A_130 : i32
      %dma_wait3A_132 = arith.constant 0 : i32
      %dma_wait3A_133 = tpu.memref_slice %arg5[%add3A_131, %dma_wait3A_132] : memref<128x50xi32, #tpu.memory_space<vmem>> -> memref<1x50xi32, #tpu.memory_space<vmem>>
      %dma_wait3A_134 = tpu.memref_squeeze %dma_wait3A_133 : memref<1x50xi32, #tpu.memory_space<vmem>> -> memref<50xi32, #tpu.memory_space<vmem>>
      %dma_wait3A_135 = arith.constant 0 : i32
      %dma_wait3A_136 = arith.constant 0 : i32
      %dma_wait3A_137 = tpu.memref_slice %arg3[%dma_wait3A_135, %dma_wait3A_136] : memref<100000x128xf32, #tpu.memory_space<hbm>> -> memref<100000x128xf32, #tpu.memory_space<hbm>>
      tpu.wait_indirect_dma semaphore(%arg19 : memref<!tpu.dma_semaphore, #tpu.memory_space<semaphore_mem>>) src(%dma_wait3A_137 : memref<100000x128xf32, #tpu.memory_space<hbm>>) dst(%arg7 : memref<50x128xf32, #tpu.memory_space<vmem>>)
      %ge3A_138 = arith.constant 4 : i32
      %ge3A_139 = arith.cmpi sge, %add3A_131, %ge3A_138 : i32
      %convert_element_type3A_140 = arith.extui %ge3A_139 : i1 to i32
      %cond3A_141 = arith.constant 0 : i32
      %cond3A_142 = arith.cmpi ne, %convert_element_type3A_140, %cond3A_141 : i32
      scf.if %cond3A_142 {
        %dma_wait3A_387 = arith.constant 0 : i32
        %dma_wait3A_388 = arith.constant 0 : i32
        %dma_wait3A_389 = tpu.memref_slice %arg4[%mul3A_2, %dma_wait3A_387, %dma_wait3A_388] : memref<4096x50x128xf32, #tpu.memory_space<hbm>> -> memref<1x50x128xf32, #tpu.memory_space<hbm>>
        %dma_wait3A_390 = tpu.memref_squeeze %dma_wait3A_389 : memref<1x50x128xf32, #tpu.memory_space<hbm>> -> memref<50x128xf32, #tpu.memory_space<hbm>>
        %dma_wait3A_391 = arith.constant 0 : i32
        %dma_wait3A_392 = arith.constant 0 : i32
        %dma_wait3A_393 = tpu.memref_slice %arg4[%mul3A_2, %dma_wait3A_391, %dma_wait3A_392] : memref<4096x50x128xf32, #tpu.memory_space<hbm>> -> memref<1x50x128xf32, #tpu.memory_space<hbm>>
        %dma_wait3A_394 = tpu.memref_squeeze %dma_wait3A_393 : memref<1x50x128xf32, #tpu.memory_space<hbm>> -> memref<50x128xf32, #tpu.memory_space<hbm>>
        tpu.wait_dma2 semaphore(%arg27 : memref<!tpu.dma_semaphore, #tpu.memory_space<semaphore_mem>>) src(%arg15 : memref<50x128xf32, #tpu.memory_space<vmem>>) dst(%dma_wait3A_394 : memref<50x128xf32, #tpu.memory_space<hbm>>)
      } else {
      }
      %scan3A_143 = arith.constant 0 : i32
      %scan3A_144 = arith.constant 0 : i32
      %scan3A_145 = arith.constant 25 : i32
      %scan3A_146 = arith.addi %scan3A_144, %scan3A_145 : i32
      %scan3A_147 = arith.constant 1 : i32
      scf.for %scan3A_387 = %scan3A_144 to %scan3A_146 step %scan3A_147  : i32 {
        %mul3A_388 = arith.constant 2 : i32
        %mul3A_389 = arith.muli %scan3A_387, %mul3A_388 : i32
        %add3A_390 = arith.constant 0 : i32
        %add3A_391 = arith.addi %mul3A_389, %add3A_390 : i32
        %get3A = arith.index_cast %add3A_391 : i32 to index
        %get3A_392 = arith.constant 0 : index
        %get3A_393 = tpu.vector_load %arg7[%get3A, %get3A_392] {strides = array<i32>} : memref<50x128xf32, #tpu.memory_space<vmem>>, vector<1x16xf32>,
        %get3A_394 = vector.shape_cast %get3A_393 : vector<1x16xf32> to vector<16xf32>
        %mul3A_395 = arith.constant 11.3137083 : f32
        %mul3A_396 = vector.broadcast %mul3A_395 : f32 to vector<16xf32>
        %mul3A_397 = arith.mulf %get3A_394, %mul3A_396 : vector<16xf32>
        %swap3A = arith.index_cast %add3A_391 : i32 to index
        %swap3A_398 = arith.constant 0 : index
        %swap3A_399 = tpu.vector_load %arg15[%swap3A, %swap3A_398] {strides = array<i32>} : memref<50x128xf32, #tpu.memory_space<vmem>>, vector<1x16xf32>,
        %swap3A_400 = vector.shape_cast %swap3A_399 : vector<1x16xf32> to vector<16xf32>
        %swap3A_401 = vector.shape_cast %mul3A_397 : vector<16xf32> to vector<1x16xf32>
        tpu.vector_store %arg15[%swap3A, %swap3A_398], %swap3A_401 {strides = array<i32>} : memref<50x128xf32, #tpu.memory_space<vmem>>, vector<1x16xf32>,
        %get3A_402 = arith.index_cast %add3A_391 : i32 to index
        %get3A_403 = arith.constant 16 : index
        %get3A_404 = tpu.vector_load %arg7[%get3A_402, %get3A_403] {strides = array<i32>} : memref<50x128xf32, #tpu.memory_space<vmem>>, vector<1x16xf32>,
        %get3A_405 = vector.shape_cast %get3A_404 : vector<1x16xf32> to vector<16xf32>
        %mul3A_406 = arith.constant 11.3137083 : f32
        %mul3A_407 = vector.broadcast %mul3A_406 : f32 to vector<16xf32>
        %mul3A_408 = arith.mulf %get3A_405, %mul3A_407 : vector<16xf32>
        %swap3A_409 = arith.index_cast %add3A_391 : i32 to index
        %swap3A_410 = arith.constant 16 : index
        %swap3A_411 = tpu.vector_load %arg15[%swap3A_409, %swap3A_410] {strides = array<i32>} : memref<50x128xf32, #tpu.memory_space<vmem>>, vector<1x16xf32>,
        %swap3A_412 = vector.shape_cast %swap3A_411 : vector<1x16xf32> to vector<16xf32>
        %swap3A_413 = vector.shape_cast %mul3A_408 : vector<16xf32> to vector<1x16xf32>
        tpu.vector_store %arg15[%swap3A_409, %swap3A_410], %swap3A_413 {strides = array<i32>} : memref<50x128xf32, #tpu.memory_space<vmem>>, vector<1x16xf32>,
        %get3A_414 = arith.index_cast %add3A_391 : i32 to index
        %get3A_415 = arith.constant 32 : index
        %get3A_416 = tpu.vector_load %arg7[%get3A_414, %get3A_415] {strides = array<i32>} : memref<50x128xf32, #tpu.memory_space<vmem>>, vector<1x16xf32>,
        %get3A_417 = vector.shape_cast %get3A_416 : vector<1x16xf32> to vector<16xf32>
        %mul3A_418 = arith.constant 11.3137083 : f32
        %mul3A_419 = vector.broadcast %mul3A_418 : f32 to vector<16xf32>
        %mul3A_420 = arith.mulf %get3A_417, %mul3A_419 : vector<16xf32>
        %swap3A_421 = arith.index_cast %add3A_391 : i32 to index
        %swap3A_422 = arith.constant 32 : index
        %swap3A_423 = tpu.vector_load %arg15[%swap3A_421, %swap3A_422] {strides = array<i32>} : memref<50x128xf32, #tpu.memory_space<vmem>>, vector<1x16xf32>,
        %swap3A_424 = vector.shape_cast %swap3A_423 : vector<1x16xf32> to vector<16xf32>
        %swap3A_425 = vector.shape_cast %mul3A_420 : vector<16xf32> to vector<1x16xf32>
        tpu.vector_store %arg15[%swap3A_421, %swap3A_422], %swap3A_425 {strides = array<i32>} : memref<50x128xf32, #tpu.memory_space<vmem>>, vector<1x16xf32>,
        %get3A_426 = arith.index_cast %add3A_391 : i32 to index
        %get3A_427 = arith.constant 48 : index
        %get3A_428 = tpu.vector_load %arg7[%get3A_426, %get3A_427] {strides = array<i32>} : memref<50x128xf32, #tpu.memory_space<vmem>>, vector<1x16xf32>,
        %get3A_429 = vector.shape_cast %get3A_428 : vector<1x16xf32> to vector<16xf32>
        %mul3A_430 = arith.constant 11.3137083 : f32
        %mul3A_431 = vector.broadcast %mul3A_430 : f32 to vector<16xf32>
        %mul3A_432 = arith.mulf %get3A_429, %mul3A_431 : vector<16xf32>
        %swap3A_433 = arith.index_cast %add3A_391 : i32 to index
        %swap3A_434 = arith.constant 48 : index
        %swap3A_435 = tpu.vector_load %arg15[%swap3A_433, %swap3A_434] {strides = array<i32>} : memref<50x128xf32, #tpu.memory_space<vmem>>, vector<1x16xf32>,
        %swap3A_436 = vector.shape_cast %swap3A_435 : vector<1x16xf32> to vector<16xf32>
        %swap3A_437 = vector.shape_cast %mul3A_432 : vector<16xf32> to vector<1x16xf32>
        tpu.vector_store %arg15[%swap3A_433, %swap3A_434], %swap3A_437 {strides = array<i32>} : memref<50x128xf32, #tpu.memory_space<vmem>>, vector<1x16xf32>,
        %get3A_438 = arith.index_cast %add3A_391 : i32 to index
        %get3A_439 = arith.constant 64 : index
        %get3A_440 = tpu.vector_load %arg7[%get3A_438, %get3A_439] {strides = array<i32>} : memref<50x128xf32, #tpu.memory_space<vmem>>, vector<1x16xf32>,
        %get3A_441 = vector.shape_cast %get3A_440 : vector<1x16xf32> to vector<16xf32>
        %mul3A_442 = arith.constant 11.3137083 : f32
        %mul3A_443 = vector.broadcast %mul3A_442 : f32 to vector<16xf32>
        %mul3A_444 = arith.mulf %get3A_441, %mul3A_443 : vector<16xf32>
        %swap3A_445 = arith.index_cast %add3A_391 : i32 to index
        %swap3A_446 = arith.constant 64 : index
        %swap3A_447 = tpu.vector_load %arg15[%swap3A_445, %swap3A_446] {strides = array<i32>} : memref<50x128xf32, #tpu.memory_space<vmem>>, vector<1x16xf32>,
        %swap3A_448 = vector.shape_cast %swap3A_447 : vector<1x16xf32> to vector<16xf32>
        %swap3A_449 = vector.shape_cast %mul3A_444 : vector<16xf32> to vector<1x16xf32>
        tpu.vector_store %arg15[%swap3A_445, %swap3A_446], %swap3A_449 {strides = array<i32>} : memref<50x128xf32, #tpu.memory_space<vmem>>, vector<1x16xf32>,
        %get3A_450 = arith.index_cast %add3A_391 : i32 to index
        %get3A_451 = arith.constant 80 : index
        %get3A_452 = tpu.vector_load %arg7[%get3A_450, %get3A_451] {strides = array<i32>} : memref<50x128xf32, #tpu.memory_space<vmem>>, vector<1x16xf32>,
        %get3A_453 = vector.shape_cast %get3A_452 : vector<1x16xf32> to vector<16xf32>
        %mul3A_454 = arith.constant 11.3137083 : f32
        %mul3A_455 = vector.broadcast %mul3A_454 : f32 to vector<16xf32>
        %mul3A_456 = arith.mulf %get3A_453, %mul3A_455 : vector<16xf32>
        %swap3A_457 = arith.index_cast %add3A_391 : i32 to index
        %swap3A_458 = arith.constant 80 : index
        %swap3A_459 = tpu.vector_load %arg15[%swap3A_457, %swap3A_458] {strides = array<i32>} : memref<50x128xf32, #tpu.memory_space<vmem>>, vector<1x16xf32>,
        %swap3A_460 = vector.shape_cast %swap3A_459 : vector<1x16xf32> to vector<16xf32>
        %swap3A_461 = vector.shape_cast %mul3A_456 : vector<16xf32> to vector<1x16xf32>
        tpu.vector_store %arg15[%swap3A_457, %swap3A_458], %swap3A_461 {strides = array<i32>} : memref<50x128xf32, #tpu.memory_space<vmem>>, vector<1x16xf32>,
        %get3A_462 = arith.index_cast %add3A_391 : i32 to index
        %get3A_463 = arith.constant 96 : index
        %get3A_464 = tpu.vector_load %arg7[%get3A_462, %get3A_463] {strides = array<i32>} : memref<50x128xf32, #tpu.memory_space<vmem>>, vector<1x16xf32>,
        %get3A_465 = vector.shape_cast %get3A_464 : vector<1x16xf32> to vector<16xf32>
        %mul3A_466 = arith.constant 11.3137083 : f32
        %mul3A_467 = vector.broadcast %mul3A_466 : f32 to vector<16xf32>
        %mul3A_468 = arith.mulf %get3A_465, %mul3A_467 : vector<16xf32>
        %swap3A_469 = arith.index_cast %add3A_391 : i32 to index
        %swap3A_470 = arith.constant 96 : index
        %swap3A_471 = tpu.vector_load %arg15[%swap3A_469, %swap3A_470] {strides = array<i32>} : memref<50x128xf32, #tpu.memory_space<vmem>>, vector<1x16xf32>,
        %swap3A_472 = vector.shape_cast %swap3A_471 : vector<1x16xf32> to vector<16xf32>
        %swap3A_473 = vector.shape_cast %mul3A_468 : vector<16xf32> to vector<1x16xf32>
        tpu.vector_store %arg15[%swap3A_469, %swap3A_470], %swap3A_473 {strides = array<i32>} : memref<50x128xf32, #tpu.memory_space<vmem>>, vector<1x16xf32>,
        %get3A_474 = arith.index_cast %add3A_391 : i32 to index
        %get3A_475 = arith.constant 112 : index
        %get3A_476 = tpu.vector_load %arg7[%get3A_474, %get3A_475] {strides = array<i32>} : memref<50x128xf32, #tpu.memory_space<vmem>>, vector<1x16xf32>,
        %get3A_477 = vector.shape_cast %get3A_476 : vector<1x16xf32> to vector<16xf32>
        %mul3A_478 = arith.constant 11.3137083 : f32
        %mul3A_479 = vector.broadcast %mul3A_478 : f32 to vector<16xf32>
        %mul3A_480 = arith.mulf %get3A_477, %mul3A_479 : vector<16xf32>
        %swap3A_481 = arith.index_cast %add3A_391 : i32 to index
        %swap3A_482 = arith.constant 112 : index
        %swap3A_483 = tpu.vector_load %arg15[%swap3A_481, %swap3A_482] {strides = array<i32>} : memref<50x128xf32, #tpu.memory_space<vmem>>, vector<1x16xf32>,
        %swap3A_484 = vector.shape_cast %swap3A_483 : vector<1x16xf32> to vector<16xf32>
        %swap3A_485 = vector.shape_cast %mul3A_480 : vector<16xf32> to vector<1x16xf32>
        tpu.vector_store %arg15[%swap3A_481, %swap3A_482], %swap3A_485 {strides = array<i32>} : memref<50x128xf32, #tpu.memory_space<vmem>>, vector<1x16xf32>,
        %mul3A_486 = arith.constant 2 : i32
        %mul3A_487 = arith.muli %scan3A_387, %mul3A_486 : i32
        %add3A_488 = arith.constant 1 : i32
        %add3A_489 = arith.addi %mul3A_487, %add3A_488 : i32
        %get3A_490 = arith.index_cast %add3A_489 : i32 to index
        %get3A_491 = arith.constant 0 : index
        %get3A_492 = tpu.vector_load %arg7[%get3A_490, %get3A_491] {strides = array<i32>} : memref<50x128xf32, #tpu.memory_space<vmem>>, vector<1x16xf32>,
        %get3A_493 = vector.shape_cast %get3A_492 : vector<1x16xf32> to vector<16xf32>
        %mul3A_494 = arith.constant 11.3137083 : f32
        %mul3A_495 = vector.broadcast %mul3A_494 : f32 to vector<16xf32>
        %mul3A_496 = arith.mulf %get3A_493, %mul3A_495 : vector<16xf32>
        %swap3A_497 = arith.index_cast %add3A_489 : i32 to index
        %swap3A_498 = arith.constant 0 : index
        %swap3A_499 = tpu.vector_load %arg15[%swap3A_497, %swap3A_498] {strides = array<i32>} : memref<50x128xf32, #tpu.memory_space<vmem>>, vector<1x16xf32>,
        %swap3A_500 = vector.shape_cast %swap3A_499 : vector<1x16xf32> to vector<16xf32>
        %swap3A_501 = vector.shape_cast %mul3A_496 : vector<16xf32> to vector<1x16xf32>
        tpu.vector_store %arg15[%swap3A_497, %swap3A_498], %swap3A_501 {strides = array<i32>} : memref<50x128xf32, #tpu.memory_space<vmem>>, vector<1x16xf32>,
        %get3A_502 = arith.index_cast %add3A_489 : i32 to index
        %get3A_503 = arith.constant 16 : index
        %get3A_504 = tpu.vector_load %arg7[%get3A_502, %get3A_503] {strides = array<i32>} : memref<50x128xf32, #tpu.memory_space<vmem>>, vector<1x16xf32>,
        %get3A_505 = vector.shape_cast %get3A_504 : vector<1x16xf32> to vector<16xf32>
        %mul3A_506 = arith.constant 11.3137083 : f32
        %mul3A_507 = vector.broadcast %mul3A_506 : f32 to vector<16xf32>
        %mul3A_508 = arith.mulf %get3A_505, %mul3A_507 : vector<16xf32>
        %swap3A_509 = arith.index_cast %add3A_489 : i32 to index
        %swap3A_510 = arith.constant 16 : index
        %swap3A_511 = tpu.vector_load %arg15[%swap3A_509, %swap3A_510] {strides = array<i32>} : memref<50x128xf32, #tpu.memory_space<vmem>>, vector<1x16xf32>,
        %swap3A_512 = vector.shape_cast %swap3A_511 : vector<1x16xf32> to vector<16xf32>
        %swap3A_513 = vector.shape_cast %mul3A_508 : vector<16xf32> to vector<1x16xf32>
        tpu.vector_store %arg15[%swap3A_509, %swap3A_510], %swap3A_513 {strides = array<i32>} : memref<50x128xf32, #tpu.memory_space<vmem>>, vector<1x16xf32>,
        %get3A_514 = arith.index_cast %add3A_489 : i32 to index
        %get3A_515 = arith.constant 32 : index
        %get3A_516 = tpu.vector_load %arg7[%get3A_514, %get3A_515] {strides = array<i32>} : memref<50x128xf32, #tpu.memory_space<vmem>>, vector<1x16xf32>,
        %get3A_517 = vector.shape_cast %get3A_516 : vector<1x16xf32> to vector<16xf32>
        %mul3A_518 = arith.constant 11.3137083 : f32
        %mul3A_519 = vector.broadcast %mul3A_518 : f32 to vector<16xf32>
        %mul3A_520 = arith.mulf %get3A_517, %mul3A_519 : vector<16xf32>
        %swap3A_521 = arith.index_cast %add3A_489 : i32 to index
        %swap3A_522 = arith.constant 32 : index
        %swap3A_523 = tpu.vector_load %arg15[%swap3A_521, %swap3A_522] {strides = array<i32>} : memref<50x128xf32, #tpu.memory_space<vmem>>, vector<1x16xf32>,
        %swap3A_524 = vector.shape_cast %swap3A_523 : vector<1x16xf32> to vector<16xf32>
        %swap3A_525 = vector.shape_cast %mul3A_520 : vector<16xf32> to vector<1x16xf32>
        tpu.vector_store %arg15[%swap3A_521, %swap3A_522], %swap3A_525 {strides = array<i32>} : memref<50x128xf32, #tpu.memory_space<vmem>>, vector<1x16xf32>,
        %get3A_526 = arith.index_cast %add3A_489 : i32 to index
        %get3A_527 = arith.constant 48 : index
        %get3A_528 = tpu.vector_load %arg7[%get3A_526, %get3A_527] {strides = array<i32>} : memref<50x128xf32, #tpu.memory_space<vmem>>, vector<1x16xf32>,
        %get3A_529 = vector.shape_cast %get3A_528 : vector<1x16xf32> to vector<16xf32>
        %mul3A_530 = arith.constant 11.3137083 : f32
        %mul3A_531 = vector.broadcast %mul3A_530 : f32 to vector<16xf32>
        %mul3A_532 = arith.mulf %get3A_529, %mul3A_531 : vector<16xf32>
        %swap3A_533 = arith.index_cast %add3A_489 : i32 to index
        %swap3A_534 = arith.constant 48 : index
        %swap3A_535 = tpu.vector_load %arg15[%swap3A_533, %swap3A_534] {strides = array<i32>} : memref<50x128xf32, #tpu.memory_space<vmem>>, vector<1x16xf32>,
        %swap3A_536 = vector.shape_cast %swap3A_535 : vector<1x16xf32> to vector<16xf32>
        %swap3A_537 = vector.shape_cast %mul3A_532 : vector<16xf32> to vector<1x16xf32>
        tpu.vector_store %arg15[%swap3A_533, %swap3A_534], %swap3A_537 {strides = array<i32>} : memref<50x128xf32, #tpu.memory_space<vmem>>, vector<1x16xf32>,
        %get3A_538 = arith.index_cast %add3A_489 : i32 to index
        %get3A_539 = arith.constant 64 : index
        %get3A_540 = tpu.vector_load %arg7[%get3A_538, %get3A_539] {strides = array<i32>} : memref<50x128xf32, #tpu.memory_space<vmem>>, vector<1x16xf32>,
        %get3A_541 = vector.shape_cast %get3A_540 : vector<1x16xf32> to vector<16xf32>
        %mul3A_542 = arith.constant 11.3137083 : f32
        %mul3A_543 = vector.broadcast %mul3A_542 : f32 to vector<16xf32>
        %mul3A_544 = arith.mulf %get3A_541, %mul3A_543 : vector<16xf32>
        %swap3A_545 = arith.index_cast %add3A_489 : i32 to index
        %swap3A_546 = arith.constant 64 : index
        %swap3A_547 = tpu.vector_load %arg15[%swap3A_545, %swap3A_546] {strides = array<i32>} : memref<50x128xf32, #tpu.memory_space<vmem>>, vector<1x16xf32>,
        %swap3A_548 = vector.shape_cast %swap3A_547 : vector<1x16xf32> to vector<16xf32>
        %swap3A_549 = vector.shape_cast %mul3A_544 : vector<16xf32> to vector<1x16xf32>
        tpu.vector_store %arg15[%swap3A_545, %swap3A_546], %swap3A_549 {strides = array<i32>} : memref<50x128xf32, #tpu.memory_space<vmem>>, vector<1x16xf32>,
        %get3A_550 = arith.index_cast %add3A_489 : i32 to index
        %get3A_551 = arith.constant 80 : index
        %get3A_552 = tpu.vector_load %arg7[%get3A_550, %get3A_551] {strides = array<i32>} : memref<50x128xf32, #tpu.memory_space<vmem>>, vector<1x16xf32>,
        %get3A_553 = vector.shape_cast %get3A_552 : vector<1x16xf32> to vector<16xf32>
        %mul3A_554 = arith.constant 11.3137083 : f32
        %mul3A_555 = vector.broadcast %mul3A_554 : f32 to vector<16xf32>
        %mul3A_556 = arith.mulf %get3A_553, %mul3A_555 : vector<16xf32>
        %swap3A_557 = arith.index_cast %add3A_489 : i32 to index
        %swap3A_558 = arith.constant 80 : index
        %swap3A_559 = tpu.vector_load %arg15[%swap3A_557, %swap3A_558] {strides = array<i32>} : memref<50x128xf32, #tpu.memory_space<vmem>>, vector<1x16xf32>,
        %swap3A_560 = vector.shape_cast %swap3A_559 : vector<1x16xf32> to vector<16xf32>
        %swap3A_561 = vector.shape_cast %mul3A_556 : vector<16xf32> to vector<1x16xf32>
        tpu.vector_store %arg15[%swap3A_557, %swap3A_558], %swap3A_561 {strides = array<i32>} : memref<50x128xf32, #tpu.memory_space<vmem>>, vector<1x16xf32>,
        %get3A_562 = arith.index_cast %add3A_489 : i32 to index
        %get3A_563 = arith.constant 96 : index
        %get3A_564 = tpu.vector_load %arg7[%get3A_562, %get3A_563] {strides = array<i32>} : memref<50x128xf32, #tpu.memory_space<vmem>>, vector<1x16xf32>,
        %get3A_565 = vector.shape_cast %get3A_564 : vector<1x16xf32> to vector<16xf32>
        %mul3A_566 = arith.constant 11.3137083 : f32
        %mul3A_567 = vector.broadcast %mul3A_566 : f32 to vector<16xf32>
        %mul3A_568 = arith.mulf %get3A_565, %mul3A_567 : vector<16xf32>
        %swap3A_569 = arith.index_cast %add3A_489 : i32 to index
        %swap3A_570 = arith.constant 96 : index
        %swap3A_571 = tpu.vector_load %arg15[%swap3A_569, %swap3A_570] {strides = array<i32>} : memref<50x128xf32, #tpu.memory_space<vmem>>, vector<1x16xf32>,
        %swap3A_572 = vector.shape_cast %swap3A_571 : vector<1x16xf32> to vector<16xf32>
        %swap3A_573 = vector.shape_cast %mul3A_568 : vector<16xf32> to vector<1x16xf32>
        tpu.vector_store %arg15[%swap3A_569, %swap3A_570], %swap3A_573 {strides = array<i32>} : memref<50x128xf32, #tpu.memory_space<vmem>>, vector<1x16xf32>,
        %get3A_574 = arith.index_cast %add3A_489 : i32 to index
        %get3A_575 = arith.constant 112 : index
        %get3A_576 = tpu.vector_load %arg7[%get3A_574, %get3A_575] {strides = array<i32>} : memref<50x128xf32, #tpu.memory_space<vmem>>, vector<1x16xf32>,
        %get3A_577 = vector.shape_cast %get3A_576 : vector<1x16xf32> to vector<16xf32>
        %mul3A_578 = arith.constant 11.3137083 : f32
        %mul3A_579 = vector.broadcast %mul3A_578 : f32 to vector<16xf32>
        %mul3A_580 = arith.mulf %get3A_577, %mul3A_579 : vector<16xf32>
        %swap3A_581 = arith.index_cast %add3A_489 : i32 to index
        %swap3A_582 = arith.constant 112 : index
        %swap3A_583 = tpu.vector_load %arg15[%swap3A_581, %swap3A_582] {strides = array<i32>} : memref<50x128xf32, #tpu.memory_space<vmem>>, vector<1x16xf32>,
        %swap3A_584 = vector.shape_cast %swap3A_583 : vector<1x16xf32> to vector<16xf32>
        %swap3A_585 = vector.shape_cast %mul3A_580 : vector<16xf32> to vector<1x16xf32>
        tpu.vector_store %arg15[%swap3A_581, %swap3A_582], %swap3A_585 {strides = array<i32>} : memref<50x128xf32, #tpu.memory_space<vmem>>, vector<1x16xf32>,
      }
      %scan3A_148 = arith.constant 25 : i32
      %add3A_149 = arith.constant 8 : i32
      %add3A_150 = arith.addi %add3A_131, %add3A_149 : i32
      %lt3A_151 = arith.constant 128 : i32
      %lt3A_152 = arith.cmpi slt, %add3A_150, %lt3A_151 : i32
      %convert_element_type3A_153 = arith.extui %lt3A_152 : i1 to i32
      %cond3A_154 = arith.constant 0 : i32
      %cond3A_155 = arith.cmpi ne, %convert_element_type3A_153, %cond3A_154 : i32
      scf.if %cond3A_155 {
        %dma_start3A_387 = arith.constant 0 : i32
        %dma_start3A_388 = tpu.memref_slice %arg5[%add3A_150, %dma_start3A_387] : memref<128x50xi32, #tpu.memory_space<vmem>> -> memref<1x50xi32, #tpu.memory_space<vmem>>
        %dma_start3A_389 = tpu.memref_squeeze %dma_start3A_388 : memref<1x50xi32, #tpu.memory_space<vmem>> -> memref<50xi32, #tpu.memory_space<vmem>>
        %dma_start3A_390 = arith.constant 0 : i32
        %dma_start3A_391 = arith.constant 0 : i32
        %dma_start3A_392 = tpu.memref_slice %arg3[%dma_start3A_390, %dma_start3A_391] : memref<100000x128xf32, #tpu.memory_space<hbm>> -> memref<100000x128xf32, #tpu.memory_space<hbm>>
        tpu.enqueue_indirect_dma source(%dma_start3A_392 : memref<100000x128xf32, #tpu.memory_space<hbm>>) target(%arg7 : memref<50x128xf32, #tpu.memory_space<vmem>>) offsets(%dma_start3A_389 : memref<50xi32, #tpu.memory_space<vmem>>) semaphore(%arg19 : memref<!tpu.dma_semaphore, #tpu.memory_space<semaphore_mem>>)
      } else {
      }
      %add3A_156 = arith.addi %mul3A_2, %add3A_131 : i32
      %dma_start3A_157 = arith.constant 0 : i32
      %dma_start3A_158 = arith.constant 0 : i32
      %dma_start3A_159 = tpu.memref_slice %arg4[%add3A_156, %dma_start3A_157, %dma_start3A_158] : memref<4096x50x128xf32, #tpu.memory_space<hbm>> -> memref<1x50x128xf32, #tpu.memory_space<hbm>>
      %dma_start3A_160 = tpu.memref_squeeze %dma_start3A_159 : memref<1x50x128xf32, #tpu.memory_space<hbm>> -> memref<50x128xf32, #tpu.memory_space<hbm>>
      %dma_start3A_161 = arith.constant 0 : i32
      %dma_start3A_162 = arith.constant 0 : i32
      %dma_start3A_163 = tpu.memref_slice %arg4[%add3A_156, %dma_start3A_161, %dma_start3A_162] : memref<4096x50x128xf32, #tpu.memory_space<hbm>> -> memref<1x50x128xf32, #tpu.memory_space<hbm>>
      %dma_start3A_164 = tpu.memref_squeeze %dma_start3A_163 : memref<1x50x128xf32, #tpu.memory_space<hbm>> -> memref<50x128xf32, #tpu.memory_space<hbm>>
      tpu.enqueue_dma source(%arg15 : memref<50x128xf32, #tpu.memory_space<vmem>>) target(%dma_start3A_164 : memref<50x128xf32, #tpu.memory_space<hbm>>) target_semaphore(%arg27 : memref<!tpu.dma_semaphore, #tpu.memory_space<semaphore_mem>>)
      %mul3A_165 = arith.constant 8 : i32
      %mul3A_166 = arith.muli %scan3A_94, %mul3A_165 : i32
      %add3A_167 = arith.constant 2 : i32
      %add3A_168 = arith.addi %mul3A_166, %add3A_167 : i32
      %dma_wait3A_169 = arith.constant 0 : i32
      %dma_wait3A_170 = tpu.memref_slice %arg5[%add3A_168, %dma_wait3A_169] : memref<128x50xi32, #tpu.memory_space<vmem>> -> memref<1x50xi32, #tpu.memory_space<vmem>>
      %dma_wait3A_171 = tpu.memref_squeeze %dma_wait3A_170 : memref<1x50xi32, #tpu.memory_space<vmem>> -> memref<50xi32, #tpu.memory_space<vmem>>
      %dma_wait3A_172 = arith.constant 0 : i32
      %dma_wait3A_173 = arith.constant 0 : i32
      %dma_wait3A_174 = tpu.memref_slice %arg3[%dma_wait3A_172, %dma_wait3A_173] : memref<100000x128xf32, #tpu.memory_space<hbm>> -> memref<100000x128xf32, #tpu.memory_space<hbm>>
      tpu.wait_indirect_dma semaphore(%arg20 : memref<!tpu.dma_semaphore, #tpu.memory_space<semaphore_mem>>) src(%dma_wait3A_174 : memref<100000x128xf32, #tpu.memory_space<hbm>>) dst(%arg8 : memref<50x128xf32, #tpu.memory_space<vmem>>)
      %ge3A_175 = arith.constant 4 : i32
      %ge3A_176 = arith.cmpi sge, %add3A_168, %ge3A_175 : i32
      %convert_element_type3A_177 = arith.extui %ge3A_176 : i1 to i32
      %cond3A_178 = arith.constant 0 : i32
      %cond3A_179 = arith.cmpi ne, %convert_element_type3A_177, %cond3A_178 : i32
      scf.if %cond3A_179 {
        %dma_wait3A_387 = arith.constant 0 : i32
        %dma_wait3A_388 = arith.constant 0 : i32
        %dma_wait3A_389 = tpu.memref_slice %arg4[%mul3A_2, %dma_wait3A_387, %dma_wait3A_388] : memref<4096x50x128xf32, #tpu.memory_space<hbm>> -> memref<1x50x128xf32, #tpu.memory_space<hbm>>
        %dma_wait3A_390 = tpu.memref_squeeze %dma_wait3A_389 : memref<1x50x128xf32, #tpu.memory_space<hbm>> -> memref<50x128xf32, #tpu.memory_space<hbm>>
        %dma_wait3A_391 = arith.constant 0 : i32
        %dma_wait3A_392 = arith.constant 0 : i32
        %dma_wait3A_393 = tpu.memref_slice %arg4[%mul3A_2, %dma_wait3A_391, %dma_wait3A_392] : memref<4096x50x128xf32, #tpu.memory_space<hbm>> -> memref<1x50x128xf32, #tpu.memory_space<hbm>>
        %dma_wait3A_394 = tpu.memref_squeeze %dma_wait3A_393 : memref<1x50x128xf32, #tpu.memory_space<hbm>> -> memref<50x128xf32, #tpu.memory_space<hbm>>
        tpu.wait_dma2 semaphore(%arg28 : memref<!tpu.dma_semaphore, #tpu.memory_space<semaphore_mem>>) src(%arg16 : memref<50x128xf32, #tpu.memory_space<vmem>>) dst(%dma_wait3A_394 : memref<50x128xf32, #tpu.memory_space<hbm>>)
      } else {
      }
      %scan3A_180 = arith.constant 0 : i32
      %scan3A_181 = arith.constant 0 : i32
      %scan3A_182 = arith.constant 25 : i32
      %scan3A_183 = arith.addi %scan3A_181, %scan3A_182 : i32
      %scan3A_184 = arith.constant 1 : i32
      scf.for %scan3A_387 = %scan3A_181 to %scan3A_183 step %scan3A_184  : i32 {
        %mul3A_388 = arith.constant 2 : i32
        %mul3A_389 = arith.muli %scan3A_387, %mul3A_388 : i32
        %add3A_390 = arith.constant 0 : i32
        %add3A_391 = arith.addi %mul3A_389, %add3A_390 : i32
        %get3A = arith.index_cast %add3A_391 : i32 to index
        %get3A_392 = arith.constant 0 : index
        %get3A_393 = tpu.vector_load %arg8[%get3A, %get3A_392] {strides = array<i32>} : memref<50x128xf32, #tpu.memory_space<vmem>>, vector<1x16xf32>,
        %get3A_394 = vector.shape_cast %get3A_393 : vector<1x16xf32> to vector<16xf32>
        %mul3A_395 = arith.constant 11.3137083 : f32
        %mul3A_396 = vector.broadcast %mul3A_395 : f32 to vector<16xf32>
        %mul3A_397 = arith.mulf %get3A_394, %mul3A_396 : vector<16xf32>
        %swap3A = arith.index_cast %add3A_391 : i32 to index
        %swap3A_398 = arith.constant 0 : index
        %swap3A_399 = tpu.vector_load %arg16[%swap3A, %swap3A_398] {strides = array<i32>} : memref<50x128xf32, #tpu.memory_space<vmem>>, vector<1x16xf32>,
        %swap3A_400 = vector.shape_cast %swap3A_399 : vector<1x16xf32> to vector<16xf32>
        %swap3A_401 = vector.shape_cast %mul3A_397 : vector<16xf32> to vector<1x16xf32>
        tpu.vector_store %arg16[%swap3A, %swap3A_398], %swap3A_401 {strides = array<i32>} : memref<50x128xf32, #tpu.memory_space<vmem>>, vector<1x16xf32>,
        %get3A_402 = arith.index_cast %add3A_391 : i32 to index
        %get3A_403 = arith.constant 16 : index
        %get3A_404 = tpu.vector_load %arg8[%get3A_402, %get3A_403] {strides = array<i32>} : memref<50x128xf32, #tpu.memory_space<vmem>>, vector<1x16xf32>,
        %get3A_405 = vector.shape_cast %get3A_404 : vector<1x16xf32> to vector<16xf32>
        %mul3A_406 = arith.constant 11.3137083 : f32
        %mul3A_407 = vector.broadcast %mul3A_406 : f32 to vector<16xf32>
        %mul3A_408 = arith.mulf %get3A_405, %mul3A_407 : vector<16xf32>
        %swap3A_409 = arith.index_cast %add3A_391 : i32 to index
        %swap3A_410 = arith.constant 16 : index
        %swap3A_411 = tpu.vector_load %arg16[%swap3A_409, %swap3A_410] {strides = array<i32>} : memref<50x128xf32, #tpu.memory_space<vmem>>, vector<1x16xf32>,
        %swap3A_412 = vector.shape_cast %swap3A_411 : vector<1x16xf32> to vector<16xf32>
        %swap3A_413 = vector.shape_cast %mul3A_408 : vector<16xf32> to vector<1x16xf32>
        tpu.vector_store %arg16[%swap3A_409, %swap3A_410], %swap3A_413 {strides = array<i32>} : memref<50x128xf32, #tpu.memory_space<vmem>>, vector<1x16xf32>,
        %get3A_414 = arith.index_cast %add3A_391 : i32 to index
        %get3A_415 = arith.constant 32 : index
        %get3A_416 = tpu.vector_load %arg8[%get3A_414, %get3A_415] {strides = array<i32>} : memref<50x128xf32, #tpu.memory_space<vmem>>, vector<1x16xf32>,
        %get3A_417 = vector.shape_cast %get3A_416 : vector<1x16xf32> to vector<16xf32>
        %mul3A_418 = arith.constant 11.3137083 : f32
        %mul3A_419 = vector.broadcast %mul3A_418 : f32 to vector<16xf32>
        %mul3A_420 = arith.mulf %get3A_417, %mul3A_419 : vector<16xf32>
        %swap3A_421 = arith.index_cast %add3A_391 : i32 to index
        %swap3A_422 = arith.constant 32 : index
        %swap3A_423 = tpu.vector_load %arg16[%swap3A_421, %swap3A_422] {strides = array<i32>} : memref<50x128xf32, #tpu.memory_space<vmem>>, vector<1x16xf32>,
        %swap3A_424 = vector.shape_cast %swap3A_423 : vector<1x16xf32> to vector<16xf32>
        %swap3A_425 = vector.shape_cast %mul3A_420 : vector<16xf32> to vector<1x16xf32>
        tpu.vector_store %arg16[%swap3A_421, %swap3A_422], %swap3A_425 {strides = array<i32>} : memref<50x128xf32, #tpu.memory_space<vmem>>, vector<1x16xf32>,
        %get3A_426 = arith.index_cast %add3A_391 : i32 to index
        %get3A_427 = arith.constant 48 : index
        %get3A_428 = tpu.vector_load %arg8[%get3A_426, %get3A_427] {strides = array<i32>} : memref<50x128xf32, #tpu.memory_space<vmem>>, vector<1x16xf32>,
        %get3A_429 = vector.shape_cast %get3A_428 : vector<1x16xf32> to vector<16xf32>
        %mul3A_430 = arith.constant 11.3137083 : f32
        %mul3A_431 = vector.broadcast %mul3A_430 : f32 to vector<16xf32>
        %mul3A_432 = arith.mulf %get3A_429, %mul3A_431 : vector<16xf32>
        %swap3A_433 = arith.index_cast %add3A_391 : i32 to index
        %swap3A_434 = arith.constant 48 : index
        %swap3A_435 = tpu.vector_load %arg16[%swap3A_433, %swap3A_434] {strides = array<i32>} : memref<50x128xf32, #tpu.memory_space<vmem>>, vector<1x16xf32>,
        %swap3A_436 = vector.shape_cast %swap3A_435 : vector<1x16xf32> to vector<16xf32>
        %swap3A_437 = vector.shape_cast %mul3A_432 : vector<16xf32> to vector<1x16xf32>
        tpu.vector_store %arg16[%swap3A_433, %swap3A_434], %swap3A_437 {strides = array<i32>} : memref<50x128xf32, #tpu.memory_space<vmem>>, vector<1x16xf32>,
        %get3A_438 = arith.index_cast %add3A_391 : i32 to index
        %get3A_439 = arith.constant 64 : index
        %get3A_440 = tpu.vector_load %arg8[%get3A_438, %get3A_439] {strides = array<i32>} : memref<50x128xf32, #tpu.memory_space<vmem>>, vector<1x16xf32>,
        %get3A_441 = vector.shape_cast %get3A_440 : vector<1x16xf32> to vector<16xf32>
        %mul3A_442 = arith.constant 11.3137083 : f32
        %mul3A_443 = vector.broadcast %mul3A_442 : f32 to vector<16xf32>
        %mul3A_444 = arith.mulf %get3A_441, %mul3A_443 : vector<16xf32>
        %swap3A_445 = arith.index_cast %add3A_391 : i32 to index
        %swap3A_446 = arith.constant 64 : index
        %swap3A_447 = tpu.vector_load %arg16[%swap3A_445, %swap3A_446] {strides = array<i32>} : memref<50x128xf32, #tpu.memory_space<vmem>>, vector<1x16xf32>,
        %swap3A_448 = vector.shape_cast %swap3A_447 : vector<1x16xf32> to vector<16xf32>
        %swap3A_449 = vector.shape_cast %mul3A_444 : vector<16xf32> to vector<1x16xf32>
        tpu.vector_store %arg16[%swap3A_445, %swap3A_446], %swap3A_449 {strides = array<i32>} : memref<50x128xf32, #tpu.memory_space<vmem>>, vector<1x16xf32>,
        %get3A_450 = arith.index_cast %add3A_391 : i32 to index
        %get3A_451 = arith.constant 80 : index
        %get3A_452 = tpu.vector_load %arg8[%get3A_450, %get3A_451] {strides = array<i32>} : memref<50x128xf32, #tpu.memory_space<vmem>>, vector<1x16xf32>,
        %get3A_453 = vector.shape_cast %get3A_452 : vector<1x16xf32> to vector<16xf32>
        %mul3A_454 = arith.constant 11.3137083 : f32
        %mul3A_455 = vector.broadcast %mul3A_454 : f32 to vector<16xf32>
        %mul3A_456 = arith.mulf %get3A_453, %mul3A_455 : vector<16xf32>
        %swap3A_457 = arith.index_cast %add3A_391 : i32 to index
        %swap3A_458 = arith.constant 80 : index
        %swap3A_459 = tpu.vector_load %arg16[%swap3A_457, %swap3A_458] {strides = array<i32>} : memref<50x128xf32, #tpu.memory_space<vmem>>, vector<1x16xf32>,
        %swap3A_460 = vector.shape_cast %swap3A_459 : vector<1x16xf32> to vector<16xf32>
        %swap3A_461 = vector.shape_cast %mul3A_456 : vector<16xf32> to vector<1x16xf32>
        tpu.vector_store %arg16[%swap3A_457, %swap3A_458], %swap3A_461 {strides = array<i32>} : memref<50x128xf32, #tpu.memory_space<vmem>>, vector<1x16xf32>,
        %get3A_462 = arith.index_cast %add3A_391 : i32 to index
        %get3A_463 = arith.constant 96 : index
        %get3A_464 = tpu.vector_load %arg8[%get3A_462, %get3A_463] {strides = array<i32>} : memref<50x128xf32, #tpu.memory_space<vmem>>, vector<1x16xf32>,
        %get3A_465 = vector.shape_cast %get3A_464 : vector<1x16xf32> to vector<16xf32>
        %mul3A_466 = arith.constant 11.3137083 : f32
        %mul3A_467 = vector.broadcast %mul3A_466 : f32 to vector<16xf32>
        %mul3A_468 = arith.mulf %get3A_465, %mul3A_467 : vector<16xf32>
        %swap3A_469 = arith.index_cast %add3A_391 : i32 to index
        %swap3A_470 = arith.constant 96 : index
        %swap3A_471 = tpu.vector_load %arg16[%swap3A_469, %swap3A_470] {strides = array<i32>} : memref<50x128xf32, #tpu.memory_space<vmem>>, vector<1x16xf32>,
        %swap3A_472 = vector.shape_cast %swap3A_471 : vector<1x16xf32> to vector<16xf32>
        %swap3A_473 = vector.shape_cast %mul3A_468 : vector<16xf32> to vector<1x16xf32>
        tpu.vector_store %arg16[%swap3A_469, %swap3A_470], %swap3A_473 {strides = array<i32>} : memref<50x128xf32, #tpu.memory_space<vmem>>, vector<1x16xf32>,
        %get3A_474 = arith.index_cast %add3A_391 : i32 to index
        %get3A_475 = arith.constant 112 : index
        %get3A_476 = tpu.vector_load %arg8[%get3A_474, %get3A_475] {strides = array<i32>} : memref<50x128xf32, #tpu.memory_space<vmem>>, vector<1x16xf32>,
        %get3A_477 = vector.shape_cast %get3A_476 : vector<1x16xf32> to vector<16xf32>
        %mul3A_478 = arith.constant 11.3137083 : f32
        %mul3A_479 = vector.broadcast %mul3A_478 : f32 to vector<16xf32>
        %mul3A_480 = arith.mulf %get3A_477, %mul3A_479 : vector<16xf32>
        %swap3A_481 = arith.index_cast %add3A_391 : i32 to index
        %swap3A_482 = arith.constant 112 : index
        %swap3A_483 = tpu.vector_load %arg16[%swap3A_481, %swap3A_482] {strides = array<i32>} : memref<50x128xf32, #tpu.memory_space<vmem>>, vector<1x16xf32>,
        %swap3A_484 = vector.shape_cast %swap3A_483 : vector<1x16xf32> to vector<16xf32>
        %swap3A_485 = vector.shape_cast %mul3A_480 : vector<16xf32> to vector<1x16xf32>
        tpu.vector_store %arg16[%swap3A_481, %swap3A_482], %swap3A_485 {strides = array<i32>} : memref<50x128xf32, #tpu.memory_space<vmem>>, vector<1x16xf32>,
        %mul3A_486 = arith.constant 2 : i32
        %mul3A_487 = arith.muli %scan3A_387, %mul3A_486 : i32
        %add3A_488 = arith.constant 1 : i32
        %add3A_489 = arith.addi %mul3A_487, %add3A_488 : i32
        %get3A_490 = arith.index_cast %add3A_489 : i32 to index
        %get3A_491 = arith.constant 0 : index
        %get3A_492 = tpu.vector_load %arg8[%get3A_490, %get3A_491] {strides = array<i32>} : memref<50x128xf32, #tpu.memory_space<vmem>>, vector<1x16xf32>,
        %get3A_493 = vector.shape_cast %get3A_492 : vector<1x16xf32> to vector<16xf32>
        %mul3A_494 = arith.constant 11.3137083 : f32
        %mul3A_495 = vector.broadcast %mul3A_494 : f32 to vector<16xf32>
        %mul3A_496 = arith.mulf %get3A_493, %mul3A_495 : vector<16xf32>
        %swap3A_497 = arith.index_cast %add3A_489 : i32 to index
        %swap3A_498 = arith.constant 0 : index
        %swap3A_499 = tpu.vector_load %arg16[%swap3A_497, %swap3A_498] {strides = array<i32>} : memref<50x128xf32, #tpu.memory_space<vmem>>, vector<1x16xf32>,
        %swap3A_500 = vector.shape_cast %swap3A_499 : vector<1x16xf32> to vector<16xf32>
        %swap3A_501 = vector.shape_cast %mul3A_496 : vector<16xf32> to vector<1x16xf32>
        tpu.vector_store %arg16[%swap3A_497, %swap3A_498], %swap3A_501 {strides = array<i32>} : memref<50x128xf32, #tpu.memory_space<vmem>>, vector<1x16xf32>,
        %get3A_502 = arith.index_cast %add3A_489 : i32 to index
        %get3A_503 = arith.constant 16 : index
        %get3A_504 = tpu.vector_load %arg8[%get3A_502, %get3A_503] {strides = array<i32>} : memref<50x128xf32, #tpu.memory_space<vmem>>, vector<1x16xf32>,
        %get3A_505 = vector.shape_cast %get3A_504 : vector<1x16xf32> to vector<16xf32>
        %mul3A_506 = arith.constant 11.3137083 : f32
        %mul3A_507 = vector.broadcast %mul3A_506 : f32 to vector<16xf32>
        %mul3A_508 = arith.mulf %get3A_505, %mul3A_507 : vector<16xf32>
        %swap3A_509 = arith.index_cast %add3A_489 : i32 to index
        %swap3A_510 = arith.constant 16 : index
        %swap3A_511 = tpu.vector_load %arg16[%swap3A_509, %swap3A_510] {strides = array<i32>} : memref<50x128xf32, #tpu.memory_space<vmem>>, vector<1x16xf32>,
        %swap3A_512 = vector.shape_cast %swap3A_511 : vector<1x16xf32> to vector<16xf32>
        %swap3A_513 = vector.shape_cast %mul3A_508 : vector<16xf32> to vector<1x16xf32>
        tpu.vector_store %arg16[%swap3A_509, %swap3A_510], %swap3A_513 {strides = array<i32>} : memref<50x128xf32, #tpu.memory_space<vmem>>, vector<1x16xf32>,
        %get3A_514 = arith.index_cast %add3A_489 : i32 to index
        %get3A_515 = arith.constant 32 : index
        %get3A_516 = tpu.vector_load %arg8[%get3A_514, %get3A_515] {strides = array<i32>} : memref<50x128xf32, #tpu.memory_space<vmem>>, vector<1x16xf32>,
        %get3A_517 = vector.shape_cast %get3A_516 : vector<1x16xf32> to vector<16xf32>
        %mul3A_518 = arith.constant 11.3137083 : f32
        %mul3A_519 = vector.broadcast %mul3A_518 : f32 to vector<16xf32>
        %mul3A_520 = arith.mulf %get3A_517, %mul3A_519 : vector<16xf32>
        %swap3A_521 = arith.index_cast %add3A_489 : i32 to index
        %swap3A_522 = arith.constant 32 : index
        %swap3A_523 = tpu.vector_load %arg16[%swap3A_521, %swap3A_522] {strides = array<i32>} : memref<50x128xf32, #tpu.memory_space<vmem>>, vector<1x16xf32>,
        %swap3A_524 = vector.shape_cast %swap3A_523 : vector<1x16xf32> to vector<16xf32>
        %swap3A_525 = vector.shape_cast %mul3A_520 : vector<16xf32> to vector<1x16xf32>
        tpu.vector_store %arg16[%swap3A_521, %swap3A_522], %swap3A_525 {strides = array<i32>} : memref<50x128xf32, #tpu.memory_space<vmem>>, vector<1x16xf32>,
        %get3A_526 = arith.index_cast %add3A_489 : i32 to index
        %get3A_527 = arith.constant 48 : index
        %get3A_528 = tpu.vector_load %arg8[%get3A_526, %get3A_527] {strides = array<i32>} : memref<50x128xf32, #tpu.memory_space<vmem>>, vector<1x16xf32>,
        %get3A_529 = vector.shape_cast %get3A_528 : vector<1x16xf32> to vector<16xf32>
        %mul3A_530 = arith.constant 11.3137083 : f32
        %mul3A_531 = vector.broadcast %mul3A_530 : f32 to vector<16xf32>
        %mul3A_532 = arith.mulf %get3A_529, %mul3A_531 : vector<16xf32>
        %swap3A_533 = arith.index_cast %add3A_489 : i32 to index
        %swap3A_534 = arith.constant 48 : index
        %swap3A_535 = tpu.vector_load %arg16[%swap3A_533, %swap3A_534] {strides = array<i32>} : memref<50x128xf32, #tpu.memory_space<vmem>>, vector<1x16xf32>,
        %swap3A_536 = vector.shape_cast %swap3A_535 : vector<1x16xf32> to vector<16xf32>
        %swap3A_537 = vector.shape_cast %mul3A_532 : vector<16xf32> to vector<1x16xf32>
        tpu.vector_store %arg16[%swap3A_533, %swap3A_534], %swap3A_537 {strides = array<i32>} : memref<50x128xf32, #tpu.memory_space<vmem>>, vector<1x16xf32>,
        %get3A_538 = arith.index_cast %add3A_489 : i32 to index
        %get3A_539 = arith.constant 64 : index
        %get3A_540 = tpu.vector_load %arg8[%get3A_538, %get3A_539] {strides = array<i32>} : memref<50x128xf32, #tpu.memory_space<vmem>>, vector<1x16xf32>,
        %get3A_541 = vector.shape_cast %get3A_540 : vector<1x16xf32> to vector<16xf32>
        %mul3A_542 = arith.constant 11.3137083 : f32
        %mul3A_543 = vector.broadcast %mul3A_542 : f32 to vector<16xf32>
        %mul3A_544 = arith.mulf %get3A_541, %mul3A_543 : vector<16xf32>
        %swap3A_545 = arith.index_cast %add3A_489 : i32 to index
        %swap3A_546 = arith.constant 64 : index
        %swap3A_547 = tpu.vector_load %arg16[%swap3A_545, %swap3A_546] {strides = array<i32>} : memref<50x128xf32, #tpu.memory_space<vmem>>, vector<1x16xf32>,
        %swap3A_548 = vector.shape_cast %swap3A_547 : vector<1x16xf32> to vector<16xf32>
        %swap3A_549 = vector.shape_cast %mul3A_544 : vector<16xf32> to vector<1x16xf32>
        tpu.vector_store %arg16[%swap3A_545, %swap3A_546], %swap3A_549 {strides = array<i32>} : memref<50x128xf32, #tpu.memory_space<vmem>>, vector<1x16xf32>,
        %get3A_550 = arith.index_cast %add3A_489 : i32 to index
        %get3A_551 = arith.constant 80 : index
        %get3A_552 = tpu.vector_load %arg8[%get3A_550, %get3A_551] {strides = array<i32>} : memref<50x128xf32, #tpu.memory_space<vmem>>, vector<1x16xf32>,
        %get3A_553 = vector.shape_cast %get3A_552 : vector<1x16xf32> to vector<16xf32>
        %mul3A_554 = arith.constant 11.3137083 : f32
        %mul3A_555 = vector.broadcast %mul3A_554 : f32 to vector<16xf32>
        %mul3A_556 = arith.mulf %get3A_553, %mul3A_555 : vector<16xf32>
        %swap3A_557 = arith.index_cast %add3A_489 : i32 to index
        %swap3A_558 = arith.constant 80 : index
        %swap3A_559 = tpu.vector_load %arg16[%swap3A_557, %swap3A_558] {strides = array<i32>} : memref<50x128xf32, #tpu.memory_space<vmem>>, vector<1x16xf32>,
        %swap3A_560 = vector.shape_cast %swap3A_559 : vector<1x16xf32> to vector<16xf32>
        %swap3A_561 = vector.shape_cast %mul3A_556 : vector<16xf32> to vector<1x16xf32>
        tpu.vector_store %arg16[%swap3A_557, %swap3A_558], %swap3A_561 {strides = array<i32>} : memref<50x128xf32, #tpu.memory_space<vmem>>, vector<1x16xf32>,
        %get3A_562 = arith.index_cast %add3A_489 : i32 to index
        %get3A_563 = arith.constant 96 : index
        %get3A_564 = tpu.vector_load %arg8[%get3A_562, %get3A_563] {strides = array<i32>} : memref<50x128xf32, #tpu.memory_space<vmem>>, vector<1x16xf32>,
        %get3A_565 = vector.shape_cast %get3A_564 : vector<1x16xf32> to vector<16xf32>
        %mul3A_566 = arith.constant 11.3137083 : f32
        %mul3A_567 = vector.broadcast %mul3A_566 : f32 to vector<16xf32>
        %mul3A_568 = arith.mulf %get3A_565, %mul3A_567 : vector<16xf32>
        %swap3A_569 = arith.index_cast %add3A_489 : i32 to index
        %swap3A_570 = arith.constant 96 : index
        %swap3A_571 = tpu.vector_load %arg16[%swap3A_569, %swap3A_570] {strides = array<i32>} : memref<50x128xf32, #tpu.memory_space<vmem>>, vector<1x16xf32>,
        %swap3A_572 = vector.shape_cast %swap3A_571 : vector<1x16xf32> to vector<16xf32>
        %swap3A_573 = vector.shape_cast %mul3A_568 : vector<16xf32> to vector<1x16xf32>
        tpu.vector_store %arg16[%swap3A_569, %swap3A_570], %swap3A_573 {strides = array<i32>} : memref<50x128xf32, #tpu.memory_space<vmem>>, vector<1x16xf32>,
        %get3A_574 = arith.index_cast %add3A_489 : i32 to index
        %get3A_575 = arith.constant 112 : index
        %get3A_576 = tpu.vector_load %arg8[%get3A_574, %get3A_575] {strides = array<i32>} : memref<50x128xf32, #tpu.memory_space<vmem>>, vector<1x16xf32>,
        %get3A_577 = vector.shape_cast %get3A_576 : vector<1x16xf32> to vector<16xf32>
        %mul3A_578 = arith.constant 11.3137083 : f32
        %mul3A_579 = vector.broadcast %mul3A_578 : f32 to vector<16xf32>
        %mul3A_580 = arith.mulf %get3A_577, %mul3A_579 : vector<16xf32>
        %swap3A_581 = arith.index_cast %add3A_489 : i32 to index
        %swap3A_582 = arith.constant 112 : index
        %swap3A_583 = tpu.vector_load %arg16[%swap3A_581, %swap3A_582] {strides = array<i32>} : memref<50x128xf32, #tpu.memory_space<vmem>>, vector<1x16xf32>,
        %swap3A_584 = vector.shape_cast %swap3A_583 : vector<1x16xf32> to vector<16xf32>
        %swap3A_585 = vector.shape_cast %mul3A_580 : vector<16xf32> to vector<1x16xf32>
        tpu.vector_store %arg16[%swap3A_581, %swap3A_582], %swap3A_585 {strides = array<i32>} : memref<50x128xf32, #tpu.memory_space<vmem>>, vector<1x16xf32>,
      }
      %scan3A_185 = arith.constant 25 : i32
      %add3A_186 = arith.constant 8 : i32
      %add3A_187 = arith.addi %add3A_168, %add3A_186 : i32
      %lt3A_188 = arith.constant 128 : i32
      %lt3A_189 = arith.cmpi slt, %add3A_187, %lt3A_188 : i32
      %convert_element_type3A_190 = arith.extui %lt3A_189 : i1 to i32
      %cond3A_191 = arith.constant 0 : i32
      %cond3A_192 = arith.cmpi ne, %convert_element_type3A_190, %cond3A_191 : i32
      scf.if %cond3A_192 {
        %dma_start3A_387 = arith.constant 0 : i32
        %dma_start3A_388 = tpu.memref_slice %arg5[%add3A_187, %dma_start3A_387] : memref<128x50xi32, #tpu.memory_space<vmem>> -> memref<1x50xi32, #tpu.memory_space<vmem>>
        %dma_start3A_389 = tpu.memref_squeeze %dma_start3A_388 : memref<1x50xi32, #tpu.memory_space<vmem>> -> memref<50xi32, #tpu.memory_space<vmem>>
        %dma_start3A_390 = arith.constant 0 : i32
        %dma_start3A_391 = arith.constant 0 : i32
        %dma_start3A_392 = tpu.memref_slice %arg3[%dma_start3A_390, %dma_start3A_391] : memref<100000x128xf32, #tpu.memory_space<hbm>> -> memref<100000x128xf32, #tpu.memory_space<hbm>>
        tpu.enqueue_indirect_dma source(%dma_start3A_392 : memref<100000x128xf32, #tpu.memory_space<hbm>>) target(%arg8 : memref<50x128xf32, #tpu.memory_space<vmem>>) offsets(%dma_start3A_389 : memref<50xi32, #tpu.memory_space<vmem>>) semaphore(%arg20 : memref<!tpu.dma_semaphore, #tpu.memory_space<semaphore_mem>>)
      } else {
      }
      %add3A_193 = arith.addi %mul3A_2, %add3A_168 : i32
      %dma_start3A_194 = arith.constant 0 : i32
      %dma_start3A_195 = arith.constant 0 : i32
      %dma_start3A_196 = tpu.memref_slice %arg4[%add3A_193, %dma_start3A_194, %dma_start3A_195] : memref<4096x50x128xf32, #tpu.memory_space<hbm>> -> memref<1x50x128xf32, #tpu.memory_space<hbm>>
      %dma_start3A_197 = tpu.memref_squeeze %dma_start3A_196 : memref<1x50x128xf32, #tpu.memory_space<hbm>> -> memref<50x128xf32, #tpu.memory_space<hbm>>
      %dma_start3A_198 = arith.constant 0 : i32
      %dma_start3A_199 = arith.constant 0 : i32
      %dma_start3A_200 = tpu.memref_slice %arg4[%add3A_193, %dma_start3A_198, %dma_start3A_199] : memref<4096x50x128xf32, #tpu.memory_space<hbm>> -> memref<1x50x128xf32, #tpu.memory_space<hbm>>
      %dma_start3A_201 = tpu.memref_squeeze %dma_start3A_200 : memref<1x50x128xf32, #tpu.memory_space<hbm>> -> memref<50x128xf32, #tpu.memory_space<hbm>>
      tpu.enqueue_dma source(%arg16 : memref<50x128xf32, #tpu.memory_space<vmem>>) target(%dma_start3A_201 : memref<50x128xf32, #tpu.memory_space<hbm>>) target_semaphore(%arg28 : memref<!tpu.dma_semaphore, #tpu.memory_space<semaphore_mem>>)
      %mul3A_202 = arith.constant 8 : i32
      %mul3A_203 = arith.muli %scan3A_94, %mul3A_202 : i32
      %add3A_204 = arith.constant 3 : i32
      %add3A_205 = arith.addi %mul3A_203, %add3A_204 : i32
      %dma_wait3A_206 = arith.constant 0 : i32
      %dma_wait3A_207 = tpu.memref_slice %arg5[%add3A_205, %dma_wait3A_206] : memref<128x50xi32, #tpu.memory_space<vmem>> -> memref<1x50xi32, #tpu.memory_space<vmem>>
      %dma_wait3A_208 = tpu.memref_squeeze %dma_wait3A_207 : memref<1x50xi32, #tpu.memory_space<vmem>> -> memref<50xi32, #tpu.memory_space<vmem>>
      %dma_wait3A_209 = arith.constant 0 : i32
      %dma_wait3A_210 = arith.constant 0 : i32
      %dma_wait3A_211 = tpu.memref_slice %arg3[%dma_wait3A_209, %dma_wait3A_210] : memref<100000x128xf32, #tpu.memory_space<hbm>> -> memref<100000x128xf32, #tpu.memory_space<hbm>>
      tpu.wait_indirect_dma semaphore(%arg21 : memref<!tpu.dma_semaphore, #tpu.memory_space<semaphore_mem>>) src(%dma_wait3A_211 : memref<100000x128xf32, #tpu.memory_space<hbm>>) dst(%arg9 : memref<50x128xf32, #tpu.memory_space<vmem>>)
      %ge3A_212 = arith.constant 4 : i32
      %ge3A_213 = arith.cmpi sge, %add3A_205, %ge3A_212 : i32
      %convert_element_type3A_214 = arith.extui %ge3A_213 : i1 to i32
      %cond3A_215 = arith.constant 0 : i32
      %cond3A_216 = arith.cmpi ne, %convert_element_type3A_214, %cond3A_215 : i32
      scf.if %cond3A_216 {
        %dma_wait3A_387 = arith.constant 0 : i32
        %dma_wait3A_388 = arith.constant 0 : i32
        %dma_wait3A_389 = tpu.memref_slice %arg4[%mul3A_2, %dma_wait3A_387, %dma_wait3A_388] : memref<4096x50x128xf32, #tpu.memory_space<hbm>> -> memref<1x50x128xf32, #tpu.memory_space<hbm>>
        %dma_wait3A_390 = tpu.memref_squeeze %dma_wait3A_389 : memref<1x50x128xf32, #tpu.memory_space<hbm>> -> memref<50x128xf32, #tpu.memory_space<hbm>>
        %dma_wait3A_391 = arith.constant 0 : i32
        %dma_wait3A_392 = arith.constant 0 : i32
        %dma_wait3A_393 = tpu.memref_slice %arg4[%mul3A_2, %dma_wait3A_391, %dma_wait3A_392] : memref<4096x50x128xf32, #tpu.memory_space<hbm>> -> memref<1x50x128xf32, #tpu.memory_space<hbm>>
        %dma_wait3A_394 = tpu.memref_squeeze %dma_wait3A_393 : memref<1x50x128xf32, #tpu.memory_space<hbm>> -> memref<50x128xf32, #tpu.memory_space<hbm>>
        tpu.wait_dma2 semaphore(%arg29 : memref<!tpu.dma_semaphore, #tpu.memory_space<semaphore_mem>>) src(%arg17 : memref<50x128xf32, #tpu.memory_space<vmem>>) dst(%dma_wait3A_394 : memref<50x128xf32, #tpu.memory_space<hbm>>)
      } else {
      }
      %scan3A_217 = arith.constant 0 : i32
      %scan3A_218 = arith.constant 0 : i32
      %scan3A_219 = arith.constant 25 : i32
      %scan3A_220 = arith.addi %scan3A_218, %scan3A_219 : i32
      %scan3A_221 = arith.constant 1 : i32
      scf.for %scan3A_387 = %scan3A_218 to %scan3A_220 step %scan3A_221  : i32 {
        %mul3A_388 = arith.constant 2 : i32
        %mul3A_389 = arith.muli %scan3A_387, %mul3A_388 : i32
        %add3A_390 = arith.constant 0 : i32
        %add3A_391 = arith.addi %mul3A_389, %add3A_390 : i32
        %get3A = arith.index_cast %add3A_391 : i32 to index
        %get3A_392 = arith.constant 0 : index
        %get3A_393 = tpu.vector_load %arg9[%get3A, %get3A_392] {strides = array<i32>} : memref<50x128xf32, #tpu.memory_space<vmem>>, vector<1x16xf32>,
        %get3A_394 = vector.shape_cast %get3A_393 : vector<1x16xf32> to vector<16xf32>
        %mul3A_395 = arith.constant 11.3137083 : f32
        %mul3A_396 = vector.broadcast %mul3A_395 : f32 to vector<16xf32>
        %mul3A_397 = arith.mulf %get3A_394, %mul3A_396 : vector<16xf32>
        %swap3A = arith.index_cast %add3A_391 : i32 to index
        %swap3A_398 = arith.constant 0 : index
        %swap3A_399 = tpu.vector_load %arg17[%swap3A, %swap3A_398] {strides = array<i32>} : memref<50x128xf32, #tpu.memory_space<vmem>>, vector<1x16xf32>,
        %swap3A_400 = vector.shape_cast %swap3A_399 : vector<1x16xf32> to vector<16xf32>
        %swap3A_401 = vector.shape_cast %mul3A_397 : vector<16xf32> to vector<1x16xf32>
        tpu.vector_store %arg17[%swap3A, %swap3A_398], %swap3A_401 {strides = array<i32>} : memref<50x128xf32, #tpu.memory_space<vmem>>, vector<1x16xf32>,
        %get3A_402 = arith.index_cast %add3A_391 : i32 to index
        %get3A_403 = arith.constant 16 : index
        %get3A_404 = tpu.vector_load %arg9[%get3A_402, %get3A_403] {strides = array<i32>} : memref<50x128xf32, #tpu.memory_space<vmem>>, vector<1x16xf32>,
        %get3A_405 = vector.shape_cast %get3A_404 : vector<1x16xf32> to vector<16xf32>
        %mul3A_406 = arith.constant 11.3137083 : f32
        %mul3A_407 = vector.broadcast %mul3A_406 : f32 to vector<16xf32>
        %mul3A_408 = arith.mulf %get3A_405, %mul3A_407 : vector<16xf32>
        %swap3A_409 = arith.index_cast %add3A_391 : i32 to index
        %swap3A_410 = arith.constant 16 : index
        %swap3A_411 = tpu.vector_load %arg17[%swap3A_409, %swap3A_410] {strides = array<i32>} : memref<50x128xf32, #tpu.memory_space<vmem>>, vector<1x16xf32>,
        %swap3A_412 = vector.shape_cast %swap3A_411 : vector<1x16xf32> to vector<16xf32>
        %swap3A_413 = vector.shape_cast %mul3A_408 : vector<16xf32> to vector<1x16xf32>
        tpu.vector_store %arg17[%swap3A_409, %swap3A_410], %swap3A_413 {strides = array<i32>} : memref<50x128xf32, #tpu.memory_space<vmem>>, vector<1x16xf32>,
        %get3A_414 = arith.index_cast %add3A_391 : i32 to index
        %get3A_415 = arith.constant 32 : index
        %get3A_416 = tpu.vector_load %arg9[%get3A_414, %get3A_415] {strides = array<i32>} : memref<50x128xf32, #tpu.memory_space<vmem>>, vector<1x16xf32>,
        %get3A_417 = vector.shape_cast %get3A_416 : vector<1x16xf32> to vector<16xf32>
        %mul3A_418 = arith.constant 11.3137083 : f32
        %mul3A_419 = vector.broadcast %mul3A_418 : f32 to vector<16xf32>
        %mul3A_420 = arith.mulf %get3A_417, %mul3A_419 : vector<16xf32>
        %swap3A_421 = arith.index_cast %add3A_391 : i32 to index
        %swap3A_422 = arith.constant 32 : index
        %swap3A_423 = tpu.vector_load %arg17[%swap3A_421, %swap3A_422] {strides = array<i32>} : memref<50x128xf32, #tpu.memory_space<vmem>>, vector<1x16xf32>,
        %swap3A_424 = vector.shape_cast %swap3A_423 : vector<1x16xf32> to vector<16xf32>
        %swap3A_425 = vector.shape_cast %mul3A_420 : vector<16xf32> to vector<1x16xf32>
        tpu.vector_store %arg17[%swap3A_421, %swap3A_422], %swap3A_425 {strides = array<i32>} : memref<50x128xf32, #tpu.memory_space<vmem>>, vector<1x16xf32>,
        %get3A_426 = arith.index_cast %add3A_391 : i32 to index
        %get3A_427 = arith.constant 48 : index
        %get3A_428 = tpu.vector_load %arg9[%get3A_426, %get3A_427] {strides = array<i32>} : memref<50x128xf32, #tpu.memory_space<vmem>>, vector<1x16xf32>,
        %get3A_429 = vector.shape_cast %get3A_428 : vector<1x16xf32> to vector<16xf32>
        %mul3A_430 = arith.constant 11.3137083 : f32
        %mul3A_431 = vector.broadcast %mul3A_430 : f32 to vector<16xf32>
        %mul3A_432 = arith.mulf %get3A_429, %mul3A_431 : vector<16xf32>
        %swap3A_433 = arith.index_cast %add3A_391 : i32 to index
        %swap3A_434 = arith.constant 48 : index
        %swap3A_435 = tpu.vector_load %arg17[%swap3A_433, %swap3A_434] {strides = array<i32>} : memref<50x128xf32, #tpu.memory_space<vmem>>, vector<1x16xf32>,
        %swap3A_436 = vector.shape_cast %swap3A_435 : vector<1x16xf32> to vector<16xf32>
        %swap3A_437 = vector.shape_cast %mul3A_432 : vector<16xf32> to vector<1x16xf32>
        tpu.vector_store %arg17[%swap3A_433, %swap3A_434], %swap3A_437 {strides = array<i32>} : memref<50x128xf32, #tpu.memory_space<vmem>>, vector<1x16xf32>,
        %get3A_438 = arith.index_cast %add3A_391 : i32 to index
        %get3A_439 = arith.constant 64 : index
        %get3A_440 = tpu.vector_load %arg9[%get3A_438, %get3A_439] {strides = array<i32>} : memref<50x128xf32, #tpu.memory_space<vmem>>, vector<1x16xf32>,
        %get3A_441 = vector.shape_cast %get3A_440 : vector<1x16xf32> to vector<16xf32>
        %mul3A_442 = arith.constant 11.3137083 : f32
        %mul3A_443 = vector.broadcast %mul3A_442 : f32 to vector<16xf32>
        %mul3A_444 = arith.mulf %get3A_441, %mul3A_443 : vector<16xf32>
        %swap3A_445 = arith.index_cast %add3A_391 : i32 to index
        %swap3A_446 = arith.constant 64 : index
        %swap3A_447 = tpu.vector_load %arg17[%swap3A_445, %swap3A_446] {strides = array<i32>} : memref<50x128xf32, #tpu.memory_space<vmem>>, vector<1x16xf32>,
        %swap3A_448 = vector.shape_cast %swap3A_447 : vector<1x16xf32> to vector<16xf32>
        %swap3A_449 = vector.shape_cast %mul3A_444 : vector<16xf32> to vector<1x16xf32>
        tpu.vector_store %arg17[%swap3A_445, %swap3A_446], %swap3A_449 {strides = array<i32>} : memref<50x128xf32, #tpu.memory_space<vmem>>, vector<1x16xf32>,
        %get3A_450 = arith.index_cast %add3A_391 : i32 to index
        %get3A_451 = arith.constant 80 : index
        %get3A_452 = tpu.vector_load %arg9[%get3A_450, %get3A_451] {strides = array<i32>} : memref<50x128xf32, #tpu.memory_space<vmem>>, vector<1x16xf32>,
        %get3A_453 = vector.shape_cast %get3A_452 : vector<1x16xf32> to vector<16xf32>
        %mul3A_454 = arith.constant 11.3137083 : f32
        %mul3A_455 = vector.broadcast %mul3A_454 : f32 to vector<16xf32>
        %mul3A_456 = arith.mulf %get3A_453, %mul3A_455 : vector<16xf32>
        %swap3A_457 = arith.index_cast %add3A_391 : i32 to index
        %swap3A_458 = arith.constant 80 : index
        %swap3A_459 = tpu.vector_load %arg17[%swap3A_457, %swap3A_458] {strides = array<i32>} : memref<50x128xf32, #tpu.memory_space<vmem>>, vector<1x16xf32>,
        %swap3A_460 = vector.shape_cast %swap3A_459 : vector<1x16xf32> to vector<16xf32>
        %swap3A_461 = vector.shape_cast %mul3A_456 : vector<16xf32> to vector<1x16xf32>
        tpu.vector_store %arg17[%swap3A_457, %swap3A_458], %swap3A_461 {strides = array<i32>} : memref<50x128xf32, #tpu.memory_space<vmem>>, vector<1x16xf32>,
        %get3A_462 = arith.index_cast %add3A_391 : i32 to index
        %get3A_463 = arith.constant 96 : index
        %get3A_464 = tpu.vector_load %arg9[%get3A_462, %get3A_463] {strides = array<i32>} : memref<50x128xf32, #tpu.memory_space<vmem>>, vector<1x16xf32>,
        %get3A_465 = vector.shape_cast %get3A_464 : vector<1x16xf32> to vector<16xf32>
        %mul3A_466 = arith.constant 11.3137083 : f32
        %mul3A_467 = vector.broadcast %mul3A_466 : f32 to vector<16xf32>
        %mul3A_468 = arith.mulf %get3A_465, %mul3A_467 : vector<16xf32>
        %swap3A_469 = arith.index_cast %add3A_391 : i32 to index
        %swap3A_470 = arith.constant 96 : index
        %swap3A_471 = tpu.vector_load %arg17[%swap3A_469, %swap3A_470] {strides = array<i32>} : memref<50x128xf32, #tpu.memory_space<vmem>>, vector<1x16xf32>,
        %swap3A_472 = vector.shape_cast %swap3A_471 : vector<1x16xf32> to vector<16xf32>
        %swap3A_473 = vector.shape_cast %mul3A_468 : vector<16xf32> to vector<1x16xf32>
        tpu.vector_store %arg17[%swap3A_469, %swap3A_470], %swap3A_473 {strides = array<i32>} : memref<50x128xf32, #tpu.memory_space<vmem>>, vector<1x16xf32>,
        %get3A_474 = arith.index_cast %add3A_391 : i32 to index
        %get3A_475 = arith.constant 112 : index
        %get3A_476 = tpu.vector_load %arg9[%get3A_474, %get3A_475] {strides = array<i32>} : memref<50x128xf32, #tpu.memory_space<vmem>>, vector<1x16xf32>,
        %get3A_477 = vector.shape_cast %get3A_476 : vector<1x16xf32> to vector<16xf32>
        %mul3A_478 = arith.constant 11.3137083 : f32
        %mul3A_479 = vector.broadcast %mul3A_478 : f32 to vector<16xf32>
        %mul3A_480 = arith.mulf %get3A_477, %mul3A_479 : vector<16xf32>
        %swap3A_481 = arith.index_cast %add3A_391 : i32 to index
        %swap3A_482 = arith.constant 112 : index
        %swap3A_483 = tpu.vector_load %arg17[%swap3A_481, %swap3A_482] {strides = array<i32>} : memref<50x128xf32, #tpu.memory_space<vmem>>, vector<1x16xf32>,
        %swap3A_484 = vector.shape_cast %swap3A_483 : vector<1x16xf32> to vector<16xf32>
        %swap3A_485 = vector.shape_cast %mul3A_480 : vector<16xf32> to vector<1x16xf32>
        tpu.vector_store %arg17[%swap3A_481, %swap3A_482], %swap3A_485 {strides = array<i32>} : memref<50x128xf32, #tpu.memory_space<vmem>>, vector<1x16xf32>,
        %mul3A_486 = arith.constant 2 : i32
        %mul3A_487 = arith.muli %scan3A_387, %mul3A_486 : i32
        %add3A_488 = arith.constant 1 : i32
        %add3A_489 = arith.addi %mul3A_487, %add3A_488 : i32
        %get3A_490 = arith.index_cast %add3A_489 : i32 to index
        %get3A_491 = arith.constant 0 : index
        %get3A_492 = tpu.vector_load %arg9[%get3A_490, %get3A_491] {strides = array<i32>} : memref<50x128xf32, #tpu.memory_space<vmem>>, vector<1x16xf32>,
        %get3A_493 = vector.shape_cast %get3A_492 : vector<1x16xf32> to vector<16xf32>
        %mul3A_494 = arith.constant 11.3137083 : f32
        %mul3A_495 = vector.broadcast %mul3A_494 : f32 to vector<16xf32>
        %mul3A_496 = arith.mulf %get3A_493, %mul3A_495 : vector<16xf32>
        %swap3A_497 = arith.index_cast %add3A_489 : i32 to index
        %swap3A_498 = arith.constant 0 : index
        %swap3A_499 = tpu.vector_load %arg17[%swap3A_497, %swap3A_498] {strides = array<i32>} : memref<50x128xf32, #tpu.memory_space<vmem>>, vector<1x16xf32>,
        %swap3A_500 = vector.shape_cast %swap3A_499 : vector<1x16xf32> to vector<16xf32>
        %swap3A_501 = vector.shape_cast %mul3A_496 : vector<16xf32> to vector<1x16xf32>
        tpu.vector_store %arg17[%swap3A_497, %swap3A_498], %swap3A_501 {strides = array<i32>} : memref<50x128xf32, #tpu.memory_space<vmem>>, vector<1x16xf32>,
        %get3A_502 = arith.index_cast %add3A_489 : i32 to index
        %get3A_503 = arith.constant 16 : index
        %get3A_504 = tpu.vector_load %arg9[%get3A_502, %get3A_503] {strides = array<i32>} : memref<50x128xf32, #tpu.memory_space<vmem>>, vector<1x16xf32>,
        %get3A_505 = vector.shape_cast %get3A_504 : vector<1x16xf32> to vector<16xf32>
        %mul3A_506 = arith.constant 11.3137083 : f32
        %mul3A_507 = vector.broadcast %mul3A_506 : f32 to vector<16xf32>
        %mul3A_508 = arith.mulf %get3A_505, %mul3A_507 : vector<16xf32>
        %swap3A_509 = arith.index_cast %add3A_489 : i32 to index
        %swap3A_510 = arith.constant 16 : index
        %swap3A_511 = tpu.vector_load %arg17[%swap3A_509, %swap3A_510] {strides = array<i32>} : memref<50x128xf32, #tpu.memory_space<vmem>>, vector<1x16xf32>,
        %swap3A_512 = vector.shape_cast %swap3A_511 : vector<1x16xf32> to vector<16xf32>
        %swap3A_513 = vector.shape_cast %mul3A_508 : vector<16xf32> to vector<1x16xf32>
        tpu.vector_store %arg17[%swap3A_509, %swap3A_510], %swap3A_513 {strides = array<i32>} : memref<50x128xf32, #tpu.memory_space<vmem>>, vector<1x16xf32>,
        %get3A_514 = arith.index_cast %add3A_489 : i32 to index
        %get3A_515 = arith.constant 32 : index
        %get3A_516 = tpu.vector_load %arg9[%get3A_514, %get3A_515] {strides = array<i32>} : memref<50x128xf32, #tpu.memory_space<vmem>>, vector<1x16xf32>,
        %get3A_517 = vector.shape_cast %get3A_516 : vector<1x16xf32> to vector<16xf32>
        %mul3A_518 = arith.constant 11.3137083 : f32
        %mul3A_519 = vector.broadcast %mul3A_518 : f32 to vector<16xf32>
        %mul3A_520 = arith.mulf %get3A_517, %mul3A_519 : vector<16xf32>
        %swap3A_521 = arith.index_cast %add3A_489 : i32 to index
        %swap3A_522 = arith.constant 32 : index
        %swap3A_523 = tpu.vector_load %arg17[%swap3A_521, %swap3A_522] {strides = array<i32>} : memref<50x128xf32, #tpu.memory_space<vmem>>, vector<1x16xf32>,
        %swap3A_524 = vector.shape_cast %swap3A_523 : vector<1x16xf32> to vector<16xf32>
        %swap3A_525 = vector.shape_cast %mul3A_520 : vector<16xf32> to vector<1x16xf32>
        tpu.vector_store %arg17[%swap3A_521, %swap3A_522], %swap3A_525 {strides = array<i32>} : memref<50x128xf32, #tpu.memory_space<vmem>>, vector<1x16xf32>,
        %get3A_526 = arith.index_cast %add3A_489 : i32 to index
        %get3A_527 = arith.constant 48 : index
        %get3A_528 = tpu.vector_load %arg9[%get3A_526, %get3A_527] {strides = array<i32>} : memref<50x128xf32, #tpu.memory_space<vmem>>, vector<1x16xf32>,
        %get3A_529 = vector.shape_cast %get3A_528 : vector<1x16xf32> to vector<16xf32>
        %mul3A_530 = arith.constant 11.3137083 : f32
        %mul3A_531 = vector.broadcast %mul3A_530 : f32 to vector<16xf32>
        %mul3A_532 = arith.mulf %get3A_529, %mul3A_531 : vector<16xf32>
        %swap3A_533 = arith.index_cast %add3A_489 : i32 to index
        %swap3A_534 = arith.constant 48 : index
        %swap3A_535 = tpu.vector_load %arg17[%swap3A_533, %swap3A_534] {strides = array<i32>} : memref<50x128xf32, #tpu.memory_space<vmem>>, vector<1x16xf32>,
        %swap3A_536 = vector.shape_cast %swap3A_535 : vector<1x16xf32> to vector<16xf32>
        %swap3A_537 = vector.shape_cast %mul3A_532 : vector<16xf32> to vector<1x16xf32>
        tpu.vector_store %arg17[%swap3A_533, %swap3A_534], %swap3A_537 {strides = array<i32>} : memref<50x128xf32, #tpu.memory_space<vmem>>, vector<1x16xf32>,
        %get3A_538 = arith.index_cast %add3A_489 : i32 to index
        %get3A_539 = arith.constant 64 : index
        %get3A_540 = tpu.vector_load %arg9[%get3A_538, %get3A_539] {strides = array<i32>} : memref<50x128xf32, #tpu.memory_space<vmem>>, vector<1x16xf32>,
        %get3A_541 = vector.shape_cast %get3A_540 : vector<1x16xf32> to vector<16xf32>
        %mul3A_542 = arith.constant 11.3137083 : f32
        %mul3A_543 = vector.broadcast %mul3A_542 : f32 to vector<16xf32>
        %mul3A_544 = arith.mulf %get3A_541, %mul3A_543 : vector<16xf32>
        %swap3A_545 = arith.index_cast %add3A_489 : i32 to index
        %swap3A_546 = arith.constant 64 : index
        %swap3A_547 = tpu.vector_load %arg17[%swap3A_545, %swap3A_546] {strides = array<i32>} : memref<50x128xf32, #tpu.memory_space<vmem>>, vector<1x16xf32>,
        %swap3A_548 = vector.shape_cast %swap3A_547 : vector<1x16xf32> to vector<16xf32>
        %swap3A_549 = vector.shape_cast %mul3A_544 : vector<16xf32> to vector<1x16xf32>
        tpu.vector_store %arg17[%swap3A_545, %swap3A_546], %swap3A_549 {strides = array<i32>} : memref<50x128xf32, #tpu.memory_space<vmem>>, vector<1x16xf32>,
        %get3A_550 = arith.index_cast %add3A_489 : i32 to index
        %get3A_551 = arith.constant 80 : index
        %get3A_552 = tpu.vector_load %arg9[%get3A_550, %get3A_551] {strides = array<i32>} : memref<50x128xf32, #tpu.memory_space<vmem>>, vector<1x16xf32>,
        %get3A_553 = vector.shape_cast %get3A_552 : vector<1x16xf32> to vector<16xf32>
        %mul3A_554 = arith.constant 11.3137083 : f32
        %mul3A_555 = vector.broadcast %mul3A_554 : f32 to vector<16xf32>
        %mul3A_556 = arith.mulf %get3A_553, %mul3A_555 : vector<16xf32>
        %swap3A_557 = arith.index_cast %add3A_489 : i32 to index
        %swap3A_558 = arith.constant 80 : index
        %swap3A_559 = tpu.vector_load %arg17[%swap3A_557, %swap3A_558] {strides = array<i32>} : memref<50x128xf32, #tpu.memory_space<vmem>>, vector<1x16xf32>,
        %swap3A_560 = vector.shape_cast %swap3A_559 : vector<1x16xf32> to vector<16xf32>
        %swap3A_561 = vector.shape_cast %mul3A_556 : vector<16xf32> to vector<1x16xf32>
        tpu.vector_store %arg17[%swap3A_557, %swap3A_558], %swap3A_561 {strides = array<i32>} : memref<50x128xf32, #tpu.memory_space<vmem>>, vector<1x16xf32>,
        %get3A_562 = arith.index_cast %add3A_489 : i32 to index
        %get3A_563 = arith.constant 96 : index
        %get3A_564 = tpu.vector_load %arg9[%get3A_562, %get3A_563] {strides = array<i32>} : memref<50x128xf32, #tpu.memory_space<vmem>>, vector<1x16xf32>,
        %get3A_565 = vector.shape_cast %get3A_564 : vector<1x16xf32> to vector<16xf32>
        %mul3A_566 = arith.constant 11.3137083 : f32
        %mul3A_567 = vector.broadcast %mul3A_566 : f32 to vector<16xf32>
        %mul3A_568 = arith.mulf %get3A_565, %mul3A_567 : vector<16xf32>
        %swap3A_569 = arith.index_cast %add3A_489 : i32 to index
        %swap3A_570 = arith.constant 96 : index
        %swap3A_571 = tpu.vector_load %arg17[%swap3A_569, %swap3A_570] {strides = array<i32>} : memref<50x128xf32, #tpu.memory_space<vmem>>, vector<1x16xf32>,
        %swap3A_572 = vector.shape_cast %swap3A_571 : vector<1x16xf32> to vector<16xf32>
        %swap3A_573 = vector.shape_cast %mul3A_568 : vector<16xf32> to vector<1x16xf32>
        tpu.vector_store %arg17[%swap3A_569, %swap3A_570], %swap3A_573 {strides = array<i32>} : memref<50x128xf32, #tpu.memory_space<vmem>>, vector<1x16xf32>,
        %get3A_574 = arith.index_cast %add3A_489 : i32 to index
        %get3A_575 = arith.constant 112 : index
        %get3A_576 = tpu.vector_load %arg9[%get3A_574, %get3A_575] {strides = array<i32>} : memref<50x128xf32, #tpu.memory_space<vmem>>, vector<1x16xf32>,
        %get3A_577 = vector.shape_cast %get3A_576 : vector<1x16xf32> to vector<16xf32>
        %mul3A_578 = arith.constant 11.3137083 : f32
        %mul3A_579 = vector.broadcast %mul3A_578 : f32 to vector<16xf32>
        %mul3A_580 = arith.mulf %get3A_577, %mul3A_579 : vector<16xf32>
        %swap3A_581 = arith.index_cast %add3A_489 : i32 to index
        %swap3A_582 = arith.constant 112 : index
        %swap3A_583 = tpu.vector_load %arg17[%swap3A_581, %swap3A_582] {strides = array<i32>} : memref<50x128xf32, #tpu.memory_space<vmem>>, vector<1x16xf32>,
        %swap3A_584 = vector.shape_cast %swap3A_583 : vector<1x16xf32> to vector<16xf32>
        %swap3A_585 = vector.shape_cast %mul3A_580 : vector<16xf32> to vector<1x16xf32>
        tpu.vector_store %arg17[%swap3A_581, %swap3A_582], %swap3A_585 {strides = array<i32>} : memref<50x128xf32, #tpu.memory_space<vmem>>, vector<1x16xf32>,
      }
      %scan3A_222 = arith.constant 25 : i32
      %add3A_223 = arith.constant 8 : i32
      %add3A_224 = arith.addi %add3A_205, %add3A_223 : i32
      %lt3A_225 = arith.constant 128 : i32
      %lt3A_226 = arith.cmpi slt, %add3A_224, %lt3A_225 : i32
      %convert_element_type3A_227 = arith.extui %lt3A_226 : i1 to i32
      %cond3A_228 = arith.constant 0 : i32
      %cond3A_229 = arith.cmpi ne, %convert_element_type3A_227, %cond3A_228 : i32
      scf.if %cond3A_229 {
        %dma_start3A_387 = arith.constant 0 : i32
        %dma_start3A_388 = tpu.memref_slice %arg5[%add3A_224, %dma_start3A_387] : memref<128x50xi32, #tpu.memory_space<vmem>> -> memref<1x50xi32, #tpu.memory_space<vmem>>
        %dma_start3A_389 = tpu.memref_squeeze %dma_start3A_388 : memref<1x50xi32, #tpu.memory_space<vmem>> -> memref<50xi32, #tpu.memory_space<vmem>>
        %dma_start3A_390 = arith.constant 0 : i32
        %dma_start3A_391 = arith.constant 0 : i32
        %dma_start3A_392 = tpu.memref_slice %arg3[%dma_start3A_390, %dma_start3A_391] : memref<100000x128xf32, #tpu.memory_space<hbm>> -> memref<100000x128xf32, #tpu.memory_space<hbm>>
        tpu.enqueue_indirect_dma source(%dma_start3A_392 : memref<100000x128xf32, #tpu.memory_space<hbm>>) target(%arg9 : memref<50x128xf32, #tpu.memory_space<vmem>>) offsets(%dma_start3A_389 : memref<50xi32, #tpu.memory_space<vmem>>) semaphore(%arg21 : memref<!tpu.dma_semaphore, #tpu.memory_space<semaphore_mem>>)
      } else {
      }
      %add3A_230 = arith.addi %mul3A_2, %add3A_205 : i32
      %dma_start3A_231 = arith.constant 0 : i32
      %dma_start3A_232 = arith.constant 0 : i32
      %dma_start3A_233 = tpu.memref_slice %arg4[%add3A_230, %dma_start3A_231, %dma_start3A_232] : memref<4096x50x128xf32, #tpu.memory_space<hbm>> -> memref<1x50x128xf32, #tpu.memory_space<hbm>>
      %dma_start3A_234 = tpu.memref_squeeze %dma_start3A_233 : memref<1x50x128xf32, #tpu.memory_space<hbm>> -> memref<50x128xf32, #tpu.memory_space<hbm>>
      %dma_start3A_235 = arith.constant 0 : i32
      %dma_start3A_236 = arith.constant 0 : i32
      %dma_start3A_237 = tpu.memref_slice %arg4[%add3A_230, %dma_start3A_235, %dma_start3A_236] : memref<4096x50x128xf32, #tpu.memory_space<hbm>> -> memref<1x50x128xf32, #tpu.memory_space<hbm>>
      %dma_start3A_238 = tpu.memref_squeeze %dma_start3A_237 : memref<1x50x128xf32, #tpu.memory_space<hbm>> -> memref<50x128xf32, #tpu.memory_space<hbm>>
      tpu.enqueue_dma source(%arg17 : memref<50x128xf32, #tpu.memory_space<vmem>>) target(%dma_start3A_238 : memref<50x128xf32, #tpu.memory_space<hbm>>) target_semaphore(%arg29 : memref<!tpu.dma_semaphore, #tpu.memory_space<semaphore_mem>>)
      %mul3A_239 = arith.constant 8 : i32
      %mul3A_240 = arith.muli %scan3A_94, %mul3A_239 : i32
      %add3A_241 = arith.constant 4 : i32
      %add3A_242 = arith.addi %mul3A_240, %add3A_241 : i32
      %dma_wait3A_243 = arith.constant 0 : i32
      %dma_wait3A_244 = tpu.memref_slice %arg5[%add3A_242, %dma_wait3A_243] : memref<128x50xi32, #tpu.memory_space<vmem>> -> memref<1x50xi32, #tpu.memory_space<vmem>>
      %dma_wait3A_245 = tpu.memref_squeeze %dma_wait3A_244 : memref<1x50xi32, #tpu.memory_space<vmem>> -> memref<50xi32, #tpu.memory_space<vmem>>
      %dma_wait3A_246 = arith.constant 0 : i32
      %dma_wait3A_247 = arith.constant 0 : i32
      %dma_wait3A_248 = tpu.memref_slice %arg3[%dma_wait3A_246, %dma_wait3A_247] : memref<100000x128xf32, #tpu.memory_space<hbm>> -> memref<100000x128xf32, #tpu.memory_space<hbm>>
      tpu.wait_indirect_dma semaphore(%arg22 : memref<!tpu.dma_semaphore, #tpu.memory_space<semaphore_mem>>) src(%dma_wait3A_248 : memref<100000x128xf32, #tpu.memory_space<hbm>>) dst(%arg10 : memref<50x128xf32, #tpu.memory_space<vmem>>)
      %ge3A_249 = arith.constant 4 : i32
      %ge3A_250 = arith.cmpi sge, %add3A_242, %ge3A_249 : i32
      %convert_element_type3A_251 = arith.extui %ge3A_250 : i1 to i32
      %cond3A_252 = arith.constant 0 : i32
      %cond3A_253 = arith.cmpi ne, %convert_element_type3A_251, %cond3A_252 : i32
      scf.if %cond3A_253 {
        %dma_wait3A_387 = arith.constant 0 : i32
        %dma_wait3A_388 = arith.constant 0 : i32
        %dma_wait3A_389 = tpu.memref_slice %arg4[%mul3A_2, %dma_wait3A_387, %dma_wait3A_388] : memref<4096x50x128xf32, #tpu.memory_space<hbm>> -> memref<1x50x128xf32, #tpu.memory_space<hbm>>
        %dma_wait3A_390 = tpu.memref_squeeze %dma_wait3A_389 : memref<1x50x128xf32, #tpu.memory_space<hbm>> -> memref<50x128xf32, #tpu.memory_space<hbm>>
        %dma_wait3A_391 = arith.constant 0 : i32
        %dma_wait3A_392 = arith.constant 0 : i32
        %dma_wait3A_393 = tpu.memref_slice %arg4[%mul3A_2, %dma_wait3A_391, %dma_wait3A_392] : memref<4096x50x128xf32, #tpu.memory_space<hbm>> -> memref<1x50x128xf32, #tpu.memory_space<hbm>>
        %dma_wait3A_394 = tpu.memref_squeeze %dma_wait3A_393 : memref<1x50x128xf32, #tpu.memory_space<hbm>> -> memref<50x128xf32, #tpu.memory_space<hbm>>
        tpu.wait_dma2 semaphore(%arg26 : memref<!tpu.dma_semaphore, #tpu.memory_space<semaphore_mem>>) src(%arg14 : memref<50x128xf32, #tpu.memory_space<vmem>>) dst(%dma_wait3A_394 : memref<50x128xf32, #tpu.memory_space<hbm>>)
      } else {
      }
      %scan3A_254 = arith.constant 0 : i32
      %scan3A_255 = arith.constant 0 : i32
      %scan3A_256 = arith.constant 25 : i32
      %scan3A_257 = arith.addi %scan3A_255, %scan3A_256 : i32
      %scan3A_258 = arith.constant 1 : i32
      scf.for %scan3A_387 = %scan3A_255 to %scan3A_257 step %scan3A_258  : i32 {
        %mul3A_388 = arith.constant 2 : i32
        %mul3A_389 = arith.muli %scan3A_387, %mul3A_388 : i32
        %add3A_390 = arith.constant 0 : i32
        %add3A_391 = arith.addi %mul3A_389, %add3A_390 : i32
        %get3A = arith.index_cast %add3A_391 : i32 to index
        %get3A_392 = arith.constant 0 : index
        %get3A_393 = tpu.vector_load %arg10[%get3A, %get3A_392] {strides = array<i32>} : memref<50x128xf32, #tpu.memory_space<vmem>>, vector<1x16xf32>,
        %get3A_394 = vector.shape_cast %get3A_393 : vector<1x16xf32> to vector<16xf32>
        %mul3A_395 = arith.constant 11.3137083 : f32
        %mul3A_396 = vector.broadcast %mul3A_395 : f32 to vector<16xf32>
        %mul3A_397 = arith.mulf %get3A_394, %mul3A_396 : vector<16xf32>
        %swap3A = arith.index_cast %add3A_391 : i32 to index
        %swap3A_398 = arith.constant 0 : index
        %swap3A_399 = tpu.vector_load %arg14[%swap3A, %swap3A_398] {strides = array<i32>} : memref<50x128xf32, #tpu.memory_space<vmem>>, vector<1x16xf32>,
        %swap3A_400 = vector.shape_cast %swap3A_399 : vector<1x16xf32> to vector<16xf32>
        %swap3A_401 = vector.shape_cast %mul3A_397 : vector<16xf32> to vector<1x16xf32>
        tpu.vector_store %arg14[%swap3A, %swap3A_398], %swap3A_401 {strides = array<i32>} : memref<50x128xf32, #tpu.memory_space<vmem>>, vector<1x16xf32>,
        %get3A_402 = arith.index_cast %add3A_391 : i32 to index
        %get3A_403 = arith.constant 16 : index
        %get3A_404 = tpu.vector_load %arg10[%get3A_402, %get3A_403] {strides = array<i32>} : memref<50x128xf32, #tpu.memory_space<vmem>>, vector<1x16xf32>,
        %get3A_405 = vector.shape_cast %get3A_404 : vector<1x16xf32> to vector<16xf32>
        %mul3A_406 = arith.constant 11.3137083 : f32
        %mul3A_407 = vector.broadcast %mul3A_406 : f32 to vector<16xf32>
        %mul3A_408 = arith.mulf %get3A_405, %mul3A_407 : vector<16xf32>
        %swap3A_409 = arith.index_cast %add3A_391 : i32 to index
        %swap3A_410 = arith.constant 16 : index
        %swap3A_411 = tpu.vector_load %arg14[%swap3A_409, %swap3A_410] {strides = array<i32>} : memref<50x128xf32, #tpu.memory_space<vmem>>, vector<1x16xf32>,
        %swap3A_412 = vector.shape_cast %swap3A_411 : vector<1x16xf32> to vector<16xf32>
        %swap3A_413 = vector.shape_cast %mul3A_408 : vector<16xf32> to vector<1x16xf32>
        tpu.vector_store %arg14[%swap3A_409, %swap3A_410], %swap3A_413 {strides = array<i32>} : memref<50x128xf32, #tpu.memory_space<vmem>>, vector<1x16xf32>,
        %get3A_414 = arith.index_cast %add3A_391 : i32 to index
        %get3A_415 = arith.constant 32 : index
        %get3A_416 = tpu.vector_load %arg10[%get3A_414, %get3A_415] {strides = array<i32>} : memref<50x128xf32, #tpu.memory_space<vmem>>, vector<1x16xf32>,
        %get3A_417 = vector.shape_cast %get3A_416 : vector<1x16xf32> to vector<16xf32>
        %mul3A_418 = arith.constant 11.3137083 : f32
        %mul3A_419 = vector.broadcast %mul3A_418 : f32 to vector<16xf32>
        %mul3A_420 = arith.mulf %get3A_417, %mul3A_419 : vector<16xf32>
        %swap3A_421 = arith.index_cast %add3A_391 : i32 to index
        %swap3A_422 = arith.constant 32 : index
        %swap3A_423 = tpu.vector_load %arg14[%swap3A_421, %swap3A_422] {strides = array<i32>} : memref<50x128xf32, #tpu.memory_space<vmem>>, vector<1x16xf32>,
        %swap3A_424 = vector.shape_cast %swap3A_423 : vector<1x16xf32> to vector<16xf32>
        %swap3A_425 = vector.shape_cast %mul3A_420 : vector<16xf32> to vector<1x16xf32>
        tpu.vector_store %arg14[%swap3A_421, %swap3A_422], %swap3A_425 {strides = array<i32>} : memref<50x128xf32, #tpu.memory_space<vmem>>, vector<1x16xf32>,
        %get3A_426 = arith.index_cast %add3A_391 : i32 to index
        %get3A_427 = arith.constant 48 : index
        %get3A_428 = tpu.vector_load %arg10[%get3A_426, %get3A_427] {strides = array<i32>} : memref<50x128xf32, #tpu.memory_space<vmem>>, vector<1x16xf32>,
        %get3A_429 = vector.shape_cast %get3A_428 : vector<1x16xf32> to vector<16xf32>
        %mul3A_430 = arith.constant 11.3137083 : f32
        %mul3A_431 = vector.broadcast %mul3A_430 : f32 to vector<16xf32>
        %mul3A_432 = arith.mulf %get3A_429, %mul3A_431 : vector<16xf32>
        %swap3A_433 = arith.index_cast %add3A_391 : i32 to index
        %swap3A_434 = arith.constant 48 : index
        %swap3A_435 = tpu.vector_load %arg14[%swap3A_433, %swap3A_434] {strides = array<i32>} : memref<50x128xf32, #tpu.memory_space<vmem>>, vector<1x16xf32>,
        %swap3A_436 = vector.shape_cast %swap3A_435 : vector<1x16xf32> to vector<16xf32>
        %swap3A_437 = vector.shape_cast %mul3A_432 : vector<16xf32> to vector<1x16xf32>
        tpu.vector_store %arg14[%swap3A_433, %swap3A_434], %swap3A_437 {strides = array<i32>} : memref<50x128xf32, #tpu.memory_space<vmem>>, vector<1x16xf32>,
        %get3A_438 = arith.index_cast %add3A_391 : i32 to index
        %get3A_439 = arith.constant 64 : index
        %get3A_440 = tpu.vector_load %arg10[%get3A_438, %get3A_439] {strides = array<i32>} : memref<50x128xf32, #tpu.memory_space<vmem>>, vector<1x16xf32>,
        %get3A_441 = vector.shape_cast %get3A_440 : vector<1x16xf32> to vector<16xf32>
        %mul3A_442 = arith.constant 11.3137083 : f32
        %mul3A_443 = vector.broadcast %mul3A_442 : f32 to vector<16xf32>
        %mul3A_444 = arith.mulf %get3A_441, %mul3A_443 : vector<16xf32>
        %swap3A_445 = arith.index_cast %add3A_391 : i32 to index
        %swap3A_446 = arith.constant 64 : index
        %swap3A_447 = tpu.vector_load %arg14[%swap3A_445, %swap3A_446] {strides = array<i32>} : memref<50x128xf32, #tpu.memory_space<vmem>>, vector<1x16xf32>,
        %swap3A_448 = vector.shape_cast %swap3A_447 : vector<1x16xf32> to vector<16xf32>
        %swap3A_449 = vector.shape_cast %mul3A_444 : vector<16xf32> to vector<1x16xf32>
        tpu.vector_store %arg14[%swap3A_445, %swap3A_446], %swap3A_449 {strides = array<i32>} : memref<50x128xf32, #tpu.memory_space<vmem>>, vector<1x16xf32>,
        %get3A_450 = arith.index_cast %add3A_391 : i32 to index
        %get3A_451 = arith.constant 80 : index
        %get3A_452 = tpu.vector_load %arg10[%get3A_450, %get3A_451] {strides = array<i32>} : memref<50x128xf32, #tpu.memory_space<vmem>>, vector<1x16xf32>,
        %get3A_453 = vector.shape_cast %get3A_452 : vector<1x16xf32> to vector<16xf32>
        %mul3A_454 = arith.constant 11.3137083 : f32
        %mul3A_455 = vector.broadcast %mul3A_454 : f32 to vector<16xf32>
        %mul3A_456 = arith.mulf %get3A_453, %mul3A_455 : vector<16xf32>
        %swap3A_457 = arith.index_cast %add3A_391 : i32 to index
        %swap3A_458 = arith.constant 80 : index
        %swap3A_459 = tpu.vector_load %arg14[%swap3A_457, %swap3A_458] {strides = array<i32>} : memref<50x128xf32, #tpu.memory_space<vmem>>, vector<1x16xf32>,
        %swap3A_460 = vector.shape_cast %swap3A_459 : vector<1x16xf32> to vector<16xf32>
        %swap3A_461 = vector.shape_cast %mul3A_456 : vector<16xf32> to vector<1x16xf32>
        tpu.vector_store %arg14[%swap3A_457, %swap3A_458], %swap3A_461 {strides = array<i32>} : memref<50x128xf32, #tpu.memory_space<vmem>>, vector<1x16xf32>,
        %get3A_462 = arith.index_cast %add3A_391 : i32 to index
        %get3A_463 = arith.constant 96 : index
        %get3A_464 = tpu.vector_load %arg10[%get3A_462, %get3A_463] {strides = array<i32>} : memref<50x128xf32, #tpu.memory_space<vmem>>, vector<1x16xf32>,
        %get3A_465 = vector.shape_cast %get3A_464 : vector<1x16xf32> to vector<16xf32>
        %mul3A_466 = arith.constant 11.3137083 : f32
        %mul3A_467 = vector.broadcast %mul3A_466 : f32 to vector<16xf32>
        %mul3A_468 = arith.mulf %get3A_465, %mul3A_467 : vector<16xf32>
        %swap3A_469 = arith.index_cast %add3A_391 : i32 to index
        %swap3A_470 = arith.constant 96 : index
        %swap3A_471 = tpu.vector_load %arg14[%swap3A_469, %swap3A_470] {strides = array<i32>} : memref<50x128xf32, #tpu.memory_space<vmem>>, vector<1x16xf32>,
        %swap3A_472 = vector.shape_cast %swap3A_471 : vector<1x16xf32> to vector<16xf32>
        %swap3A_473 = vector.shape_cast %mul3A_468 : vector<16xf32> to vector<1x16xf32>
        tpu.vector_store %arg14[%swap3A_469, %swap3A_470], %swap3A_473 {strides = array<i32>} : memref<50x128xf32, #tpu.memory_space<vmem>>, vector<1x16xf32>,
        %get3A_474 = arith.index_cast %add3A_391 : i32 to index
        %get3A_475 = arith.constant 112 : index
        %get3A_476 = tpu.vector_load %arg10[%get3A_474, %get3A_475] {strides = array<i32>} : memref<50x128xf32, #tpu.memory_space<vmem>>, vector<1x16xf32>,
        %get3A_477 = vector.shape_cast %get3A_476 : vector<1x16xf32> to vector<16xf32>
        %mul3A_478 = arith.constant 11.3137083 : f32
        %mul3A_479 = vector.broadcast %mul3A_478 : f32 to vector<16xf32>
        %mul3A_480 = arith.mulf %get3A_477, %mul3A_479 : vector<16xf32>
        %swap3A_481 = arith.index_cast %add3A_391 : i32 to index
        %swap3A_482 = arith.constant 112 : index
        %swap3A_483 = tpu.vector_load %arg14[%swap3A_481, %swap3A_482] {strides = array<i32>} : memref<50x128xf32, #tpu.memory_space<vmem>>, vector<1x16xf32>,
        %swap3A_484 = vector.shape_cast %swap3A_483 : vector<1x16xf32> to vector<16xf32>
        %swap3A_485 = vector.shape_cast %mul3A_480 : vector<16xf32> to vector<1x16xf32>
        tpu.vector_store %arg14[%swap3A_481, %swap3A_482], %swap3A_485 {strides = array<i32>} : memref<50x128xf32, #tpu.memory_space<vmem>>, vector<1x16xf32>,
        %mul3A_486 = arith.constant 2 : i32
        %mul3A_487 = arith.muli %scan3A_387, %mul3A_486 : i32
        %add3A_488 = arith.constant 1 : i32
        %add3A_489 = arith.addi %mul3A_487, %add3A_488 : i32
        %get3A_490 = arith.index_cast %add3A_489 : i32 to index
        %get3A_491 = arith.constant 0 : index
        %get3A_492 = tpu.vector_load %arg10[%get3A_490, %get3A_491] {strides = array<i32>} : memref<50x128xf32, #tpu.memory_space<vmem>>, vector<1x16xf32>,
        %get3A_493 = vector.shape_cast %get3A_492 : vector<1x16xf32> to vector<16xf32>
        %mul3A_494 = arith.constant 11.3137083 : f32
        %mul3A_495 = vector.broadcast %mul3A_494 : f32 to vector<16xf32>
        %mul3A_496 = arith.mulf %get3A_493, %mul3A_495 : vector<16xf32>
        %swap3A_497 = arith.index_cast %add3A_489 : i32 to index
        %swap3A_498 = arith.constant 0 : index
        %swap3A_499 = tpu.vector_load %arg14[%swap3A_497, %swap3A_498] {strides = array<i32>} : memref<50x128xf32, #tpu.memory_space<vmem>>, vector<1x16xf32>,
        %swap3A_500 = vector.shape_cast %swap3A_499 : vector<1x16xf32> to vector<16xf32>
        %swap3A_501 = vector.shape_cast %mul3A_496 : vector<16xf32> to vector<1x16xf32>
        tpu.vector_store %arg14[%swap3A_497, %swap3A_498], %swap3A_501 {strides = array<i32>} : memref<50x128xf32, #tpu.memory_space<vmem>>, vector<1x16xf32>,
        %get3A_502 = arith.index_cast %add3A_489 : i32 to index
        %get3A_503 = arith.constant 16 : index
        %get3A_504 = tpu.vector_load %arg10[%get3A_502, %get3A_503] {strides = array<i32>} : memref<50x128xf32, #tpu.memory_space<vmem>>, vector<1x16xf32>,
        %get3A_505 = vector.shape_cast %get3A_504 : vector<1x16xf32> to vector<16xf32>
        %mul3A_506 = arith.constant 11.3137083 : f32
        %mul3A_507 = vector.broadcast %mul3A_506 : f32 to vector<16xf32>
        %mul3A_508 = arith.mulf %get3A_505, %mul3A_507 : vector<16xf32>
        %swap3A_509 = arith.index_cast %add3A_489 : i32 to index
        %swap3A_510 = arith.constant 16 : index
        %swap3A_511 = tpu.vector_load %arg14[%swap3A_509, %swap3A_510] {strides = array<i32>} : memref<50x128xf32, #tpu.memory_space<vmem>>, vector<1x16xf32>,
        %swap3A_512 = vector.shape_cast %swap3A_511 : vector<1x16xf32> to vector<16xf32>
        %swap3A_513 = vector.shape_cast %mul3A_508 : vector<16xf32> to vector<1x16xf32>
        tpu.vector_store %arg14[%swap3A_509, %swap3A_510], %swap3A_513 {strides = array<i32>} : memref<50x128xf32, #tpu.memory_space<vmem>>, vector<1x16xf32>,
        %get3A_514 = arith.index_cast %add3A_489 : i32 to index
        %get3A_515 = arith.constant 32 : index
        %get3A_516 = tpu.vector_load %arg10[%get3A_514, %get3A_515] {strides = array<i32>} : memref<50x128xf32, #tpu.memory_space<vmem>>, vector<1x16xf32>,
        %get3A_517 = vector.shape_cast %get3A_516 : vector<1x16xf32> to vector<16xf32>
        %mul3A_518 = arith.constant 11.3137083 : f32
        %mul3A_519 = vector.broadcast %mul3A_518 : f32 to vector<16xf32>
        %mul3A_520 = arith.mulf %get3A_517, %mul3A_519 : vector<16xf32>
        %swap3A_521 = arith.index_cast %add3A_489 : i32 to index
        %swap3A_522 = arith.constant 32 : index
        %swap3A_523 = tpu.vector_load %arg14[%swap3A_521, %swap3A_522] {strides = array<i32>} : memref<50x128xf32, #tpu.memory_space<vmem>>, vector<1x16xf32>,
        %swap3A_524 = vector.shape_cast %swap3A_523 : vector<1x16xf32> to vector<16xf32>
        %swap3A_525 = vector.shape_cast %mul3A_520 : vector<16xf32> to vector<1x16xf32>
        tpu.vector_store %arg14[%swap3A_521, %swap3A_522], %swap3A_525 {strides = array<i32>} : memref<50x128xf32, #tpu.memory_space<vmem>>, vector<1x16xf32>,
        %get3A_526 = arith.index_cast %add3A_489 : i32 to index
        %get3A_527 = arith.constant 48 : index
        %get3A_528 = tpu.vector_load %arg10[%get3A_526, %get3A_527] {strides = array<i32>} : memref<50x128xf32, #tpu.memory_space<vmem>>, vector<1x16xf32>,
        %get3A_529 = vector.shape_cast %get3A_528 : vector<1x16xf32> to vector<16xf32>
        %mul3A_530 = arith.constant 11.3137083 : f32
        %mul3A_531 = vector.broadcast %mul3A_530 : f32 to vector<16xf32>
        %mul3A_532 = arith.mulf %get3A_529, %mul3A_531 : vector<16xf32>
        %swap3A_533 = arith.index_cast %add3A_489 : i32 to index
        %swap3A_534 = arith.constant 48 : index
        %swap3A_535 = tpu.vector_load %arg14[%swap3A_533, %swap3A_534] {strides = array<i32>} : memref<50x128xf32, #tpu.memory_space<vmem>>, vector<1x16xf32>,
        %swap3A_536 = vector.shape_cast %swap3A_535 : vector<1x16xf32> to vector<16xf32>
        %swap3A_537 = vector.shape_cast %mul3A_532 : vector<16xf32> to vector<1x16xf32>
        tpu.vector_store %arg14[%swap3A_533, %swap3A_534], %swap3A_537 {strides = array<i32>} : memref<50x128xf32, #tpu.memory_space<vmem>>, vector<1x16xf32>,
        %get3A_538 = arith.index_cast %add3A_489 : i32 to index
        %get3A_539 = arith.constant 64 : index
        %get3A_540 = tpu.vector_load %arg10[%get3A_538, %get3A_539] {strides = array<i32>} : memref<50x128xf32, #tpu.memory_space<vmem>>, vector<1x16xf32>,
        %get3A_541 = vector.shape_cast %get3A_540 : vector<1x16xf32> to vector<16xf32>
        %mul3A_542 = arith.constant 11.3137083 : f32
        %mul3A_543 = vector.broadcast %mul3A_542 : f32 to vector<16xf32>
        %mul3A_544 = arith.mulf %get3A_541, %mul3A_543 : vector<16xf32>
        %swap3A_545 = arith.index_cast %add3A_489 : i32 to index
        %swap3A_546 = arith.constant 64 : index
        %swap3A_547 = tpu.vector_load %arg14[%swap3A_545, %swap3A_546] {strides = array<i32>} : memref<50x128xf32, #tpu.memory_space<vmem>>, vector<1x16xf32>,
        %swap3A_548 = vector.shape_cast %swap3A_547 : vector<1x16xf32> to vector<16xf32>
        %swap3A_549 = vector.shape_cast %mul3A_544 : vector<16xf32> to vector<1x16xf32>
        tpu.vector_store %arg14[%swap3A_545, %swap3A_546], %swap3A_549 {strides = array<i32>} : memref<50x128xf32, #tpu.memory_space<vmem>>, vector<1x16xf32>,
        %get3A_550 = arith.index_cast %add3A_489 : i32 to index
        %get3A_551 = arith.constant 80 : index
        %get3A_552 = tpu.vector_load %arg10[%get3A_550, %get3A_551] {strides = array<i32>} : memref<50x128xf32, #tpu.memory_space<vmem>>, vector<1x16xf32>,
        %get3A_553 = vector.shape_cast %get3A_552 : vector<1x16xf32> to vector<16xf32>
        %mul3A_554 = arith.constant 11.3137083 : f32
        %mul3A_555 = vector.broadcast %mul3A_554 : f32 to vector<16xf32>
        %mul3A_556 = arith.mulf %get3A_553, %mul3A_555 : vector<16xf32>
        %swap3A_557 = arith.index_cast %add3A_489 : i32 to index
        %swap3A_558 = arith.constant 80 : index
        %swap3A_559 = tpu.vector_load %arg14[%swap3A_557, %swap3A_558] {strides = array<i32>} : memref<50x128xf32, #tpu.memory_space<vmem>>, vector<1x16xf32>,
        %swap3A_560 = vector.shape_cast %swap3A_559 : vector<1x16xf32> to vector<16xf32>
        %swap3A_561 = vector.shape_cast %mul3A_556 : vector<16xf32> to vector<1x16xf32>
        tpu.vector_store %arg14[%swap3A_557, %swap3A_558], %swap3A_561 {strides = array<i32>} : memref<50x128xf32, #tpu.memory_space<vmem>>, vector<1x16xf32>,
        %get3A_562 = arith.index_cast %add3A_489 : i32 to index
        %get3A_563 = arith.constant 96 : index
        %get3A_564 = tpu.vector_load %arg10[%get3A_562, %get3A_563] {strides = array<i32>} : memref<50x128xf32, #tpu.memory_space<vmem>>, vector<1x16xf32>,
        %get3A_565 = vector.shape_cast %get3A_564 : vector<1x16xf32> to vector<16xf32>
        %mul3A_566 = arith.constant 11.3137083 : f32
        %mul3A_567 = vector.broadcast %mul3A_566 : f32 to vector<16xf32>
        %mul3A_568 = arith.mulf %get3A_565, %mul3A_567 : vector<16xf32>
        %swap3A_569 = arith.index_cast %add3A_489 : i32 to index
        %swap3A_570 = arith.constant 96 : index
        %swap3A_571 = tpu.vector_load %arg14[%swap3A_569, %swap3A_570] {strides = array<i32>} : memref<50x128xf32, #tpu.memory_space<vmem>>, vector<1x16xf32>,
        %swap3A_572 = vector.shape_cast %swap3A_571 : vector<1x16xf32> to vector<16xf32>
        %swap3A_573 = vector.shape_cast %mul3A_568 : vector<16xf32> to vector<1x16xf32>
        tpu.vector_store %arg14[%swap3A_569, %swap3A_570], %swap3A_573 {strides = array<i32>} : memref<50x128xf32, #tpu.memory_space<vmem>>, vector<1x16xf32>,
        %get3A_574 = arith.index_cast %add3A_489 : i32 to index
        %get3A_575 = arith.constant 112 : index
        %get3A_576 = tpu.vector_load %arg10[%get3A_574, %get3A_575] {strides = array<i32>} : memref<50x128xf32, #tpu.memory_space<vmem>>, vector<1x16xf32>,
        %get3A_577 = vector.shape_cast %get3A_576 : vector<1x16xf32> to vector<16xf32>
        %mul3A_578 = arith.constant 11.3137083 : f32
        %mul3A_579 = vector.broadcast %mul3A_578 : f32 to vector<16xf32>
        %mul3A_580 = arith.mulf %get3A_577, %mul3A_579 : vector<16xf32>
        %swap3A_581 = arith.index_cast %add3A_489 : i32 to index
        %swap3A_582 = arith.constant 112 : index
        %swap3A_583 = tpu.vector_load %arg14[%swap3A_581, %swap3A_582] {strides = array<i32>} : memref<50x128xf32, #tpu.memory_space<vmem>>, vector<1x16xf32>,
        %swap3A_584 = vector.shape_cast %swap3A_583 : vector<1x16xf32> to vector<16xf32>
        %swap3A_585 = vector.shape_cast %mul3A_580 : vector<16xf32> to vector<1x16xf32>
        tpu.vector_store %arg14[%swap3A_581, %swap3A_582], %swap3A_585 {strides = array<i32>} : memref<50x128xf32, #tpu.memory_space<vmem>>, vector<1x16xf32>,
      }
      %scan3A_259 = arith.constant 25 : i32
      %add3A_260 = arith.constant 8 : i32
      %add3A_261 = arith.addi %add3A_242, %add3A_260 : i32
      %lt3A_262 = arith.constant 128 : i32
      %lt3A_263 = arith.cmpi slt, %add3A_261, %lt3A_262 : i32
      %convert_element_type3A_264 = arith.extui %lt3A_263 : i1 to i32
      %cond3A_265 = arith.constant 0 : i32
      %cond3A_266 = arith.cmpi ne, %convert_element_type3A_264, %cond3A_265 : i32
      scf.if %cond3A_266 {
        %dma_start3A_387 = arith.constant 0 : i32
        %dma_start3A_388 = tpu.memref_slice %arg5[%add3A_261, %dma_start3A_387] : memref<128x50xi32, #tpu.memory_space<vmem>> -> memref<1x50xi32, #tpu.memory_space<vmem>>
        %dma_start3A_389 = tpu.memref_squeeze %dma_start3A_388 : memref<1x50xi32, #tpu.memory_space<vmem>> -> memref<50xi32, #tpu.memory_space<vmem>>
        %dma_start3A_390 = arith.constant 0 : i32
        %dma_start3A_391 = arith.constant 0 : i32
        %dma_start3A_392 = tpu.memref_slice %arg3[%dma_start3A_390, %dma_start3A_391] : memref<100000x128xf32, #tpu.memory_space<hbm>> -> memref<100000x128xf32, #tpu.memory_space<hbm>>
        tpu.enqueue_indirect_dma source(%dma_start3A_392 : memref<100000x128xf32, #tpu.memory_space<hbm>>) target(%arg10 : memref<50x128xf32, #tpu.memory_space<vmem>>) offsets(%dma_start3A_389 : memref<50xi32, #tpu.memory_space<vmem>>) semaphore(%arg22 : memref<!tpu.dma_semaphore, #tpu.memory_space<semaphore_mem>>)
      } else {
      }
      %add3A_267 = arith.addi %mul3A_2, %add3A_242 : i32
      %dma_start3A_268 = arith.constant 0 : i32
      %dma_start3A_269 = arith.constant 0 : i32
      %dma_start3A_270 = tpu.memref_slice %arg4[%add3A_267, %dma_start3A_268, %dma_start3A_269] : memref<4096x50x128xf32, #tpu.memory_space<hbm>> -> memref<1x50x128xf32, #tpu.memory_space<hbm>>
      %dma_start3A_271 = tpu.memref_squeeze %dma_start3A_270 : memref<1x50x128xf32, #tpu.memory_space<hbm>> -> memref<50x128xf32, #tpu.memory_space<hbm>>
      %dma_start3A_272 = arith.constant 0 : i32
      %dma_start3A_273 = arith.constant 0 : i32
      %dma_start3A_274 = tpu.memref_slice %arg4[%add3A_267, %dma_start3A_272, %dma_start3A_273] : memref<4096x50x128xf32, #tpu.memory_space<hbm>> -> memref<1x50x128xf32, #tpu.memory_space<hbm>>
      %dma_start3A_275 = tpu.memref_squeeze %dma_start3A_274 : memref<1x50x128xf32, #tpu.memory_space<hbm>> -> memref<50x128xf32, #tpu.memory_space<hbm>>
      tpu.enqueue_dma source(%arg14 : memref<50x128xf32, #tpu.memory_space<vmem>>) target(%dma_start3A_275 : memref<50x128xf32, #tpu.memory_space<hbm>>) target_semaphore(%arg26 : memref<!tpu.dma_semaphore, #tpu.memory_space<semaphore_mem>>)
      %mul3A_276 = arith.constant 8 : i32
      %mul3A_277 = arith.muli %scan3A_94, %mul3A_276 : i32
      %add3A_278 = arith.constant 5 : i32
      %add3A_279 = arith.addi %mul3A_277, %add3A_278 : i32
      %dma_wait3A_280 = arith.constant 0 : i32
      %dma_wait3A_281 = tpu.memref_slice %arg5[%add3A_279, %dma_wait3A_280] : memref<128x50xi32, #tpu.memory_space<vmem>> -> memref<1x50xi32, #tpu.memory_space<vmem>>
      %dma_wait3A_282 = tpu.memref_squeeze %dma_wait3A_281 : memref<1x50xi32, #tpu.memory_space<vmem>> -> memref<50xi32, #tpu.memory_space<vmem>>
      %dma_wait3A_283 = arith.constant 0 : i32
      %dma_wait3A_284 = arith.constant 0 : i32
      %dma_wait3A_285 = tpu.memref_slice %arg3[%dma_wait3A_283, %dma_wait3A_284] : memref<100000x128xf32, #tpu.memory_space<hbm>> -> memref<100000x128xf32, #tpu.memory_space<hbm>>
      tpu.wait_indirect_dma semaphore(%arg23 : memref<!tpu.dma_semaphore, #tpu.memory_space<semaphore_mem>>) src(%dma_wait3A_285 : memref<100000x128xf32, #tpu.memory_space<hbm>>) dst(%arg11 : memref<50x128xf32, #tpu.memory_space<vmem>>)
      %ge3A_286 = arith.constant 4 : i32
      %ge3A_287 = arith.cmpi sge, %add3A_279, %ge3A_286 : i32
      %convert_element_type3A_288 = arith.extui %ge3A_287 : i1 to i32
      %cond3A_289 = arith.constant 0 : i32
      %cond3A_290 = arith.cmpi ne, %convert_element_type3A_288, %cond3A_289 : i32
      scf.if %cond3A_290 {
        %dma_wait3A_387 = arith.constant 0 : i32
        %dma_wait3A_388 = arith.constant 0 : i32
        %dma_wait3A_389 = tpu.memref_slice %arg4[%mul3A_2, %dma_wait3A_387, %dma_wait3A_388] : memref<4096x50x128xf32, #tpu.memory_space<hbm>> -> memref<1x50x128xf32, #tpu.memory_space<hbm>>
        %dma_wait3A_390 = tpu.memref_squeeze %dma_wait3A_389 : memref<1x50x128xf32, #tpu.memory_space<hbm>> -> memref<50x128xf32, #tpu.memory_space<hbm>>
        %dma_wait3A_391 = arith.constant 0 : i32
        %dma_wait3A_392 = arith.constant 0 : i32
        %dma_wait3A_393 = tpu.memref_slice %arg4[%mul3A_2, %dma_wait3A_391, %dma_wait3A_392] : memref<4096x50x128xf32, #tpu.memory_space<hbm>> -> memref<1x50x128xf32, #tpu.memory_space<hbm>>
        %dma_wait3A_394 = tpu.memref_squeeze %dma_wait3A_393 : memref<1x50x128xf32, #tpu.memory_space<hbm>> -> memref<50x128xf32, #tpu.memory_space<hbm>>
        tpu.wait_dma2 semaphore(%arg27 : memref<!tpu.dma_semaphore, #tpu.memory_space<semaphore_mem>>) src(%arg15 : memref<50x128xf32, #tpu.memory_space<vmem>>) dst(%dma_wait3A_394 : memref<50x128xf32, #tpu.memory_space<hbm>>)
      } else {
      }
      %scan3A_291 = arith.constant 0 : i32
      %scan3A_292 = arith.constant 0 : i32
      %scan3A_293 = arith.constant 25 : i32
      %scan3A_294 = arith.addi %scan3A_292, %scan3A_293 : i32
      %scan3A_295 = arith.constant 1 : i32
      scf.for %scan3A_387 = %scan3A_292 to %scan3A_294 step %scan3A_295  : i32 {
        %mul3A_388 = arith.constant 2 : i32
        %mul3A_389 = arith.muli %scan3A_387, %mul3A_388 : i32
        %add3A_390 = arith.constant 0 : i32
        %add3A_391 = arith.addi %mul3A_389, %add3A_390 : i32
        %get3A = arith.index_cast %add3A_391 : i32 to index
        %get3A_392 = arith.constant 0 : index
        %get3A_393 = tpu.vector_load %arg11[%get3A, %get3A_392] {strides = array<i32>} : memref<50x128xf32, #tpu.memory_space<vmem>>, vector<1x16xf32>,
        %get3A_394 = vector.shape_cast %get3A_393 : vector<1x16xf32> to vector<16xf32>
        %mul3A_395 = arith.constant 11.3137083 : f32
        %mul3A_396 = vector.broadcast %mul3A_395 : f32 to vector<16xf32>
        %mul3A_397 = arith.mulf %get3A_394, %mul3A_396 : vector<16xf32>
        %swap3A = arith.index_cast %add3A_391 : i32 to index
        %swap3A_398 = arith.constant 0 : index
        %swap3A_399 = tpu.vector_load %arg15[%swap3A, %swap3A_398] {strides = array<i32>} : memref<50x128xf32, #tpu.memory_space<vmem>>, vector<1x16xf32>,
        %swap3A_400 = vector.shape_cast %swap3A_399 : vector<1x16xf32> to vector<16xf32>
        %swap3A_401 = vector.shape_cast %mul3A_397 : vector<16xf32> to vector<1x16xf32>
        tpu.vector_store %arg15[%swap3A, %swap3A_398], %swap3A_401 {strides = array<i32>} : memref<50x128xf32, #tpu.memory_space<vmem>>, vector<1x16xf32>,
        %get3A_402 = arith.index_cast %add3A_391 : i32 to index
        %get3A_403 = arith.constant 16 : index
        %get3A_404 = tpu.vector_load %arg11[%get3A_402, %get3A_403] {strides = array<i32>} : memref<50x128xf32, #tpu.memory_space<vmem>>, vector<1x16xf32>,
        %get3A_405 = vector.shape_cast %get3A_404 : vector<1x16xf32> to vector<16xf32>
        %mul3A_406 = arith.constant 11.3137083 : f32
        %mul3A_407 = vector.broadcast %mul3A_406 : f32 to vector<16xf32>
        %mul3A_408 = arith.mulf %get3A_405, %mul3A_407 : vector<16xf32>
        %swap3A_409 = arith.index_cast %add3A_391 : i32 to index
        %swap3A_410 = arith.constant 16 : index
        %swap3A_411 = tpu.vector_load %arg15[%swap3A_409, %swap3A_410] {strides = array<i32>} : memref<50x128xf32, #tpu.memory_space<vmem>>, vector<1x16xf32>,
        %swap3A_412 = vector.shape_cast %swap3A_411 : vector<1x16xf32> to vector<16xf32>
        %swap3A_413 = vector.shape_cast %mul3A_408 : vector<16xf32> to vector<1x16xf32>
        tpu.vector_store %arg15[%swap3A_409, %swap3A_410], %swap3A_413 {strides = array<i32>} : memref<50x128xf32, #tpu.memory_space<vmem>>, vector<1x16xf32>,
        %get3A_414 = arith.index_cast %add3A_391 : i32 to index
        %get3A_415 = arith.constant 32 : index
        %get3A_416 = tpu.vector_load %arg11[%get3A_414, %get3A_415] {strides = array<i32>} : memref<50x128xf32, #tpu.memory_space<vmem>>, vector<1x16xf32>,
        %get3A_417 = vector.shape_cast %get3A_416 : vector<1x16xf32> to vector<16xf32>
        %mul3A_418 = arith.constant 11.3137083 : f32
        %mul3A_419 = vector.broadcast %mul3A_418 : f32 to vector<16xf32>
        %mul3A_420 = arith.mulf %get3A_417, %mul3A_419 : vector<16xf32>
        %swap3A_421 = arith.index_cast %add3A_391 : i32 to index
        %swap3A_422 = arith.constant 32 : index
        %swap3A_423 = tpu.vector_load %arg15[%swap3A_421, %swap3A_422] {strides = array<i32>} : memref<50x128xf32, #tpu.memory_space<vmem>>, vector<1x16xf32>,
        %swap3A_424 = vector.shape_cast %swap3A_423 : vector<1x16xf32> to vector<16xf32>
        %swap3A_425 = vector.shape_cast %mul3A_420 : vector<16xf32> to vector<1x16xf32>
        tpu.vector_store %arg15[%swap3A_421, %swap3A_422], %swap3A_425 {strides = array<i32>} : memref<50x128xf32, #tpu.memory_space<vmem>>, vector<1x16xf32>,
        %get3A_426 = arith.index_cast %add3A_391 : i32 to index
        %get3A_427 = arith.constant 48 : index
        %get3A_428 = tpu.vector_load %arg11[%get3A_426, %get3A_427] {strides = array<i32>} : memref<50x128xf32, #tpu.memory_space<vmem>>, vector<1x16xf32>,
        %get3A_429 = vector.shape_cast %get3A_428 : vector<1x16xf32> to vector<16xf32>
        %mul3A_430 = arith.constant 11.3137083 : f32
        %mul3A_431 = vector.broadcast %mul3A_430 : f32 to vector<16xf32>
        %mul3A_432 = arith.mulf %get3A_429, %mul3A_431 : vector<16xf32>
        %swap3A_433 = arith.index_cast %add3A_391 : i32 to index
        %swap3A_434 = arith.constant 48 : index
        %swap3A_435 = tpu.vector_load %arg15[%swap3A_433, %swap3A_434] {strides = array<i32>} : memref<50x128xf32, #tpu.memory_space<vmem>>, vector<1x16xf32>,
        %swap3A_436 = vector.shape_cast %swap3A_435 : vector<1x16xf32> to vector<16xf32>
        %swap3A_437 = vector.shape_cast %mul3A_432 : vector<16xf32> to vector<1x16xf32>
        tpu.vector_store %arg15[%swap3A_433, %swap3A_434], %swap3A_437 {strides = array<i32>} : memref<50x128xf32, #tpu.memory_space<vmem>>, vector<1x16xf32>,
        %get3A_438 = arith.index_cast %add3A_391 : i32 to index
        %get3A_439 = arith.constant 64 : index
        %get3A_440 = tpu.vector_load %arg11[%get3A_438, %get3A_439] {strides = array<i32>} : memref<50x128xf32, #tpu.memory_space<vmem>>, vector<1x16xf32>,
        %get3A_441 = vector.shape_cast %get3A_440 : vector<1x16xf32> to vector<16xf32>
        %mul3A_442 = arith.constant 11.3137083 : f32
        %mul3A_443 = vector.broadcast %mul3A_442 : f32 to vector<16xf32>
        %mul3A_444 = arith.mulf %get3A_441, %mul3A_443 : vector<16xf32>
        %swap3A_445 = arith.index_cast %add3A_391 : i32 to index
        %swap3A_446 = arith.constant 64 : index
        %swap3A_447 = tpu.vector_load %arg15[%swap3A_445, %swap3A_446] {strides = array<i32>} : memref<50x128xf32, #tpu.memory_space<vmem>>, vector<1x16xf32>,
        %swap3A_448 = vector.shape_cast %swap3A_447 : vector<1x16xf32> to vector<16xf32>
        %swap3A_449 = vector.shape_cast %mul3A_444 : vector<16xf32> to vector<1x16xf32>
        tpu.vector_store %arg15[%swap3A_445, %swap3A_446], %swap3A_449 {strides = array<i32>} : memref<50x128xf32, #tpu.memory_space<vmem>>, vector<1x16xf32>,
        %get3A_450 = arith.index_cast %add3A_391 : i32 to index
        %get3A_451 = arith.constant 80 : index
        %get3A_452 = tpu.vector_load %arg11[%get3A_450, %get3A_451] {strides = array<i32>} : memref<50x128xf32, #tpu.memory_space<vmem>>, vector<1x16xf32>,
        %get3A_453 = vector.shape_cast %get3A_452 : vector<1x16xf32> to vector<16xf32>
        %mul3A_454 = arith.constant 11.3137083 : f32
        %mul3A_455 = vector.broadcast %mul3A_454 : f32 to vector<16xf32>
        %mul3A_456 = arith.mulf %get3A_453, %mul3A_455 : vector<16xf32>
        %swap3A_457 = arith.index_cast %add3A_391 : i32 to index
        %swap3A_458 = arith.constant 80 : index
        %swap3A_459 = tpu.vector_load %arg15[%swap3A_457, %swap3A_458] {strides = array<i32>} : memref<50x128xf32, #tpu.memory_space<vmem>>, vector<1x16xf32>,
        %swap3A_460 = vector.shape_cast %swap3A_459 : vector<1x16xf32> to vector<16xf32>
        %swap3A_461 = vector.shape_cast %mul3A_456 : vector<16xf32> to vector<1x16xf32>
        tpu.vector_store %arg15[%swap3A_457, %swap3A_458], %swap3A_461 {strides = array<i32>} : memref<50x128xf32, #tpu.memory_space<vmem>>, vector<1x16xf32>,
        %get3A_462 = arith.index_cast %add3A_391 : i32 to index
        %get3A_463 = arith.constant 96 : index
        %get3A_464 = tpu.vector_load %arg11[%get3A_462, %get3A_463] {strides = array<i32>} : memref<50x128xf32, #tpu.memory_space<vmem>>, vector<1x16xf32>,
        %get3A_465 = vector.shape_cast %get3A_464 : vector<1x16xf32> to vector<16xf32>
        %mul3A_466 = arith.constant 11.3137083 : f32
        %mul3A_467 = vector.broadcast %mul3A_466 : f32 to vector<16xf32>
        %mul3A_468 = arith.mulf %get3A_465, %mul3A_467 : vector<16xf32>
        %swap3A_469 = arith.index_cast %add3A_391 : i32 to index
        %swap3A_470 = arith.constant 96 : index
        %swap3A_471 = tpu.vector_load %arg15[%swap3A_469, %swap3A_470] {strides = array<i32>} : memref<50x128xf32, #tpu.memory_space<vmem>>, vector<1x16xf32>,
        %swap3A_472 = vector.shape_cast %swap3A_471 : vector<1x16xf32> to vector<16xf32>
        %swap3A_473 = vector.shape_cast %mul3A_468 : vector<16xf32> to vector<1x16xf32>
        tpu.vector_store %arg15[%swap3A_469, %swap3A_470], %swap3A_473 {strides = array<i32>} : memref<50x128xf32, #tpu.memory_space<vmem>>, vector<1x16xf32>,
        %get3A_474 = arith.index_cast %add3A_391 : i32 to index
        %get3A_475 = arith.constant 112 : index
        %get3A_476 = tpu.vector_load %arg11[%get3A_474, %get3A_475] {strides = array<i32>} : memref<50x128xf32, #tpu.memory_space<vmem>>, vector<1x16xf32>,
        %get3A_477 = vector.shape_cast %get3A_476 : vector<1x16xf32> to vector<16xf32>
        %mul3A_478 = arith.constant 11.3137083 : f32
        %mul3A_479 = vector.broadcast %mul3A_478 : f32 to vector<16xf32>
        %mul3A_480 = arith.mulf %get3A_477, %mul3A_479 : vector<16xf32>
        %swap3A_481 = arith.index_cast %add3A_391 : i32 to index
        %swap3A_482 = arith.constant 112 : index
        %swap3A_483 = tpu.vector_load %arg15[%swap3A_481, %swap3A_482] {strides = array<i32>} : memref<50x128xf32, #tpu.memory_space<vmem>>, vector<1x16xf32>,
        %swap3A_484 = vector.shape_cast %swap3A_483 : vector<1x16xf32> to vector<16xf32>
        %swap3A_485 = vector.shape_cast %mul3A_480 : vector<16xf32> to vector<1x16xf32>
        tpu.vector_store %arg15[%swap3A_481, %swap3A_482], %swap3A_485 {strides = array<i32>} : memref<50x128xf32, #tpu.memory_space<vmem>>, vector<1x16xf32>,
        %mul3A_486 = arith.constant 2 : i32
        %mul3A_487 = arith.muli %scan3A_387, %mul3A_486 : i32
        %add3A_488 = arith.constant 1 : i32
        %add3A_489 = arith.addi %mul3A_487, %add3A_488 : i32
        %get3A_490 = arith.index_cast %add3A_489 : i32 to index
        %get3A_491 = arith.constant 0 : index
        %get3A_492 = tpu.vector_load %arg11[%get3A_490, %get3A_491] {strides = array<i32>} : memref<50x128xf32, #tpu.memory_space<vmem>>, vector<1x16xf32>,
        %get3A_493 = vector.shape_cast %get3A_492 : vector<1x16xf32> to vector<16xf32>
        %mul3A_494 = arith.constant 11.3137083 : f32
        %mul3A_495 = vector.broadcast %mul3A_494 : f32 to vector<16xf32>
        %mul3A_496 = arith.mulf %get3A_493, %mul3A_495 : vector<16xf32>
        %swap3A_497 = arith.index_cast %add3A_489 : i32 to index
        %swap3A_498 = arith.constant 0 : index
        %swap3A_499 = tpu.vector_load %arg15[%swap3A_497, %swap3A_498] {strides = array<i32>} : memref<50x128xf32, #tpu.memory_space<vmem>>, vector<1x16xf32>,
        %swap3A_500 = vector.shape_cast %swap3A_499 : vector<1x16xf32> to vector<16xf32>
        %swap3A_501 = vector.shape_cast %mul3A_496 : vector<16xf32> to vector<1x16xf32>
        tpu.vector_store %arg15[%swap3A_497, %swap3A_498], %swap3A_501 {strides = array<i32>} : memref<50x128xf32, #tpu.memory_space<vmem>>, vector<1x16xf32>,
        %get3A_502 = arith.index_cast %add3A_489 : i32 to index
        %get3A_503 = arith.constant 16 : index
        %get3A_504 = tpu.vector_load %arg11[%get3A_502, %get3A_503] {strides = array<i32>} : memref<50x128xf32, #tpu.memory_space<vmem>>, vector<1x16xf32>,
        %get3A_505 = vector.shape_cast %get3A_504 : vector<1x16xf32> to vector<16xf32>
        %mul3A_506 = arith.constant 11.3137083 : f32
        %mul3A_507 = vector.broadcast %mul3A_506 : f32 to vector<16xf32>
        %mul3A_508 = arith.mulf %get3A_505, %mul3A_507 : vector<16xf32>
        %swap3A_509 = arith.index_cast %add3A_489 : i32 to index
        %swap3A_510 = arith.constant 16 : index
        %swap3A_511 = tpu.vector_load %arg15[%swap3A_509, %swap3A_510] {strides = array<i32>} : memref<50x128xf32, #tpu.memory_space<vmem>>, vector<1x16xf32>,
        %swap3A_512 = vector.shape_cast %swap3A_511 : vector<1x16xf32> to vector<16xf32>
        %swap3A_513 = vector.shape_cast %mul3A_508 : vector<16xf32> to vector<1x16xf32>
        tpu.vector_store %arg15[%swap3A_509, %swap3A_510], %swap3A_513 {strides = array<i32>} : memref<50x128xf32, #tpu.memory_space<vmem>>, vector<1x16xf32>,
        %get3A_514 = arith.index_cast %add3A_489 : i32 to index
        %get3A_515 = arith.constant 32 : index
        %get3A_516 = tpu.vector_load %arg11[%get3A_514, %get3A_515] {strides = array<i32>} : memref<50x128xf32, #tpu.memory_space<vmem>>, vector<1x16xf32>,
        %get3A_517 = vector.shape_cast %get3A_516 : vector<1x16xf32> to vector<16xf32>
        %mul3A_518 = arith.constant 11.3137083 : f32
        %mul3A_519 = vector.broadcast %mul3A_518 : f32 to vector<16xf32>
        %mul3A_520 = arith.mulf %get3A_517, %mul3A_519 : vector<16xf32>
        %swap3A_521 = arith.index_cast %add3A_489 : i32 to index
        %swap3A_522 = arith.constant 32 : index
        %swap3A_523 = tpu.vector_load %arg15[%swap3A_521, %swap3A_522] {strides = array<i32>} : memref<50x128xf32, #tpu.memory_space<vmem>>, vector<1x16xf32>,
        %swap3A_524 = vector.shape_cast %swap3A_523 : vector<1x16xf32> to vector<16xf32>
        %swap3A_525 = vector.shape_cast %mul3A_520 : vector<16xf32> to vector<1x16xf32>
        tpu.vector_store %arg15[%swap3A_521, %swap3A_522], %swap3A_525 {strides = array<i32>} : memref<50x128xf32, #tpu.memory_space<vmem>>, vector<1x16xf32>,
        %get3A_526 = arith.index_cast %add3A_489 : i32 to index
        %get3A_527 = arith.constant 48 : index
        %get3A_528 = tpu.vector_load %arg11[%get3A_526, %get3A_527] {strides = array<i32>} : memref<50x128xf32, #tpu.memory_space<vmem>>, vector<1x16xf32>,
        %get3A_529 = vector.shape_cast %get3A_528 : vector<1x16xf32> to vector<16xf32>
        %mul3A_530 = arith.constant 11.3137083 : f32
        %mul3A_531 = vector.broadcast %mul3A_530 : f32 to vector<16xf32>
        %mul3A_532 = arith.mulf %get3A_529, %mul3A_531 : vector<16xf32>
        %swap3A_533 = arith.index_cast %add3A_489 : i32 to index
        %swap3A_534 = arith.constant 48 : index
        %swap3A_535 = tpu.vector_load %arg15[%swap3A_533, %swap3A_534] {strides = array<i32>} : memref<50x128xf32, #tpu.memory_space<vmem>>, vector<1x16xf32>,
        %swap3A_536 = vector.shape_cast %swap3A_535 : vector<1x16xf32> to vector<16xf32>
        %swap3A_537 = vector.shape_cast %mul3A_532 : vector<16xf32> to vector<1x16xf32>
        tpu.vector_store %arg15[%swap3A_533, %swap3A_534], %swap3A_537 {strides = array<i32>} : memref<50x128xf32, #tpu.memory_space<vmem>>, vector<1x16xf32>,
        %get3A_538 = arith.index_cast %add3A_489 : i32 to index
        %get3A_539 = arith.constant 64 : index
        %get3A_540 = tpu.vector_load %arg11[%get3A_538, %get3A_539] {strides = array<i32>} : memref<50x128xf32, #tpu.memory_space<vmem>>, vector<1x16xf32>,
        %get3A_541 = vector.shape_cast %get3A_540 : vector<1x16xf32> to vector<16xf32>
        %mul3A_542 = arith.constant 11.3137083 : f32
        %mul3A_543 = vector.broadcast %mul3A_542 : f32 to vector<16xf32>
        %mul3A_544 = arith.mulf %get3A_541, %mul3A_543 : vector<16xf32>
        %swap3A_545 = arith.index_cast %add3A_489 : i32 to index
        %swap3A_546 = arith.constant 64 : index
        %swap3A_547 = tpu.vector_load %arg15[%swap3A_545, %swap3A_546] {strides = array<i32>} : memref<50x128xf32, #tpu.memory_space<vmem>>, vector<1x16xf32>,
        %swap3A_548 = vector.shape_cast %swap3A_547 : vector<1x16xf32> to vector<16xf32>
        %swap3A_549 = vector.shape_cast %mul3A_544 : vector<16xf32> to vector<1x16xf32>
        tpu.vector_store %arg15[%swap3A_545, %swap3A_546], %swap3A_549 {strides = array<i32>} : memref<50x128xf32, #tpu.memory_space<vmem>>, vector<1x16xf32>,
        %get3A_550 = arith.index_cast %add3A_489 : i32 to index
        %get3A_551 = arith.constant 80 : index
        %get3A_552 = tpu.vector_load %arg11[%get3A_550, %get3A_551] {strides = array<i32>} : memref<50x128xf32, #tpu.memory_space<vmem>>, vector<1x16xf32>,
        %get3A_553 = vector.shape_cast %get3A_552 : vector<1x16xf32> to vector<16xf32>
        %mul3A_554 = arith.constant 11.3137083 : f32
        %mul3A_555 = vector.broadcast %mul3A_554 : f32 to vector<16xf32>
        %mul3A_556 = arith.mulf %get3A_553, %mul3A_555 : vector<16xf32>
        %swap3A_557 = arith.index_cast %add3A_489 : i32 to index
        %swap3A_558 = arith.constant 80 : index
        %swap3A_559 = tpu.vector_load %arg15[%swap3A_557, %swap3A_558] {strides = array<i32>} : memref<50x128xf32, #tpu.memory_space<vmem>>, vector<1x16xf32>,
        %swap3A_560 = vector.shape_cast %swap3A_559 : vector<1x16xf32> to vector<16xf32>
        %swap3A_561 = vector.shape_cast %mul3A_556 : vector<16xf32> to vector<1x16xf32>
        tpu.vector_store %arg15[%swap3A_557, %swap3A_558], %swap3A_561 {strides = array<i32>} : memref<50x128xf32, #tpu.memory_space<vmem>>, vector<1x16xf32>,
        %get3A_562 = arith.index_cast %add3A_489 : i32 to index
        %get3A_563 = arith.constant 96 : index
        %get3A_564 = tpu.vector_load %arg11[%get3A_562, %get3A_563] {strides = array<i32>} : memref<50x128xf32, #tpu.memory_space<vmem>>, vector<1x16xf32>,
        %get3A_565 = vector.shape_cast %get3A_564 : vector<1x16xf32> to vector<16xf32>
        %mul3A_566 = arith.constant 11.3137083 : f32
        %mul3A_567 = vector.broadcast %mul3A_566 : f32 to vector<16xf32>
        %mul3A_568 = arith.mulf %get3A_565, %mul3A_567 : vector<16xf32>
        %swap3A_569 = arith.index_cast %add3A_489 : i32 to index
        %swap3A_570 = arith.constant 96 : index
        %swap3A_571 = tpu.vector_load %arg15[%swap3A_569, %swap3A_570] {strides = array<i32>} : memref<50x128xf32, #tpu.memory_space<vmem>>, vector<1x16xf32>,
        %swap3A_572 = vector.shape_cast %swap3A_571 : vector<1x16xf32> to vector<16xf32>
        %swap3A_573 = vector.shape_cast %mul3A_568 : vector<16xf32> to vector<1x16xf32>
        tpu.vector_store %arg15[%swap3A_569, %swap3A_570], %swap3A_573 {strides = array<i32>} : memref<50x128xf32, #tpu.memory_space<vmem>>, vector<1x16xf32>,
        %get3A_574 = arith.index_cast %add3A_489 : i32 to index
        %get3A_575 = arith.constant 112 : index
        %get3A_576 = tpu.vector_load %arg11[%get3A_574, %get3A_575] {strides = array<i32>} : memref<50x128xf32, #tpu.memory_space<vmem>>, vector<1x16xf32>,
        %get3A_577 = vector.shape_cast %get3A_576 : vector<1x16xf32> to vector<16xf32>
        %mul3A_578 = arith.constant 11.3137083 : f32
        %mul3A_579 = vector.broadcast %mul3A_578 : f32 to vector<16xf32>
        %mul3A_580 = arith.mulf %get3A_577, %mul3A_579 : vector<16xf32>
        %swap3A_581 = arith.index_cast %add3A_489 : i32 to index
        %swap3A_582 = arith.constant 112 : index
        %swap3A_583 = tpu.vector_load %arg15[%swap3A_581, %swap3A_582] {strides = array<i32>} : memref<50x128xf32, #tpu.memory_space<vmem>>, vector<1x16xf32>,
        %swap3A_584 = vector.shape_cast %swap3A_583 : vector<1x16xf32> to vector<16xf32>
        %swap3A_585 = vector.shape_cast %mul3A_580 : vector<16xf32> to vector<1x16xf32>
        tpu.vector_store %arg15[%swap3A_581, %swap3A_582], %swap3A_585 {strides = array<i32>} : memref<50x128xf32, #tpu.memory_space<vmem>>, vector<1x16xf32>,
      }
      %scan3A_296 = arith.constant 25 : i32
      %add3A_297 = arith.constant 8 : i32
      %add3A_298 = arith.addi %add3A_279, %add3A_297 : i32
      %lt3A_299 = arith.constant 128 : i32
      %lt3A_300 = arith.cmpi slt, %add3A_298, %lt3A_299 : i32
      %convert_element_type3A_301 = arith.extui %lt3A_300 : i1 to i32
      %cond3A_302 = arith.constant 0 : i32
      %cond3A_303 = arith.cmpi ne, %convert_element_type3A_301, %cond3A_302 : i32
      scf.if %cond3A_303 {
        %dma_start3A_387 = arith.constant 0 : i32
        %dma_start3A_388 = tpu.memref_slice %arg5[%add3A_298, %dma_start3A_387] : memref<128x50xi32, #tpu.memory_space<vmem>> -> memref<1x50xi32, #tpu.memory_space<vmem>>
        %dma_start3A_389 = tpu.memref_squeeze %dma_start3A_388 : memref<1x50xi32, #tpu.memory_space<vmem>> -> memref<50xi32, #tpu.memory_space<vmem>>
        %dma_start3A_390 = arith.constant 0 : i32
        %dma_start3A_391 = arith.constant 0 : i32
        %dma_start3A_392 = tpu.memref_slice %arg3[%dma_start3A_390, %dma_start3A_391] : memref<100000x128xf32, #tpu.memory_space<hbm>> -> memref<100000x128xf32, #tpu.memory_space<hbm>>
        tpu.enqueue_indirect_dma source(%dma_start3A_392 : memref<100000x128xf32, #tpu.memory_space<hbm>>) target(%arg11 : memref<50x128xf32, #tpu.memory_space<vmem>>) offsets(%dma_start3A_389 : memref<50xi32, #tpu.memory_space<vmem>>) semaphore(%arg23 : memref<!tpu.dma_semaphore, #tpu.memory_space<semaphore_mem>>)
      } else {
      }
      %add3A_304 = arith.addi %mul3A_2, %add3A_279 : i32
      %dma_start3A_305 = arith.constant 0 : i32
      %dma_start3A_306 = arith.constant 0 : i32
      %dma_start3A_307 = tpu.memref_slice %arg4[%add3A_304, %dma_start3A_305, %dma_start3A_306] : memref<4096x50x128xf32, #tpu.memory_space<hbm>> -> memref<1x50x128xf32, #tpu.memory_space<hbm>>
      %dma_start3A_308 = tpu.memref_squeeze %dma_start3A_307 : memref<1x50x128xf32, #tpu.memory_space<hbm>> -> memref<50x128xf32, #tpu.memory_space<hbm>>
      %dma_start3A_309 = arith.constant 0 : i32
      %dma_start3A_310 = arith.constant 0 : i32
      %dma_start3A_311 = tpu.memref_slice %arg4[%add3A_304, %dma_start3A_309, %dma_start3A_310] : memref<4096x50x128xf32, #tpu.memory_space<hbm>> -> memref<1x50x128xf32, #tpu.memory_space<hbm>>
      %dma_start3A_312 = tpu.memref_squeeze %dma_start3A_311 : memref<1x50x128xf32, #tpu.memory_space<hbm>> -> memref<50x128xf32, #tpu.memory_space<hbm>>
      tpu.enqueue_dma source(%arg15 : memref<50x128xf32, #tpu.memory_space<vmem>>) target(%dma_start3A_312 : memref<50x128xf32, #tpu.memory_space<hbm>>) target_semaphore(%arg27 : memref<!tpu.dma_semaphore, #tpu.memory_space<semaphore_mem>>)
      %mul3A_313 = arith.constant 8 : i32
      %mul3A_314 = arith.muli %scan3A_94, %mul3A_313 : i32
      %add3A_315 = arith.constant 6 : i32
      %add3A_316 = arith.addi %mul3A_314, %add3A_315 : i32
      %dma_wait3A_317 = arith.constant 0 : i32
      %dma_wait3A_318 = tpu.memref_slice %arg5[%add3A_316, %dma_wait3A_317] : memref<128x50xi32, #tpu.memory_space<vmem>> -> memref<1x50xi32, #tpu.memory_space<vmem>>
      %dma_wait3A_319 = tpu.memref_squeeze %dma_wait3A_318 : memref<1x50xi32, #tpu.memory_space<vmem>> -> memref<50xi32, #tpu.memory_space<vmem>>
      %dma_wait3A_320 = arith.constant 0 : i32
      %dma_wait3A_321 = arith.constant 0 : i32
      %dma_wait3A_322 = tpu.memref_slice %arg3[%dma_wait3A_320, %dma_wait3A_321] : memref<100000x128xf32, #tpu.memory_space<hbm>> -> memref<100000x128xf32, #tpu.memory_space<hbm>>
      tpu.wait_indirect_dma semaphore(%arg24 : memref<!tpu.dma_semaphore, #tpu.memory_space<semaphore_mem>>) src(%dma_wait3A_322 : memref<100000x128xf32, #tpu.memory_space<hbm>>) dst(%arg12 : memref<50x128xf32, #tpu.memory_space<vmem>>)
      %ge3A_323 = arith.constant 4 : i32
      %ge3A_324 = arith.cmpi sge, %add3A_316, %ge3A_323 : i32
      %convert_element_type3A_325 = arith.extui %ge3A_324 : i1 to i32
      %cond3A_326 = arith.constant 0 : i32
      %cond3A_327 = arith.cmpi ne, %convert_element_type3A_325, %cond3A_326 : i32
      scf.if %cond3A_327 {
        %dma_wait3A_387 = arith.constant 0 : i32
        %dma_wait3A_388 = arith.constant 0 : i32
        %dma_wait3A_389 = tpu.memref_slice %arg4[%mul3A_2, %dma_wait3A_387, %dma_wait3A_388] : memref<4096x50x128xf32, #tpu.memory_space<hbm>> -> memref<1x50x128xf32, #tpu.memory_space<hbm>>
        %dma_wait3A_390 = tpu.memref_squeeze %dma_wait3A_389 : memref<1x50x128xf32, #tpu.memory_space<hbm>> -> memref<50x128xf32, #tpu.memory_space<hbm>>
        %dma_wait3A_391 = arith.constant 0 : i32
        %dma_wait3A_392 = arith.constant 0 : i32
        %dma_wait3A_393 = tpu.memref_slice %arg4[%mul3A_2, %dma_wait3A_391, %dma_wait3A_392] : memref<4096x50x128xf32, #tpu.memory_space<hbm>> -> memref<1x50x128xf32, #tpu.memory_space<hbm>>
        %dma_wait3A_394 = tpu.memref_squeeze %dma_wait3A_393 : memref<1x50x128xf32, #tpu.memory_space<hbm>> -> memref<50x128xf32, #tpu.memory_space<hbm>>
        tpu.wait_dma2 semaphore(%arg28 : memref<!tpu.dma_semaphore, #tpu.memory_space<semaphore_mem>>) src(%arg16 : memref<50x128xf32, #tpu.memory_space<vmem>>) dst(%dma_wait3A_394 : memref<50x128xf32, #tpu.memory_space<hbm>>)
      } else {
      }
      %scan3A_328 = arith.constant 0 : i32
      %scan3A_329 = arith.constant 0 : i32
      %scan3A_330 = arith.constant 25 : i32
      %scan3A_331 = arith.addi %scan3A_329, %scan3A_330 : i32
      %scan3A_332 = arith.constant 1 : i32
      scf.for %scan3A_387 = %scan3A_329 to %scan3A_331 step %scan3A_332  : i32 {
        %mul3A_388 = arith.constant 2 : i32
        %mul3A_389 = arith.muli %scan3A_387, %mul3A_388 : i32
        %add3A_390 = arith.constant 0 : i32
        %add3A_391 = arith.addi %mul3A_389, %add3A_390 : i32
        %get3A = arith.index_cast %add3A_391 : i32 to index
        %get3A_392 = arith.constant 0 : index
        %get3A_393 = tpu.vector_load %arg12[%get3A, %get3A_392] {strides = array<i32>} : memref<50x128xf32, #tpu.memory_space<vmem>>, vector<1x16xf32>,
        %get3A_394 = vector.shape_cast %get3A_393 : vector<1x16xf32> to vector<16xf32>
        %mul3A_395 = arith.constant 11.3137083 : f32
        %mul3A_396 = vector.broadcast %mul3A_395 : f32 to vector<16xf32>
        %mul3A_397 = arith.mulf %get3A_394, %mul3A_396 : vector<16xf32>
        %swap3A = arith.index_cast %add3A_391 : i32 to index
        %swap3A_398 = arith.constant 0 : index
        %swap3A_399 = tpu.vector_load %arg16[%swap3A, %swap3A_398] {strides = array<i32>} : memref<50x128xf32, #tpu.memory_space<vmem>>, vector<1x16xf32>,
        %swap3A_400 = vector.shape_cast %swap3A_399 : vector<1x16xf32> to vector<16xf32>
        %swap3A_401 = vector.shape_cast %mul3A_397 : vector<16xf32> to vector<1x16xf32>
        tpu.vector_store %arg16[%swap3A, %swap3A_398], %swap3A_401 {strides = array<i32>} : memref<50x128xf32, #tpu.memory_space<vmem>>, vector<1x16xf32>,
        %get3A_402 = arith.index_cast %add3A_391 : i32 to index
        %get3A_403 = arith.constant 16 : index
        %get3A_404 = tpu.vector_load %arg12[%get3A_402, %get3A_403] {strides = array<i32>} : memref<50x128xf32, #tpu.memory_space<vmem>>, vector<1x16xf32>,
        %get3A_405 = vector.shape_cast %get3A_404 : vector<1x16xf32> to vector<16xf32>
        %mul3A_406 = arith.constant 11.3137083 : f32
        %mul3A_407 = vector.broadcast %mul3A_406 : f32 to vector<16xf32>
        %mul3A_408 = arith.mulf %get3A_405, %mul3A_407 : vector<16xf32>
        %swap3A_409 = arith.index_cast %add3A_391 : i32 to index
        %swap3A_410 = arith.constant 16 : index
        %swap3A_411 = tpu.vector_load %arg16[%swap3A_409, %swap3A_410] {strides = array<i32>} : memref<50x128xf32, #tpu.memory_space<vmem>>, vector<1x16xf32>,
        %swap3A_412 = vector.shape_cast %swap3A_411 : vector<1x16xf32> to vector<16xf32>
        %swap3A_413 = vector.shape_cast %mul3A_408 : vector<16xf32> to vector<1x16xf32>
        tpu.vector_store %arg16[%swap3A_409, %swap3A_410], %swap3A_413 {strides = array<i32>} : memref<50x128xf32, #tpu.memory_space<vmem>>, vector<1x16xf32>,
        %get3A_414 = arith.index_cast %add3A_391 : i32 to index
        %get3A_415 = arith.constant 32 : index
        %get3A_416 = tpu.vector_load %arg12[%get3A_414, %get3A_415] {strides = array<i32>} : memref<50x128xf32, #tpu.memory_space<vmem>>, vector<1x16xf32>,
        %get3A_417 = vector.shape_cast %get3A_416 : vector<1x16xf32> to vector<16xf32>
        %mul3A_418 = arith.constant 11.3137083 : f32
        %mul3A_419 = vector.broadcast %mul3A_418 : f32 to vector<16xf32>
        %mul3A_420 = arith.mulf %get3A_417, %mul3A_419 : vector<16xf32>
        %swap3A_421 = arith.index_cast %add3A_391 : i32 to index
        %swap3A_422 = arith.constant 32 : index
        %swap3A_423 = tpu.vector_load %arg16[%swap3A_421, %swap3A_422] {strides = array<i32>} : memref<50x128xf32, #tpu.memory_space<vmem>>, vector<1x16xf32>,
        %swap3A_424 = vector.shape_cast %swap3A_423 : vector<1x16xf32> to vector<16xf32>
        %swap3A_425 = vector.shape_cast %mul3A_420 : vector<16xf32> to vector<1x16xf32>
        tpu.vector_store %arg16[%swap3A_421, %swap3A_422], %swap3A_425 {strides = array<i32>} : memref<50x128xf32, #tpu.memory_space<vmem>>, vector<1x16xf32>,
        %get3A_426 = arith.index_cast %add3A_391 : i32 to index
        %get3A_427 = arith.constant 48 : index
        %get3A_428 = tpu.vector_load %arg12[%get3A_426, %get3A_427] {strides = array<i32>} : memref<50x128xf32, #tpu.memory_space<vmem>>, vector<1x16xf32>,
        %get3A_429 = vector.shape_cast %get3A_428 : vector<1x16xf32> to vector<16xf32>
        %mul3A_430 = arith.constant 11.3137083 : f32
        %mul3A_431 = vector.broadcast %mul3A_430 : f32 to vector<16xf32>
        %mul3A_432 = arith.mulf %get3A_429, %mul3A_431 : vector<16xf32>
        %swap3A_433 = arith.index_cast %add3A_391 : i32 to index
        %swap3A_434 = arith.constant 48 : index
        %swap3A_435 = tpu.vector_load %arg16[%swap3A_433, %swap3A_434] {strides = array<i32>} : memref<50x128xf32, #tpu.memory_space<vmem>>, vector<1x16xf32>,
        %swap3A_436 = vector.shape_cast %swap3A_435 : vector<1x16xf32> to vector<16xf32>
        %swap3A_437 = vector.shape_cast %mul3A_432 : vector<16xf32> to vector<1x16xf32>
        tpu.vector_store %arg16[%swap3A_433, %swap3A_434], %swap3A_437 {strides = array<i32>} : memref<50x128xf32, #tpu.memory_space<vmem>>, vector<1x16xf32>,
        %get3A_438 = arith.index_cast %add3A_391 : i32 to index
        %get3A_439 = arith.constant 64 : index
        %get3A_440 = tpu.vector_load %arg12[%get3A_438, %get3A_439] {strides = array<i32>} : memref<50x128xf32, #tpu.memory_space<vmem>>, vector<1x16xf32>,
        %get3A_441 = vector.shape_cast %get3A_440 : vector<1x16xf32> to vector<16xf32>
        %mul3A_442 = arith.constant 11.3137083 : f32
        %mul3A_443 = vector.broadcast %mul3A_442 : f32 to vector<16xf32>
        %mul3A_444 = arith.mulf %get3A_441, %mul3A_443 : vector<16xf32>
        %swap3A_445 = arith.index_cast %add3A_391 : i32 to index
        %swap3A_446 = arith.constant 64 : index
        %swap3A_447 = tpu.vector_load %arg16[%swap3A_445, %swap3A_446] {strides = array<i32>} : memref<50x128xf32, #tpu.memory_space<vmem>>, vector<1x16xf32>,
        %swap3A_448 = vector.shape_cast %swap3A_447 : vector<1x16xf32> to vector<16xf32>
        %swap3A_449 = vector.shape_cast %mul3A_444 : vector<16xf32> to vector<1x16xf32>
        tpu.vector_store %arg16[%swap3A_445, %swap3A_446], %swap3A_449 {strides = array<i32>} : memref<50x128xf32, #tpu.memory_space<vmem>>, vector<1x16xf32>,
        %get3A_450 = arith.index_cast %add3A_391 : i32 to index
        %get3A_451 = arith.constant 80 : index
        %get3A_452 = tpu.vector_load %arg12[%get3A_450, %get3A_451] {strides = array<i32>} : memref<50x128xf32, #tpu.memory_space<vmem>>, vector<1x16xf32>,
        %get3A_453 = vector.shape_cast %get3A_452 : vector<1x16xf32> to vector<16xf32>
        %mul3A_454 = arith.constant 11.3137083 : f32
        %mul3A_455 = vector.broadcast %mul3A_454 : f32 to vector<16xf32>
        %mul3A_456 = arith.mulf %get3A_453, %mul3A_455 : vector<16xf32>
        %swap3A_457 = arith.index_cast %add3A_391 : i32 to index
        %swap3A_458 = arith.constant 80 : index
        %swap3A_459 = tpu.vector_load %arg16[%swap3A_457, %swap3A_458] {strides = array<i32>} : memref<50x128xf32, #tpu.memory_space<vmem>>, vector<1x16xf32>,
        %swap3A_460 = vector.shape_cast %swap3A_459 : vector<1x16xf32> to vector<16xf32>
        %swap3A_461 = vector.shape_cast %mul3A_456 : vector<16xf32> to vector<1x16xf32>
        tpu.vector_store %arg16[%swap3A_457, %swap3A_458], %swap3A_461 {strides = array<i32>} : memref<50x128xf32, #tpu.memory_space<vmem>>, vector<1x16xf32>,
        %get3A_462 = arith.index_cast %add3A_391 : i32 to index
        %get3A_463 = arith.constant 96 : index
        %get3A_464 = tpu.vector_load %arg12[%get3A_462, %get3A_463] {strides = array<i32>} : memref<50x128xf32, #tpu.memory_space<vmem>>, vector<1x16xf32>,
        %get3A_465 = vector.shape_cast %get3A_464 : vector<1x16xf32> to vector<16xf32>
        %mul3A_466 = arith.constant 11.3137083 : f32
        %mul3A_467 = vector.broadcast %mul3A_466 : f32 to vector<16xf32>
        %mul3A_468 = arith.mulf %get3A_465, %mul3A_467 : vector<16xf32>
        %swap3A_469 = arith.index_cast %add3A_391 : i32 to index
        %swap3A_470 = arith.constant 96 : index
        %swap3A_471 = tpu.vector_load %arg16[%swap3A_469, %swap3A_470] {strides = array<i32>} : memref<50x128xf32, #tpu.memory_space<vmem>>, vector<1x16xf32>,
        %swap3A_472 = vector.shape_cast %swap3A_471 : vector<1x16xf32> to vector<16xf32>
        %swap3A_473 = vector.shape_cast %mul3A_468 : vector<16xf32> to vector<1x16xf32>
        tpu.vector_store %arg16[%swap3A_469, %swap3A_470], %swap3A_473 {strides = array<i32>} : memref<50x128xf32, #tpu.memory_space<vmem>>, vector<1x16xf32>,
        %get3A_474 = arith.index_cast %add3A_391 : i32 to index
        %get3A_475 = arith.constant 112 : index
        %get3A_476 = tpu.vector_load %arg12[%get3A_474, %get3A_475] {strides = array<i32>} : memref<50x128xf32, #tpu.memory_space<vmem>>, vector<1x16xf32>,
        %get3A_477 = vector.shape_cast %get3A_476 : vector<1x16xf32> to vector<16xf32>
        %mul3A_478 = arith.constant 11.3137083 : f32
        %mul3A_479 = vector.broadcast %mul3A_478 : f32 to vector<16xf32>
        %mul3A_480 = arith.mulf %get3A_477, %mul3A_479 : vector<16xf32>
        %swap3A_481 = arith.index_cast %add3A_391 : i32 to index
        %swap3A_482 = arith.constant 112 : index
        %swap3A_483 = tpu.vector_load %arg16[%swap3A_481, %swap3A_482] {strides = array<i32>} : memref<50x128xf32, #tpu.memory_space<vmem>>, vector<1x16xf32>,
        %swap3A_484 = vector.shape_cast %swap3A_483 : vector<1x16xf32> to vector<16xf32>
        %swap3A_485 = vector.shape_cast %mul3A_480 : vector<16xf32> to vector<1x16xf32>
        tpu.vector_store %arg16[%swap3A_481, %swap3A_482], %swap3A_485 {strides = array<i32>} : memref<50x128xf32, #tpu.memory_space<vmem>>, vector<1x16xf32>,
        %mul3A_486 = arith.constant 2 : i32
        %mul3A_487 = arith.muli %scan3A_387, %mul3A_486 : i32
        %add3A_488 = arith.constant 1 : i32
        %add3A_489 = arith.addi %mul3A_487, %add3A_488 : i32
        %get3A_490 = arith.index_cast %add3A_489 : i32 to index
        %get3A_491 = arith.constant 0 : index
        %get3A_492 = tpu.vector_load %arg12[%get3A_490, %get3A_491] {strides = array<i32>} : memref<50x128xf32, #tpu.memory_space<vmem>>, vector<1x16xf32>,
        %get3A_493 = vector.shape_cast %get3A_492 : vector<1x16xf32> to vector<16xf32>
        %mul3A_494 = arith.constant 11.3137083 : f32
        %mul3A_495 = vector.broadcast %mul3A_494 : f32 to vector<16xf32>
        %mul3A_496 = arith.mulf %get3A_493, %mul3A_495 : vector<16xf32>
        %swap3A_497 = arith.index_cast %add3A_489 : i32 to index
        %swap3A_498 = arith.constant 0 : index
        %swap3A_499 = tpu.vector_load %arg16[%swap3A_497, %swap3A_498] {strides = array<i32>} : memref<50x128xf32, #tpu.memory_space<vmem>>, vector<1x16xf32>,
        %swap3A_500 = vector.shape_cast %swap3A_499 : vector<1x16xf32> to vector<16xf32>
        %swap3A_501 = vector.shape_cast %mul3A_496 : vector<16xf32> to vector<1x16xf32>
        tpu.vector_store %arg16[%swap3A_497, %swap3A_498], %swap3A_501 {strides = array<i32>} : memref<50x128xf32, #tpu.memory_space<vmem>>, vector<1x16xf32>,
        %get3A_502 = arith.index_cast %add3A_489 : i32 to index
        %get3A_503 = arith.constant 16 : index
        %get3A_504 = tpu.vector_load %arg12[%get3A_502, %get3A_503] {strides = array<i32>} : memref<50x128xf32, #tpu.memory_space<vmem>>, vector<1x16xf32>,
        %get3A_505 = vector.shape_cast %get3A_504 : vector<1x16xf32> to vector<16xf32>
        %mul3A_506 = arith.constant 11.3137083 : f32
        %mul3A_507 = vector.broadcast %mul3A_506 : f32 to vector<16xf32>
        %mul3A_508 = arith.mulf %get3A_505, %mul3A_507 : vector<16xf32>
        %swap3A_509 = arith.index_cast %add3A_489 : i32 to index
        %swap3A_510 = arith.constant 16 : index
        %swap3A_511 = tpu.vector_load %arg16[%swap3A_509, %swap3A_510] {strides = array<i32>} : memref<50x128xf32, #tpu.memory_space<vmem>>, vector<1x16xf32>,
        %swap3A_512 = vector.shape_cast %swap3A_511 : vector<1x16xf32> to vector<16xf32>
        %swap3A_513 = vector.shape_cast %mul3A_508 : vector<16xf32> to vector<1x16xf32>
        tpu.vector_store %arg16[%swap3A_509, %swap3A_510], %swap3A_513 {strides = array<i32>} : memref<50x128xf32, #tpu.memory_space<vmem>>, vector<1x16xf32>,
        %get3A_514 = arith.index_cast %add3A_489 : i32 to index
        %get3A_515 = arith.constant 32 : index
        %get3A_516 = tpu.vector_load %arg12[%get3A_514, %get3A_515] {strides = array<i32>} : memref<50x128xf32, #tpu.memory_space<vmem>>, vector<1x16xf32>,
        %get3A_517 = vector.shape_cast %get3A_516 : vector<1x16xf32> to vector<16xf32>
        %mul3A_518 = arith.constant 11.3137083 : f32
        %mul3A_519 = vector.broadcast %mul3A_518 : f32 to vector<16xf32>
        %mul3A_520 = arith.mulf %get3A_517, %mul3A_519 : vector<16xf32>
        %swap3A_521 = arith.index_cast %add3A_489 : i32 to index
        %swap3A_522 = arith.constant 32 : index
        %swap3A_523 = tpu.vector_load %arg16[%swap3A_521, %swap3A_522] {strides = array<i32>} : memref<50x128xf32, #tpu.memory_space<vmem>>, vector<1x16xf32>,
        %swap3A_524 = vector.shape_cast %swap3A_523 : vector<1x16xf32> to vector<16xf32>
        %swap3A_525 = vector.shape_cast %mul3A_520 : vector<16xf32> to vector<1x16xf32>
        tpu.vector_store %arg16[%swap3A_521, %swap3A_522], %swap3A_525 {strides = array<i32>} : memref<50x128xf32, #tpu.memory_space<vmem>>, vector<1x16xf32>,
        %get3A_526 = arith.index_cast %add3A_489 : i32 to index
        %get3A_527 = arith.constant 48 : index
        %get3A_528 = tpu.vector_load %arg12[%get3A_526, %get3A_527] {strides = array<i32>} : memref<50x128xf32, #tpu.memory_space<vmem>>, vector<1x16xf32>,
        %get3A_529 = vector.shape_cast %get3A_528 : vector<1x16xf32> to vector<16xf32>
        %mul3A_530 = arith.constant 11.3137083 : f32
        %mul3A_531 = vector.broadcast %mul3A_530 : f32 to vector<16xf32>
        %mul3A_532 = arith.mulf %get3A_529, %mul3A_531 : vector<16xf32>
        %swap3A_533 = arith.index_cast %add3A_489 : i32 to index
        %swap3A_534 = arith.constant 48 : index
        %swap3A_535 = tpu.vector_load %arg16[%swap3A_533, %swap3A_534] {strides = array<i32>} : memref<50x128xf32, #tpu.memory_space<vmem>>, vector<1x16xf32>,
        %swap3A_536 = vector.shape_cast %swap3A_535 : vector<1x16xf32> to vector<16xf32>
        %swap3A_537 = vector.shape_cast %mul3A_532 : vector<16xf32> to vector<1x16xf32>
        tpu.vector_store %arg16[%swap3A_533, %swap3A_534], %swap3A_537 {strides = array<i32>} : memref<50x128xf32, #tpu.memory_space<vmem>>, vector<1x16xf32>,
        %get3A_538 = arith.index_cast %add3A_489 : i32 to index
        %get3A_539 = arith.constant 64 : index
        %get3A_540 = tpu.vector_load %arg12[%get3A_538, %get3A_539] {strides = array<i32>} : memref<50x128xf32, #tpu.memory_space<vmem>>, vector<1x16xf32>,
        %get3A_541 = vector.shape_cast %get3A_540 : vector<1x16xf32> to vector<16xf32>
        %mul3A_542 = arith.constant 11.3137083 : f32
        %mul3A_543 = vector.broadcast %mul3A_542 : f32 to vector<16xf32>
        %mul3A_544 = arith.mulf %get3A_541, %mul3A_543 : vector<16xf32>
        %swap3A_545 = arith.index_cast %add3A_489 : i32 to index
        %swap3A_546 = arith.constant 64 : index
        %swap3A_547 = tpu.vector_load %arg16[%swap3A_545, %swap3A_546] {strides = array<i32>} : memref<50x128xf32, #tpu.memory_space<vmem>>, vector<1x16xf32>,
        %swap3A_548 = vector.shape_cast %swap3A_547 : vector<1x16xf32> to vector<16xf32>
        %swap3A_549 = vector.shape_cast %mul3A_544 : vector<16xf32> to vector<1x16xf32>
        tpu.vector_store %arg16[%swap3A_545, %swap3A_546], %swap3A_549 {strides = array<i32>} : memref<50x128xf32, #tpu.memory_space<vmem>>, vector<1x16xf32>,
        %get3A_550 = arith.index_cast %add3A_489 : i32 to index
        %get3A_551 = arith.constant 80 : index
        %get3A_552 = tpu.vector_load %arg12[%get3A_550, %get3A_551] {strides = array<i32>} : memref<50x128xf32, #tpu.memory_space<vmem>>, vector<1x16xf32>,
        %get3A_553 = vector.shape_cast %get3A_552 : vector<1x16xf32> to vector<16xf32>
        %mul3A_554 = arith.constant 11.3137083 : f32
        %mul3A_555 = vector.broadcast %mul3A_554 : f32 to vector<16xf32>
        %mul3A_556 = arith.mulf %get3A_553, %mul3A_555 : vector<16xf32>
        %swap3A_557 = arith.index_cast %add3A_489 : i32 to index
        %swap3A_558 = arith.constant 80 : index
        %swap3A_559 = tpu.vector_load %arg16[%swap3A_557, %swap3A_558] {strides = array<i32>} : memref<50x128xf32, #tpu.memory_space<vmem>>, vector<1x16xf32>,
        %swap3A_560 = vector.shape_cast %swap3A_559 : vector<1x16xf32> to vector<16xf32>
        %swap3A_561 = vector.shape_cast %mul3A_556 : vector<16xf32> to vector<1x16xf32>
        tpu.vector_store %arg16[%swap3A_557, %swap3A_558], %swap3A_561 {strides = array<i32>} : memref<50x128xf32, #tpu.memory_space<vmem>>, vector<1x16xf32>,
        %get3A_562 = arith.index_cast %add3A_489 : i32 to index
        %get3A_563 = arith.constant 96 : index
        %get3A_564 = tpu.vector_load %arg12[%get3A_562, %get3A_563] {strides = array<i32>} : memref<50x128xf32, #tpu.memory_space<vmem>>, vector<1x16xf32>,
        %get3A_565 = vector.shape_cast %get3A_564 : vector<1x16xf32> to vector<16xf32>
        %mul3A_566 = arith.constant 11.3137083 : f32
        %mul3A_567 = vector.broadcast %mul3A_566 : f32 to vector<16xf32>
        %mul3A_568 = arith.mulf %get3A_565, %mul3A_567 : vector<16xf32>
        %swap3A_569 = arith.index_cast %add3A_489 : i32 to index
        %swap3A_570 = arith.constant 96 : index
        %swap3A_571 = tpu.vector_load %arg16[%swap3A_569, %swap3A_570] {strides = array<i32>} : memref<50x128xf32, #tpu.memory_space<vmem>>, vector<1x16xf32>,
        %swap3A_572 = vector.shape_cast %swap3A_571 : vector<1x16xf32> to vector<16xf32>
        %swap3A_573 = vector.shape_cast %mul3A_568 : vector<16xf32> to vector<1x16xf32>
        tpu.vector_store %arg16[%swap3A_569, %swap3A_570], %swap3A_573 {strides = array<i32>} : memref<50x128xf32, #tpu.memory_space<vmem>>, vector<1x16xf32>,
        %get3A_574 = arith.index_cast %add3A_489 : i32 to index
        %get3A_575 = arith.constant 112 : index
        %get3A_576 = tpu.vector_load %arg12[%get3A_574, %get3A_575] {strides = array<i32>} : memref<50x128xf32, #tpu.memory_space<vmem>>, vector<1x16xf32>,
        %get3A_577 = vector.shape_cast %get3A_576 : vector<1x16xf32> to vector<16xf32>
        %mul3A_578 = arith.constant 11.3137083 : f32
        %mul3A_579 = vector.broadcast %mul3A_578 : f32 to vector<16xf32>
        %mul3A_580 = arith.mulf %get3A_577, %mul3A_579 : vector<16xf32>
        %swap3A_581 = arith.index_cast %add3A_489 : i32 to index
        %swap3A_582 = arith.constant 112 : index
        %swap3A_583 = tpu.vector_load %arg16[%swap3A_581, %swap3A_582] {strides = array<i32>} : memref<50x128xf32, #tpu.memory_space<vmem>>, vector<1x16xf32>,
        %swap3A_584 = vector.shape_cast %swap3A_583 : vector<1x16xf32> to vector<16xf32>
        %swap3A_585 = vector.shape_cast %mul3A_580 : vector<16xf32> to vector<1x16xf32>
        tpu.vector_store %arg16[%swap3A_581, %swap3A_582], %swap3A_585 {strides = array<i32>} : memref<50x128xf32, #tpu.memory_space<vmem>>, vector<1x16xf32>,
      }
      %scan3A_333 = arith.constant 25 : i32
      %add3A_334 = arith.constant 8 : i32
      %add3A_335 = arith.addi %add3A_316, %add3A_334 : i32
      %lt3A_336 = arith.constant 128 : i32
      %lt3A_337 = arith.cmpi slt, %add3A_335, %lt3A_336 : i32
      %convert_element_type3A_338 = arith.extui %lt3A_337 : i1 to i32
      %cond3A_339 = arith.constant 0 : i32
      %cond3A_340 = arith.cmpi ne, %convert_element_type3A_338, %cond3A_339 : i32
      scf.if %cond3A_340 {
        %dma_start3A_387 = arith.constant 0 : i32
        %dma_start3A_388 = tpu.memref_slice %arg5[%add3A_335, %dma_start3A_387] : memref<128x50xi32, #tpu.memory_space<vmem>> -> memref<1x50xi32, #tpu.memory_space<vmem>>
        %dma_start3A_389 = tpu.memref_squeeze %dma_start3A_388 : memref<1x50xi32, #tpu.memory_space<vmem>> -> memref<50xi32, #tpu.memory_space<vmem>>
        %dma_start3A_390 = arith.constant 0 : i32
        %dma_start3A_391 = arith.constant 0 : i32
        %dma_start3A_392 = tpu.memref_slice %arg3[%dma_start3A_390, %dma_start3A_391] : memref<100000x128xf32, #tpu.memory_space<hbm>> -> memref<100000x128xf32, #tpu.memory_space<hbm>>
        tpu.enqueue_indirect_dma source(%dma_start3A_392 : memref<100000x128xf32, #tpu.memory_space<hbm>>) target(%arg12 : memref<50x128xf32, #tpu.memory_space<vmem>>) offsets(%dma_start3A_389 : memref<50xi32, #tpu.memory_space<vmem>>) semaphore(%arg24 : memref<!tpu.dma_semaphore, #tpu.memory_space<semaphore_mem>>)
      } else {
      }
      %add3A_341 = arith.addi %mul3A_2, %add3A_316 : i32
      %dma_start3A_342 = arith.constant 0 : i32
      %dma_start3A_343 = arith.constant 0 : i32
      %dma_start3A_344 = tpu.memref_slice %arg4[%add3A_341, %dma_start3A_342, %dma_start3A_343] : memref<4096x50x128xf32, #tpu.memory_space<hbm>> -> memref<1x50x128xf32, #tpu.memory_space<hbm>>
      %dma_start3A_345 = tpu.memref_squeeze %dma_start3A_344 : memref<1x50x128xf32, #tpu.memory_space<hbm>> -> memref<50x128xf32, #tpu.memory_space<hbm>>
      %dma_start3A_346 = arith.constant 0 : i32
      %dma_start3A_347 = arith.constant 0 : i32
      %dma_start3A_348 = tpu.memref_slice %arg4[%add3A_341, %dma_start3A_346, %dma_start3A_347] : memref<4096x50x128xf32, #tpu.memory_space<hbm>> -> memref<1x50x128xf32, #tpu.memory_space<hbm>>
      %dma_start3A_349 = tpu.memref_squeeze %dma_start3A_348 : memref<1x50x128xf32, #tpu.memory_space<hbm>> -> memref<50x128xf32, #tpu.memory_space<hbm>>
      tpu.enqueue_dma source(%arg16 : memref<50x128xf32, #tpu.memory_space<vmem>>) target(%dma_start3A_349 : memref<50x128xf32, #tpu.memory_space<hbm>>) target_semaphore(%arg28 : memref<!tpu.dma_semaphore, #tpu.memory_space<semaphore_mem>>)
      %mul3A_350 = arith.constant 8 : i32
      %mul3A_351 = arith.muli %scan3A_94, %mul3A_350 : i32
      %add3A_352 = arith.constant 7 : i32
      %add3A_353 = arith.addi %mul3A_351, %add3A_352 : i32
      %dma_wait3A_354 = arith.constant 0 : i32
      %dma_wait3A_355 = tpu.memref_slice %arg5[%add3A_353, %dma_wait3A_354] : memref<128x50xi32, #tpu.memory_space<vmem>> -> memref<1x50xi32, #tpu.memory_space<vmem>>
      %dma_wait3A_356 = tpu.memref_squeeze %dma_wait3A_355 : memref<1x50xi32, #tpu.memory_space<vmem>> -> memref<50xi32, #tpu.memory_space<vmem>>
      %dma_wait3A_357 = arith.constant 0 : i32
      %dma_wait3A_358 = arith.constant 0 : i32
      %dma_wait3A_359 = tpu.memref_slice %arg3[%dma_wait3A_357, %dma_wait3A_358] : memref<100000x128xf32, #tpu.memory_space<hbm>> -> memref<100000x128xf32, #tpu.memory_space<hbm>>
      tpu.wait_indirect_dma semaphore(%arg25 : memref<!tpu.dma_semaphore, #tpu.memory_space<semaphore_mem>>) src(%dma_wait3A_359 : memref<100000x128xf32, #tpu.memory_space<hbm>>) dst(%arg13 : memref<50x128xf32, #tpu.memory_space<vmem>>)
      %ge3A_360 = arith.constant 4 : i32
      %ge3A_361 = arith.cmpi sge, %add3A_353, %ge3A_360 : i32
      %convert_element_type3A_362 = arith.extui %ge3A_361 : i1 to i32
      %cond3A_363 = arith.constant 0 : i32
      %cond3A_364 = arith.cmpi ne, %convert_element_type3A_362, %cond3A_363 : i32
      scf.if %cond3A_364 {
        %dma_wait3A_387 = arith.constant 0 : i32
        %dma_wait3A_388 = arith.constant 0 : i32
        %dma_wait3A_389 = tpu.memref_slice %arg4[%mul3A_2, %dma_wait3A_387, %dma_wait3A_388] : memref<4096x50x128xf32, #tpu.memory_space<hbm>> -> memref<1x50x128xf32, #tpu.memory_space<hbm>>
        %dma_wait3A_390 = tpu.memref_squeeze %dma_wait3A_389 : memref<1x50x128xf32, #tpu.memory_space<hbm>> -> memref<50x128xf32, #tpu.memory_space<hbm>>
        %dma_wait3A_391 = arith.constant 0 : i32
        %dma_wait3A_392 = arith.constant 0 : i32
        %dma_wait3A_393 = tpu.memref_slice %arg4[%mul3A_2, %dma_wait3A_391, %dma_wait3A_392] : memref<4096x50x128xf32, #tpu.memory_space<hbm>> -> memref<1x50x128xf32, #tpu.memory_space<hbm>>
        %dma_wait3A_394 = tpu.memref_squeeze %dma_wait3A_393 : memref<1x50x128xf32, #tpu.memory_space<hbm>> -> memref<50x128xf32, #tpu.memory_space<hbm>>
        tpu.wait_dma2 semaphore(%arg29 : memref<!tpu.dma_semaphore, #tpu.memory_space<semaphore_mem>>) src(%arg17 : memref<50x128xf32, #tpu.memory_space<vmem>>) dst(%dma_wait3A_394 : memref<50x128xf32, #tpu.memory_space<hbm>>)
      } else {
      }
      %scan3A_365 = arith.constant 0 : i32
      %scan3A_366 = arith.constant 0 : i32
      %scan3A_367 = arith.constant 25 : i32
      %scan3A_368 = arith.addi %scan3A_366, %scan3A_367 : i32
      %scan3A_369 = arith.constant 1 : i32
      scf.for %scan3A_387 = %scan3A_366 to %scan3A_368 step %scan3A_369  : i32 {
        %mul3A_388 = arith.constant 2 : i32
        %mul3A_389 = arith.muli %scan3A_387, %mul3A_388 : i32
        %add3A_390 = arith.constant 0 : i32
        %add3A_391 = arith.addi %mul3A_389, %add3A_390 : i32
        %get3A = arith.index_cast %add3A_391 : i32 to index
        %get3A_392 = arith.constant 0 : index
        %get3A_393 = tpu.vector_load %arg13[%get3A, %get3A_392] {strides = array<i32>} : memref<50x128xf32, #tpu.memory_space<vmem>>, vector<1x16xf32>,
        %get3A_394 = vector.shape_cast %get3A_393 : vector<1x16xf32> to vector<16xf32>
        %mul3A_395 = arith.constant 11.3137083 : f32
        %mul3A_396 = vector.broadcast %mul3A_395 : f32 to vector<16xf32>
        %mul3A_397 = arith.mulf %get3A_394, %mul3A_396 : vector<16xf32>
        %swap3A = arith.index_cast %add3A_391 : i32 to index
        %swap3A_398 = arith.constant 0 : index
        %swap3A_399 = tpu.vector_load %arg17[%swap3A, %swap3A_398] {strides = array<i32>} : memref<50x128xf32, #tpu.memory_space<vmem>>, vector<1x16xf32>,
        %swap3A_400 = vector.shape_cast %swap3A_399 : vector<1x16xf32> to vector<16xf32>
        %swap3A_401 = vector.shape_cast %mul3A_397 : vector<16xf32> to vector<1x16xf32>
        tpu.vector_store %arg17[%swap3A, %swap3A_398], %swap3A_401 {strides = array<i32>} : memref<50x128xf32, #tpu.memory_space<vmem>>, vector<1x16xf32>,
        %get3A_402 = arith.index_cast %add3A_391 : i32 to index
        %get3A_403 = arith.constant 16 : index
        %get3A_404 = tpu.vector_load %arg13[%get3A_402, %get3A_403] {strides = array<i32>} : memref<50x128xf32, #tpu.memory_space<vmem>>, vector<1x16xf32>,
        %get3A_405 = vector.shape_cast %get3A_404 : vector<1x16xf32> to vector<16xf32>
        %mul3A_406 = arith.constant 11.3137083 : f32
        %mul3A_407 = vector.broadcast %mul3A_406 : f32 to vector<16xf32>
        %mul3A_408 = arith.mulf %get3A_405, %mul3A_407 : vector<16xf32>
        %swap3A_409 = arith.index_cast %add3A_391 : i32 to index
        %swap3A_410 = arith.constant 16 : index
        %swap3A_411 = tpu.vector_load %arg17[%swap3A_409, %swap3A_410] {strides = array<i32>} : memref<50x128xf32, #tpu.memory_space<vmem>>, vector<1x16xf32>,
        %swap3A_412 = vector.shape_cast %swap3A_411 : vector<1x16xf32> to vector<16xf32>
        %swap3A_413 = vector.shape_cast %mul3A_408 : vector<16xf32> to vector<1x16xf32>
        tpu.vector_store %arg17[%swap3A_409, %swap3A_410], %swap3A_413 {strides = array<i32>} : memref<50x128xf32, #tpu.memory_space<vmem>>, vector<1x16xf32>,
        %get3A_414 = arith.index_cast %add3A_391 : i32 to index
        %get3A_415 = arith.constant 32 : index
        %get3A_416 = tpu.vector_load %arg13[%get3A_414, %get3A_415] {strides = array<i32>} : memref<50x128xf32, #tpu.memory_space<vmem>>, vector<1x16xf32>,
        %get3A_417 = vector.shape_cast %get3A_416 : vector<1x16xf32> to vector<16xf32>
        %mul3A_418 = arith.constant 11.3137083 : f32
        %mul3A_419 = vector.broadcast %mul3A_418 : f32 to vector<16xf32>
        %mul3A_420 = arith.mulf %get3A_417, %mul3A_419 : vector<16xf32>
        %swap3A_421 = arith.index_cast %add3A_391 : i32 to index
        %swap3A_422 = arith.constant 32 : index
        %swap3A_423 = tpu.vector_load %arg17[%swap3A_421, %swap3A_422] {strides = array<i32>} : memref<50x128xf32, #tpu.memory_space<vmem>>, vector<1x16xf32>,
        %swap3A_424 = vector.shape_cast %swap3A_423 : vector<1x16xf32> to vector<16xf32>
        %swap3A_425 = vector.shape_cast %mul3A_420 : vector<16xf32> to vector<1x16xf32>
        tpu.vector_store %arg17[%swap3A_421, %swap3A_422], %swap3A_425 {strides = array<i32>} : memref<50x128xf32, #tpu.memory_space<vmem>>, vector<1x16xf32>,
        %get3A_426 = arith.index_cast %add3A_391 : i32 to index
        %get3A_427 = arith.constant 48 : index
        %get3A_428 = tpu.vector_load %arg13[%get3A_426, %get3A_427] {strides = array<i32>} : memref<50x128xf32, #tpu.memory_space<vmem>>, vector<1x16xf32>,
        %get3A_429 = vector.shape_cast %get3A_428 : vector<1x16xf32> to vector<16xf32>
        %mul3A_430 = arith.constant 11.3137083 : f32
        %mul3A_431 = vector.broadcast %mul3A_430 : f32 to vector<16xf32>
        %mul3A_432 = arith.mulf %get3A_429, %mul3A_431 : vector<16xf32>
        %swap3A_433 = arith.index_cast %add3A_391 : i32 to index
        %swap3A_434 = arith.constant 48 : index
        %swap3A_435 = tpu.vector_load %arg17[%swap3A_433, %swap3A_434] {strides = array<i32>} : memref<50x128xf32, #tpu.memory_space<vmem>>, vector<1x16xf32>,
        %swap3A_436 = vector.shape_cast %swap3A_435 : vector<1x16xf32> to vector<16xf32>
        %swap3A_437 = vector.shape_cast %mul3A_432 : vector<16xf32> to vector<1x16xf32>
        tpu.vector_store %arg17[%swap3A_433, %swap3A_434], %swap3A_437 {strides = array<i32>} : memref<50x128xf32, #tpu.memory_space<vmem>>, vector<1x16xf32>,
        %get3A_438 = arith.index_cast %add3A_391 : i32 to index
        %get3A_439 = arith.constant 64 : index
        %get3A_440 = tpu.vector_load %arg13[%get3A_438, %get3A_439] {strides = array<i32>} : memref<50x128xf32, #tpu.memory_space<vmem>>, vector<1x16xf32>,
        %get3A_441 = vector.shape_cast %get3A_440 : vector<1x16xf32> to vector<16xf32>
        %mul3A_442 = arith.constant 11.3137083 : f32
        %mul3A_443 = vector.broadcast %mul3A_442 : f32 to vector<16xf32>
        %mul3A_444 = arith.mulf %get3A_441, %mul3A_443 : vector<16xf32>
        %swap3A_445 = arith.index_cast %add3A_391 : i32 to index
        %swap3A_446 = arith.constant 64 : index
        %swap3A_447 = tpu.vector_load %arg17[%swap3A_445, %swap3A_446] {strides = array<i32>} : memref<50x128xf32, #tpu.memory_space<vmem>>, vector<1x16xf32>,
        %swap3A_448 = vector.shape_cast %swap3A_447 : vector<1x16xf32> to vector<16xf32>
        %swap3A_449 = vector.shape_cast %mul3A_444 : vector<16xf32> to vector<1x16xf32>
        tpu.vector_store %arg17[%swap3A_445, %swap3A_446], %swap3A_449 {strides = array<i32>} : memref<50x128xf32, #tpu.memory_space<vmem>>, vector<1x16xf32>,
        %get3A_450 = arith.index_cast %add3A_391 : i32 to index
        %get3A_451 = arith.constant 80 : index
        %get3A_452 = tpu.vector_load %arg13[%get3A_450, %get3A_451] {strides = array<i32>} : memref<50x128xf32, #tpu.memory_space<vmem>>, vector<1x16xf32>,
        %get3A_453 = vector.shape_cast %get3A_452 : vector<1x16xf32> to vector<16xf32>
        %mul3A_454 = arith.constant 11.3137083 : f32
        %mul3A_455 = vector.broadcast %mul3A_454 : f32 to vector<16xf32>
        %mul3A_456 = arith.mulf %get3A_453, %mul3A_455 : vector<16xf32>
        %swap3A_457 = arith.index_cast %add3A_391 : i32 to index
        %swap3A_458 = arith.constant 80 : index
        %swap3A_459 = tpu.vector_load %arg17[%swap3A_457, %swap3A_458] {strides = array<i32>} : memref<50x128xf32, #tpu.memory_space<vmem>>, vector<1x16xf32>,
        %swap3A_460 = vector.shape_cast %swap3A_459 : vector<1x16xf32> to vector<16xf32>
        %swap3A_461 = vector.shape_cast %mul3A_456 : vector<16xf32> to vector<1x16xf32>
        tpu.vector_store %arg17[%swap3A_457, %swap3A_458], %swap3A_461 {strides = array<i32>} : memref<50x128xf32, #tpu.memory_space<vmem>>, vector<1x16xf32>,
        %get3A_462 = arith.index_cast %add3A_391 : i32 to index
        %get3A_463 = arith.constant 96 : index
        %get3A_464 = tpu.vector_load %arg13[%get3A_462, %get3A_463] {strides = array<i32>} : memref<50x128xf32, #tpu.memory_space<vmem>>, vector<1x16xf32>,
        %get3A_465 = vector.shape_cast %get3A_464 : vector<1x16xf32> to vector<16xf32>
        %mul3A_466 = arith.constant 11.3137083 : f32
        %mul3A_467 = vector.broadcast %mul3A_466 : f32 to vector<16xf32>
        %mul3A_468 = arith.mulf %get3A_465, %mul3A_467 : vector<16xf32>
        %swap3A_469 = arith.index_cast %add3A_391 : i32 to index
        %swap3A_470 = arith.constant 96 : index
        %swap3A_471 = tpu.vector_load %arg17[%swap3A_469, %swap3A_470] {strides = array<i32>} : memref<50x128xf32, #tpu.memory_space<vmem>>, vector<1x16xf32>,
        %swap3A_472 = vector.shape_cast %swap3A_471 : vector<1x16xf32> to vector<16xf32>
        %swap3A_473 = vector.shape_cast %mul3A_468 : vector<16xf32> to vector<1x16xf32>
        tpu.vector_store %arg17[%swap3A_469, %swap3A_470], %swap3A_473 {strides = array<i32>} : memref<50x128xf32, #tpu.memory_space<vmem>>, vector<1x16xf32>,
        %get3A_474 = arith.index_cast %add3A_391 : i32 to index
        %get3A_475 = arith.constant 112 : index
        %get3A_476 = tpu.vector_load %arg13[%get3A_474, %get3A_475] {strides = array<i32>} : memref<50x128xf32, #tpu.memory_space<vmem>>, vector<1x16xf32>,
        %get3A_477 = vector.shape_cast %get3A_476 : vector<1x16xf32> to vector<16xf32>
        %mul3A_478 = arith.constant 11.3137083 : f32
        %mul3A_479 = vector.broadcast %mul3A_478 : f32 to vector<16xf32>
        %mul3A_480 = arith.mulf %get3A_477, %mul3A_479 : vector<16xf32>
        %swap3A_481 = arith.index_cast %add3A_391 : i32 to index
        %swap3A_482 = arith.constant 112 : index
        %swap3A_483 = tpu.vector_load %arg17[%swap3A_481, %swap3A_482] {strides = array<i32>} : memref<50x128xf32, #tpu.memory_space<vmem>>, vector<1x16xf32>,
        %swap3A_484 = vector.shape_cast %swap3A_483 : vector<1x16xf32> to vector<16xf32>
        %swap3A_485 = vector.shape_cast %mul3A_480 : vector<16xf32> to vector<1x16xf32>
        tpu.vector_store %arg17[%swap3A_481, %swap3A_482], %swap3A_485 {strides = array<i32>} : memref<50x128xf32, #tpu.memory_space<vmem>>, vector<1x16xf32>,
        %mul3A_486 = arith.constant 2 : i32
        %mul3A_487 = arith.muli %scan3A_387, %mul3A_486 : i32
        %add3A_488 = arith.constant 1 : i32
        %add3A_489 = arith.addi %mul3A_487, %add3A_488 : i32
        %get3A_490 = arith.index_cast %add3A_489 : i32 to index
        %get3A_491 = arith.constant 0 : index
        %get3A_492 = tpu.vector_load %arg13[%get3A_490, %get3A_491] {strides = array<i32>} : memref<50x128xf32, #tpu.memory_space<vmem>>, vector<1x16xf32>,
        %get3A_493 = vector.shape_cast %get3A_492 : vector<1x16xf32> to vector<16xf32>
        %mul3A_494 = arith.constant 11.3137083 : f32
        %mul3A_495 = vector.broadcast %mul3A_494 : f32 to vector<16xf32>
        %mul3A_496 = arith.mulf %get3A_493, %mul3A_495 : vector<16xf32>
        %swap3A_497 = arith.index_cast %add3A_489 : i32 to index
        %swap3A_498 = arith.constant 0 : index
        %swap3A_499 = tpu.vector_load %arg17[%swap3A_497, %swap3A_498] {strides = array<i32>} : memref<50x128xf32, #tpu.memory_space<vmem>>, vector<1x16xf32>,
        %swap3A_500 = vector.shape_cast %swap3A_499 : vector<1x16xf32> to vector<16xf32>
        %swap3A_501 = vector.shape_cast %mul3A_496 : vector<16xf32> to vector<1x16xf32>
        tpu.vector_store %arg17[%swap3A_497, %swap3A_498], %swap3A_501 {strides = array<i32>} : memref<50x128xf32, #tpu.memory_space<vmem>>, vector<1x16xf32>,
        %get3A_502 = arith.index_cast %add3A_489 : i32 to index
        %get3A_503 = arith.constant 16 : index
        %get3A_504 = tpu.vector_load %arg13[%get3A_502, %get3A_503] {strides = array<i32>} : memref<50x128xf32, #tpu.memory_space<vmem>>, vector<1x16xf32>,
        %get3A_505 = vector.shape_cast %get3A_504 : vector<1x16xf32> to vector<16xf32>
        %mul3A_506 = arith.constant 11.3137083 : f32
        %mul3A_507 = vector.broadcast %mul3A_506 : f32 to vector<16xf32>
        %mul3A_508 = arith.mulf %get3A_505, %mul3A_507 : vector<16xf32>
        %swap3A_509 = arith.index_cast %add3A_489 : i32 to index
        %swap3A_510 = arith.constant 16 : index
        %swap3A_511 = tpu.vector_load %arg17[%swap3A_509, %swap3A_510] {strides = array<i32>} : memref<50x128xf32, #tpu.memory_space<vmem>>, vector<1x16xf32>,
        %swap3A_512 = vector.shape_cast %swap3A_511 : vector<1x16xf32> to vector<16xf32>
        %swap3A_513 = vector.shape_cast %mul3A_508 : vector<16xf32> to vector<1x16xf32>
        tpu.vector_store %arg17[%swap3A_509, %swap3A_510], %swap3A_513 {strides = array<i32>} : memref<50x128xf32, #tpu.memory_space<vmem>>, vector<1x16xf32>,
        %get3A_514 = arith.index_cast %add3A_489 : i32 to index
        %get3A_515 = arith.constant 32 : index
        %get3A_516 = tpu.vector_load %arg13[%get3A_514, %get3A_515] {strides = array<i32>} : memref<50x128xf32, #tpu.memory_space<vmem>>, vector<1x16xf32>,
        %get3A_517 = vector.shape_cast %get3A_516 : vector<1x16xf32> to vector<16xf32>
        %mul3A_518 = arith.constant 11.3137083 : f32
        %mul3A_519 = vector.broadcast %mul3A_518 : f32 to vector<16xf32>
        %mul3A_520 = arith.mulf %get3A_517, %mul3A_519 : vector<16xf32>
        %swap3A_521 = arith.index_cast %add3A_489 : i32 to index
        %swap3A_522 = arith.constant 32 : index
        %swap3A_523 = tpu.vector_load %arg17[%swap3A_521, %swap3A_522] {strides = array<i32>} : memref<50x128xf32, #tpu.memory_space<vmem>>, vector<1x16xf32>,
        %swap3A_524 = vector.shape_cast %swap3A_523 : vector<1x16xf32> to vector<16xf32>
        %swap3A_525 = vector.shape_cast %mul3A_520 : vector<16xf32> to vector<1x16xf32>
        tpu.vector_store %arg17[%swap3A_521, %swap3A_522], %swap3A_525 {strides = array<i32>} : memref<50x128xf32, #tpu.memory_space<vmem>>, vector<1x16xf32>,
        %get3A_526 = arith.index_cast %add3A_489 : i32 to index
        %get3A_527 = arith.constant 48 : index
        %get3A_528 = tpu.vector_load %arg13[%get3A_526, %get3A_527] {strides = array<i32>} : memref<50x128xf32, #tpu.memory_space<vmem>>, vector<1x16xf32>,
        %get3A_529 = vector.shape_cast %get3A_528 : vector<1x16xf32> to vector<16xf32>
        %mul3A_530 = arith.constant 11.3137083 : f32
        %mul3A_531 = vector.broadcast %mul3A_530 : f32 to vector<16xf32>
        %mul3A_532 = arith.mulf %get3A_529, %mul3A_531 : vector<16xf32>
        %swap3A_533 = arith.index_cast %add3A_489 : i32 to index
        %swap3A_534 = arith.constant 48 : index
        %swap3A_535 = tpu.vector_load %arg17[%swap3A_533, %swap3A_534] {strides = array<i32>} : memref<50x128xf32, #tpu.memory_space<vmem>>, vector<1x16xf32>,
        %swap3A_536 = vector.shape_cast %swap3A_535 : vector<1x16xf32> to vector<16xf32>
        %swap3A_537 = vector.shape_cast %mul3A_532 : vector<16xf32> to vector<1x16xf32>
        tpu.vector_store %arg17[%swap3A_533, %swap3A_534], %swap3A_537 {strides = array<i32>} : memref<50x128xf32, #tpu.memory_space<vmem>>, vector<1x16xf32>,
        %get3A_538 = arith.index_cast %add3A_489 : i32 to index
        %get3A_539 = arith.constant 64 : index
        %get3A_540 = tpu.vector_load %arg13[%get3A_538, %get3A_539] {strides = array<i32>} : memref<50x128xf32, #tpu.memory_space<vmem>>, vector<1x16xf32>,
        %get3A_541 = vector.shape_cast %get3A_540 : vector<1x16xf32> to vector<16xf32>
        %mul3A_542 = arith.constant 11.3137083 : f32
        %mul3A_543 = vector.broadcast %mul3A_542 : f32 to vector<16xf32>
        %mul3A_544 = arith.mulf %get3A_541, %mul3A_543 : vector<16xf32>
        %swap3A_545 = arith.index_cast %add3A_489 : i32 to index
        %swap3A_546 = arith.constant 64 : index
        %swap3A_547 = tpu.vector_load %arg17[%swap3A_545, %swap3A_546] {strides = array<i32>} : memref<50x128xf32, #tpu.memory_space<vmem>>, vector<1x16xf32>,
        %swap3A_548 = vector.shape_cast %swap3A_547 : vector<1x16xf32> to vector<16xf32>
        %swap3A_549 = vector.shape_cast %mul3A_544 : vector<16xf32> to vector<1x16xf32>
        tpu.vector_store %arg17[%swap3A_545, %swap3A_546], %swap3A_549 {strides = array<i32>} : memref<50x128xf32, #tpu.memory_space<vmem>>, vector<1x16xf32>,
        %get3A_550 = arith.index_cast %add3A_489 : i32 to index
        %get3A_551 = arith.constant 80 : index
        %get3A_552 = tpu.vector_load %arg13[%get3A_550, %get3A_551] {strides = array<i32>} : memref<50x128xf32, #tpu.memory_space<vmem>>, vector<1x16xf32>,
        %get3A_553 = vector.shape_cast %get3A_552 : vector<1x16xf32> to vector<16xf32>
        %mul3A_554 = arith.constant 11.3137083 : f32
        %mul3A_555 = vector.broadcast %mul3A_554 : f32 to vector<16xf32>
        %mul3A_556 = arith.mulf %get3A_553, %mul3A_555 : vector<16xf32>
        %swap3A_557 = arith.index_cast %add3A_489 : i32 to index
        %swap3A_558 = arith.constant 80 : index
        %swap3A_559 = tpu.vector_load %arg17[%swap3A_557, %swap3A_558] {strides = array<i32>} : memref<50x128xf32, #tpu.memory_space<vmem>>, vector<1x16xf32>,
        %swap3A_560 = vector.shape_cast %swap3A_559 : vector<1x16xf32> to vector<16xf32>
        %swap3A_561 = vector.shape_cast %mul3A_556 : vector<16xf32> to vector<1x16xf32>
        tpu.vector_store %arg17[%swap3A_557, %swap3A_558], %swap3A_561 {strides = array<i32>} : memref<50x128xf32, #tpu.memory_space<vmem>>, vector<1x16xf32>,
        %get3A_562 = arith.index_cast %add3A_489 : i32 to index
        %get3A_563 = arith.constant 96 : index
        %get3A_564 = tpu.vector_load %arg13[%get3A_562, %get3A_563] {strides = array<i32>} : memref<50x128xf32, #tpu.memory_space<vmem>>, vector<1x16xf32>,
        %get3A_565 = vector.shape_cast %get3A_564 : vector<1x16xf32> to vector<16xf32>
        %mul3A_566 = arith.constant 11.3137083 : f32
        %mul3A_567 = vector.broadcast %mul3A_566 : f32 to vector<16xf32>
        %mul3A_568 = arith.mulf %get3A_565, %mul3A_567 : vector<16xf32>
        %swap3A_569 = arith.index_cast %add3A_489 : i32 to index
        %swap3A_570 = arith.constant 96 : index
        %swap3A_571 = tpu.vector_load %arg17[%swap3A_569, %swap3A_570] {strides = array<i32>} : memref<50x128xf32, #tpu.memory_space<vmem>>, vector<1x16xf32>,
        %swap3A_572 = vector.shape_cast %swap3A_571 : vector<1x16xf32> to vector<16xf32>
        %swap3A_573 = vector.shape_cast %mul3A_568 : vector<16xf32> to vector<1x16xf32>
        tpu.vector_store %arg17[%swap3A_569, %swap3A_570], %swap3A_573 {strides = array<i32>} : memref<50x128xf32, #tpu.memory_space<vmem>>, vector<1x16xf32>,
        %get3A_574 = arith.index_cast %add3A_489 : i32 to index
        %get3A_575 = arith.constant 112 : index
        %get3A_576 = tpu.vector_load %arg13[%get3A_574, %get3A_575] {strides = array<i32>} : memref<50x128xf32, #tpu.memory_space<vmem>>, vector<1x16xf32>,
        %get3A_577 = vector.shape_cast %get3A_576 : vector<1x16xf32> to vector<16xf32>
        %mul3A_578 = arith.constant 11.3137083 : f32
        %mul3A_579 = vector.broadcast %mul3A_578 : f32 to vector<16xf32>
        %mul3A_580 = arith.mulf %get3A_577, %mul3A_579 : vector<16xf32>
        %swap3A_581 = arith.index_cast %add3A_489 : i32 to index
        %swap3A_582 = arith.constant 112 : index
        %swap3A_583 = tpu.vector_load %arg17[%swap3A_581, %swap3A_582] {strides = array<i32>} : memref<50x128xf32, #tpu.memory_space<vmem>>, vector<1x16xf32>,
        %swap3A_584 = vector.shape_cast %swap3A_583 : vector<1x16xf32> to vector<16xf32>
        %swap3A_585 = vector.shape_cast %mul3A_580 : vector<16xf32> to vector<1x16xf32>
        tpu.vector_store %arg17[%swap3A_581, %swap3A_582], %swap3A_585 {strides = array<i32>} : memref<50x128xf32, #tpu.memory_space<vmem>>, vector<1x16xf32>,
      }
      %scan3A_370 = arith.constant 25 : i32
      %add3A_371 = arith.constant 8 : i32
      %add3A_372 = arith.addi %add3A_353, %add3A_371 : i32
      %lt3A_373 = arith.constant 128 : i32
      %lt3A_374 = arith.cmpi slt, %add3A_372, %lt3A_373 : i32
      %convert_element_type3A_375 = arith.extui %lt3A_374 : i1 to i32
      %cond3A_376 = arith.constant 0 : i32
      %cond3A_377 = arith.cmpi ne, %convert_element_type3A_375, %cond3A_376 : i32
      scf.if %cond3A_377 {
        %dma_start3A_387 = arith.constant 0 : i32
        %dma_start3A_388 = tpu.memref_slice %arg5[%add3A_372, %dma_start3A_387] : memref<128x50xi32, #tpu.memory_space<vmem>> -> memref<1x50xi32, #tpu.memory_space<vmem>>
        %dma_start3A_389 = tpu.memref_squeeze %dma_start3A_388 : memref<1x50xi32, #tpu.memory_space<vmem>> -> memref<50xi32, #tpu.memory_space<vmem>>
        %dma_start3A_390 = arith.constant 0 : i32
        %dma_start3A_391 = arith.constant 0 : i32
        %dma_start3A_392 = tpu.memref_slice %arg3[%dma_start3A_390, %dma_start3A_391] : memref<100000x128xf32, #tpu.memory_space<hbm>> -> memref<100000x128xf32, #tpu.memory_space<hbm>>
        tpu.enqueue_indirect_dma source(%dma_start3A_392 : memref<100000x128xf32, #tpu.memory_space<hbm>>) target(%arg13 : memref<50x128xf32, #tpu.memory_space<vmem>>) offsets(%dma_start3A_389 : memref<50xi32, #tpu.memory_space<vmem>>) semaphore(%arg25 : memref<!tpu.dma_semaphore, #tpu.memory_space<semaphore_mem>>)
      } else {
      }
      %add3A_378 = arith.addi %mul3A_2, %add3A_353 : i32
      %dma_start3A_379 = arith.constant 0 : i32
      %dma_start3A_380 = arith.constant 0 : i32
      %dma_start3A_381 = tpu.memref_slice %arg4[%add3A_378, %dma_start3A_379, %dma_start3A_380] : memref<4096x50x128xf32, #tpu.memory_space<hbm>> -> memref<1x50x128xf32, #tpu.memory_space<hbm>>
      %dma_start3A_382 = tpu.memref_squeeze %dma_start3A_381 : memref<1x50x128xf32, #tpu.memory_space<hbm>> -> memref<50x128xf32, #tpu.memory_space<hbm>>
      %dma_start3A_383 = arith.constant 0 : i32
      %dma_start3A_384 = arith.constant 0 : i32
      %dma_start3A_385 = tpu.memref_slice %arg4[%add3A_378, %dma_start3A_383, %dma_start3A_384] : memref<4096x50x128xf32, #tpu.memory_space<hbm>> -> memref<1x50x128xf32, #tpu.memory_space<hbm>>
      %dma_start3A_386 = tpu.memref_squeeze %dma_start3A_385 : memref<1x50x128xf32, #tpu.memory_space<hbm>> -> memref<50x128xf32, #tpu.memory_space<hbm>>
      tpu.enqueue_dma source(%arg17 : memref<50x128xf32, #tpu.memory_space<vmem>>) target(%dma_start3A_386 : memref<50x128xf32, #tpu.memory_space<hbm>>) target_semaphore(%arg29 : memref<!tpu.dma_semaphore, #tpu.memory_space<semaphore_mem>>)
    }
    %scan3A_62 = arith.constant 16 : i32
    %dma_wait3A = arith.constant 0 : i32
    %dma_wait3A_63 = arith.constant 0 : i32
    %dma_wait3A_64 = tpu.memref_slice %arg4[%mul3A_2, %dma_wait3A, %dma_wait3A_63] : memref<4096x50x128xf32, #tpu.memory_space<hbm>> -> memref<1x50x128xf32, #tpu.memory_space<hbm>>
    %dma_wait3A_65 = tpu.memref_squeeze %dma_wait3A_64 : memref<1x50x128xf32, #tpu.memory_space<hbm>> -> memref<50x128xf32, #tpu.memory_space<hbm>>
    %dma_wait3A_66 = arith.constant 0 : i32
    %dma_wait3A_67 = arith.constant 0 : i32
    %dma_wait3A_68 = tpu.memref_slice %arg4[%mul3A_2, %dma_wait3A_66, %dma_wait3A_67] : memref<4096x50x128xf32, #tpu.memory_space<hbm>> -> memref<1x50x128xf32, #tpu.memory_space<hbm>>
    %dma_wait3A_69 = tpu.memref_squeeze %dma_wait3A_68 : memref<1x50x128xf32, #tpu.memory_space<hbm>> -> memref<50x128xf32, #tpu.memory_space<hbm>>
    tpu.wait_dma2 semaphore(%arg26 : memref<!tpu.dma_semaphore, #tpu.memory_space<semaphore_mem>>) src(%arg14 : memref<50x128xf32, #tpu.memory_space<vmem>>) dst(%dma_wait3A_69 : memref<50x128xf32, #tpu.memory_space<hbm>>)
    %dma_wait3A_70 = arith.constant 0 : i32
    %dma_wait3A_71 = arith.constant 0 : i32
    %dma_wait3A_72 = tpu.memref_slice %arg4[%mul3A_2, %dma_wait3A_70, %dma_wait3A_71] : memref<4096x50x128xf32, #tpu.memory_space<hbm>> -> memref<1x50x128xf32, #tpu.memory_space<hbm>>
    %dma_wait3A_73 = tpu.memref_squeeze %dma_wait3A_72 : memref<1x50x128xf32, #tpu.memory_space<hbm>> -> memref<50x128xf32, #tpu.memory_space<hbm>>
    %dma_wait3A_74 = arith.constant 0 : i32
    %dma_wait3A_75 = arith.constant 0 : i32
    %dma_wait3A_76 = tpu.memref_slice %arg4[%mul3A_2, %dma_wait3A_74, %dma_wait3A_75] : memref<4096x50x128xf32, #tpu.memory_space<hbm>> -> memref<1x50x128xf32, #tpu.memory_space<hbm>>
    %dma_wait3A_77 = tpu.memref_squeeze %dma_wait3A_76 : memref<1x50x128xf32, #tpu.memory_space<hbm>> -> memref<50x128xf32, #tpu.memory_space<hbm>>
    tpu.wait_dma2 semaphore(%arg27 : memref<!tpu.dma_semaphore, #tpu.memory_space<semaphore_mem>>) src(%arg15 : memref<50x128xf32, #tpu.memory_space<vmem>>) dst(%dma_wait3A_77 : memref<50x128xf32, #tpu.memory_space<hbm>>)
    %dma_wait3A_78 = arith.constant 0 : i32
    %dma_wait3A_79 = arith.constant 0 : i32
    %dma_wait3A_80 = tpu.memref_slice %arg4[%mul3A_2, %dma_wait3A_78, %dma_wait3A_79] : memref<4096x50x128xf32, #tpu.memory_space<hbm>> -> memref<1x50x128xf32, #tpu.memory_space<hbm>>
    %dma_wait3A_81 = tpu.memref_squeeze %dma_wait3A_80 : memref<1x50x128xf32, #tpu.memory_space<hbm>> -> memref<50x128xf32, #tpu.memory_space<hbm>>
    %dma_wait3A_82 = arith.constant 0 : i32
    %dma_wait3A_83 = arith.constant 0 : i32
    %dma_wait3A_84 = tpu.memref_slice %arg4[%mul3A_2, %dma_wait3A_82, %dma_wait3A_83] : memref<4096x50x128xf32, #tpu.memory_space<hbm>> -> memref<1x50x128xf32, #tpu.memory_space<hbm>>
    %dma_wait3A_85 = tpu.memref_squeeze %dma_wait3A_84 : memref<1x50x128xf32, #tpu.memory_space<hbm>> -> memref<50x128xf32, #tpu.memory_space<hbm>>
    tpu.wait_dma2 semaphore(%arg28 : memref<!tpu.dma_semaphore, #tpu.memory_space<semaphore_mem>>) src(%arg16 : memref<50x128xf32, #tpu.memory_space<vmem>>) dst(%dma_wait3A_85 : memref<50x128xf32, #tpu.memory_space<hbm>>)
    %dma_wait3A_86 = arith.constant 0 : i32
    %dma_wait3A_87 = arith.constant 0 : i32
    %dma_wait3A_88 = tpu.memref_slice %arg4[%mul3A_2, %dma_wait3A_86, %dma_wait3A_87] : memref<4096x50x128xf32, #tpu.memory_space<hbm>> -> memref<1x50x128xf32, #tpu.memory_space<hbm>>
    %dma_wait3A_89 = tpu.memref_squeeze %dma_wait3A_88 : memref<1x50x128xf32, #tpu.memory_space<hbm>> -> memref<50x128xf32, #tpu.memory_space<hbm>>
    %dma_wait3A_90 = arith.constant 0 : i32
    %dma_wait3A_91 = arith.constant 0 : i32
    %dma_wait3A_92 = tpu.memref_slice %arg4[%mul3A_2, %dma_wait3A_90, %dma_wait3A_91] : memref<4096x50x128xf32, #tpu.memory_space<hbm>> -> memref<1x50x128xf32, #tpu.memory_space<hbm>>
    %dma_wait3A_93 = tpu.memref_squeeze %dma_wait3A_92 : memref<1x50x128xf32, #tpu.memory_space<hbm>> -> memref<50x128xf32, #tpu.memory_space<hbm>>
    tpu.wait_dma2 semaphore(%arg29 : memref<!tpu.dma_semaphore, #tpu.memory_space<semaphore_mem>>) src(%arg17 : memref<50x128xf32, #tpu.memory_space<vmem>>) dst(%dma_wait3A_93 : memref<50x128xf32, #tpu.memory_space<hbm>>)
    return
  }
}

</mosaic_0001>

<sc_bundles>
// kernel: kernel.3.cloned.1.call-start
scs
__scs_entry_jumppad:
0x0: {  	(pc) =	sbr.rel $0x88, $3  }
0x1: {  	(tag) =	ssettag $0x0;
	lr =	simm.s32 $0x1  }
0x2: {  	[smem:$0x3F9F] =	sst lr;
	_ =	strace $0xD0000000  }
0x3: {  	_ = 	snop  }
0x4: {  	_ = 	snop  }
0x5: {  	_ = 	snop  }
0x6: {  	_ = 	snop  }
0x7: {  	_ = 	snop  }
__scs_overlays_trampoline_lowered:
0x8: {  	[smem:$0x3FAE] =	sst s0  }
0x9: {  	[smem:$0x3FAF] =	sst s1  }
0xa: {  	[smem:$0x3FB0] =	sst s2  }
0xb: {  	[smem:$0x3FB1] =	sst s3  }
0xc: {  	[smem:$0x3FB2] =	sst s4  }
0xd: {  	[smem:$0x3FB3] =	sst s5  }
0xe: {  	[smem:$0x3FB4] =	sst s6  }
0xf: {  	[smem:$0x3FB5] =	sst s7  }
0x10: {  	[smem:$0x3FB6] =	sst s8  }
0x11: {  	[smem:$0x3FB7] =	sst s9;
	s0 =	simm.s32 @!p0 $0x0  }
0x12: {  	s1 =	sld [smem:$0x3F9D];
	s0 =	simm.s32 @p0 $0x1  }
0x13: {  	[smem:$0x3FB8] =	sst s0;
	s0 =	simm.s32 @!p1 $0x0  }
0x14: {  	s2 =	sld [smem:$0x3F9C];
	s0 =	simm.s32 @p1 $0x1  }
0x15: {  	[smem:$0x3FB9] =	sst s0;
	s0 =	simm.s32 @!p2 $0x0  }
0x16: {  	s3 =	sld [smem:$0x3FDB];
	s0 =	simm.s32 @p2 $0x1  }
0x17: {  	s4 =	simm.s32 $0x1BF5;
	[smem:$0x3FBB] =	sst s0  }
0x18: {  	s0 =	sld [smem:$0x3F9E];
	_ =	swait.ge [sflag:s4], $0x0  }
0x19: {  	s7 =	sld [smem:$0x3F9F]  }
0x1a: {  	s8 =	sadd.s32 $0xFFFFE003, lr  }
0x1b: {  	s9 =	sadd.s32 $0xFFFFFEF7, lr;
	s5 =	simm.s32 $0xFFFFFFFF;
	p2 =	slt.u32 s8, $0xFFFFF086  }
0x1c: {  	p1 =	slt.u32 s9, $0xF7A;
	s5 =	simm.s32 @!p2 $0x0  }
0x1d: {  	s5 =	simm.s32 @p1 $0x1;
	p0 =	seq.s32 s7, s2  }
0x1e: {  	s7 =	smul.u32 @!p0 $0xF7A, s2;
	p2 =	seq.s32 @!p0 s5, $0x0  }
0x1f: {  	s9 =	smul.u32 $0xF7A, s1;
	s8 =	simm.s32 @!p0 $0x1BF5;
	p2 =	por !p2, p0  }
0x20: {  	[sflag:s8] =	ssyncset.s32 @!p0 $0xFFFFF086;
	s6 =	sadd.s32 @!p0 s3, s7;
	s7 =	simm.s32 @!p0 $0x108  }
0x21: {  	s3 =	sadd.s32 s3, s9;
	s6 =	sadd.s32 @!p0 $0x88, s6;
	s7 =	simm.s32 @p2 $0x1082  }
0x22: {  	[simem:s7], [sflag:s8] =	dma.local @!p0 [hbm:s6], $0xF7A  }
0x23: {  	s9 =	sor.u32 $0xD0000000, s2;
	s6 =	simm.s32 $0x108;
	_ =	swait.ge @!p0 [sflag:s8], $0x0  }
0x24: {  	s3 =	sadd.s32 $0x88, s3;
	s6 =	simm.s32 @!p1 $0x1082;
	[sflag:s4] =	ssyncset.s32 $0xFFFFF086  }
0x25: {  	[simem:s6], [sflag:s4] =	dma.local [hbm:s3], $0xF7A  }
0x26: {  	[smem:$0x3F9F] =	sst s1;
	(tag) =	ssettag s2;
	_ =	strace s9  }
0x27: {  	s1 =	sld [smem:$0x3FAF]  }
0x28: {  	s2 =	sld [smem:$0x3FB0]  }
0x29: {  	s4 =	sld [smem:$0x3FB2]  }
0x2a: {  	p0 =	seq.s32 s5, $0x0;
	s5 =	sld [smem:$0x3FB3]  }
0x2b: {  	s6 =	sld [smem:$0x3FB4]  }
0x2c: {  	s7 =	sld [smem:$0x3FB5]  }
0x2d: {  	s3 =	simm.s32 $0x108;
	s8 =	sld [smem:$0x3FB6]  }
0x2e: {  	s3 =	simm.s32 @!p0 $0x1082;
	s9 =	sld [smem:$0x3FB7]  }
0x2f: {  	lr =	sadd.s32 s0, s3;
	s0 =	sld [smem:$0x3FAE]  }
0x30: {  	s3 =	sld [smem:$0x3FB1]  }
0x31: {  	[smem:$0x3FBA] =	sst s10  }
0x32: {  	s10 =	sld [smem:$0x3FB8];
	_ =	sdelay $0x3  }
0x33: {  	p0 =	seq.s32 s10, $0x1;
	s10 =	sld [smem:$0x3FBA];
	_ =	sdelay $0x3  }
0x34: {  	[smem:$0x3FBA] =	sst s10  }
0x35: {  	s10 =	sld [smem:$0x3FB9];
	_ =	sdelay $0x3  }
0x36: {  	p1 =	seq.s32 s10, $0x1;
	s10 =	sld [smem:$0x3FBA];
	_ =	sdelay $0x3  }
0x37: {  	[smem:$0x3FBA] =	sst s10  }
0x38: {  	s10 =	sld [smem:$0x3FBB]  }
0x39: {  	_ = 	snop;
	(pc) =	sbr.ind lr, $3  }
0x3a: {  	_ = 	snop  }
0x3b: {  	_ = 	snop  }
0x3c: {  	p2 =	seq.s32 s10, $0x1;
	s10 =	sld [smem:$0x3FBA]  }
0x3d: {  	_ =	shalt  }
0x3e: {  	_ =	shalt  }
0x3f: {  	_ =	shalt  }
0x40: {  	_ =	shalt  }
0x41: {  	_ =	shalt  }
0x42: {  	_ =	shalt  }
0x43: {  	_ =	shalt  }
0x44: {  	_ =	shalt  }
0x45: {  	_ =	shalt  }
0x46: {  	_ =	shalt  }
0x47: {  	_ =	shalt  }
0x48: {  	_ =	shalt  }
0x49: {  	_ =	shalt  }
0x4a: {  	_ =	shalt  }
0x4b: {  	_ =	shalt  }
0x4c: {  	_ =	shalt  }
0x4d: {  	_ =	shalt  }
0x4e: {  	_ =	shalt  }
0x4f: {  	_ =	shalt  }
0x50: {  	_ =	shalt  }
0x51: {  	_ =	shalt  }
0x52: {  	_ =	shalt  }
0x53: {  	_ =	shalt  }
0x54: {  	_ =	shalt  }
0x55: {  	_ =	shalt  }
0x56: {  	_ =	shalt  }
0x57: {  	_ =	shalt  }
0x58: {  	_ =	shalt  }
0x59: {  	_ =	shalt  }
0x5a: {  	_ =	shalt  }
0x5b: {  	_ =	shalt  }
0x5c: {  	_ =	shalt  }
0x5d: {  	_ =	shalt  }
0x5e: {  	_ =	shalt  }
0x5f: {  	_ =	shalt  }
0x60: {  	_ =	shalt  }
0x61: {  	_ =	shalt  }
0x62: {  	_ =	shalt  }
0x63: {  	_ =	shalt  }
0x64: {  	_ =	shalt  }
0x65: {  	_ =	shalt  }
0x66: {  	_ =	shalt  }
0x67: {  	_ =	shalt  }
0x68: {  	_ =	shalt  }
0x69: {  	_ =	shalt  }
0x6a: {  	_ =	shalt  }
0x6b: {  	_ =	shalt  }
0x6c: {  	_ =	shalt  }
0x6d: {  	_ =	shalt  }
0x6e: {  	_ =	shalt  }
0x6f: {  	_ =	shalt  }
0x70: {  	_ =	shalt  }
0x71: {  	_ =	shalt  }
0x72: {  	_ =	shalt  }
0x73: {  	_ =	shalt  }
0x74: {  	_ =	shalt  }
0x75: {  	_ =	shalt  }
0x76: {  	_ =	shalt  }
0x77: {  	_ =	shalt  }
0x78: {  	_ =	shalt  }
0x79: {  	_ =	shalt  }
0x7a: {  	_ =	shalt  }
0x7b: {  	_ =	shalt  }
0x7c: {  	_ =	shalt  }
0x7d: {  	_ =	shalt  }
0x7e: {  	_ =	shalt  }
0x7f: {  	_ =	shalt  }
0x80: {  	_ =	shalt  }
0x81: {  	_ =	shalt  }
0x82: {  	_ =	shalt  }
0x83: {  	_ =	shalt  }
0x84: {  	_ =	shalt  }
0x85: {  	_ =	shalt  }
0x86: {  	_ =	shalt  }
0x87: {  	_ =	shalt  }
.Lfunc_end0:
.L_simem_size_0:
called_computation_lowered:
.L_overlay_start_0:
0x88: {  	s2 =	sld [smem:$0x3FD9]  }
0x89: {  	s3 =	sld [smem:$0x3FFE];
	_ =	sdelay $0x1  }
0x8a: {  	s1 =	srdreg.scid  }
0x8b: {  	s0 =	sand.u32 $0x1, s1  }
0x8c: {  	s17 =	sshll.u32 s0, $0xA;
	s2 =	sadd.s32 s3, s2  }
0x8d: {  	s2 =	sadd.s32 s2, s17  }
0x8e: {  	[smem:$0x3FC6] =	sst s2  }
0x8f: {  	_ = 	snop  }
0x90: {  	s2 =	sld [smem:$0x3FC8]  }
0x91: {  	s18 =	sld [smem:$0x3FD0];
	(tm) =	ssettm $0x1  }
0x92: {  	s4 =	sld [smem:$0x3FFB];
	_ =	sdelay $0x3  }
0x93: {  	_ =	strace s4  }
0x94: {  	s4 =	sld [smem:$0x3FFC];
	_ =	sdelay $0x3  }
0x95: {  	_ =	strace s4  }
0x96: {  	s4 =	sld [smem:$0x3FFD];
	_ =	sdelay $0x3  }
0x97: {  	_ =	strace s4  }
0x98: {  	_ =	strace $0x8FFFFFFF  }
0x99: {  	s19 =	sld [smem:$0x3FDB];
	_ =	sdelay $0x1  }
0x9a: {  	s5 =	simm.s32 $_scs_section_size  }
0x9b: {  	s6 =	simm.s32 $_size__tile_overlayer_lowered;
	s7 =	simm.s32 $_tile_overlayer_lowered  }
0x9c: {  	s22 =	simm.s32 $0x1BFF;
	s21 =	sshll.u32 s7, $0x1;
	s4 =	sadd.s32 s5, s19  }
0x9d: {  	s8 =	simm.s32 $0x0;
	s20 =	sshll.u32 s6, $0x1;
	s6 =	sadd.s32 s21, s4  }
0x9e: {  	[timem:s8], [sflag:s22] =	dma.local [hbm:s6], s20  }
0x9f: {  	_ =	swait.ge [sflag:s22], s20  }
0xa0: {  	s5 =	ssub.s32 $0x0, s20;
	[sflag:s22] =	ssyncset.done $0x0  }
0xa1: {  	[sflag:s22] =	ssyncadd.s32 s5;
	_ =	sdelay $0x1  }
0xa2: {  	s23 =	simm.s32 $0x1B8B  }
0xa3: {  	_ =	swait.ge [sflag:s23], $0x1  }
0xa4: {  	[sflag:s23] =	ssyncset.done $0x0  }
0xa5: {  	s25 =	simm.s32 $0x1B8E;
	s24 =	sld [smem:$0x3FFE];
	[sflag:s23] =	ssyncadd.s32 $0xFFFFFFFF  }
0xa6: {  	s26 =	simm.s32 $execute0_lowered;
	[smem:$0x3FD2] =	sst s25  }
0xa7: {  	s6 =	sshll.u32 s26, $0x1;
	_ =	strace $0x80000046;
	[dreg:$0x1] =	wrdreg $0xFFFFFFFF  }
0xa8: {  	s28 =	simm.s32 $_size_execute0_lowered;
	s4 =	sadd.s32 s4, s6;
	[dreg:$0x0] =	wrdreg $0x0  }
0xa9: {  	s6 =	sshll.u32 s28, $0x1;
	[dreg:$0x2] =	wrdreg s4  }
0xaa: {  	[dreg:$0x3] =	wrdreg s6  }
0xab: {  	[dreg:$0x4] =	wrdreg $0xC0  }
0xac: {  	_ =	task [dreg:s8], $0x5FFFF  }
0xad: {  	[dreg:$0x1] =	wrdreg $0xFFFFFFFF  }
0xae: {  	[dreg:$0x0] =	wrdreg $0x60  }
0xaf: {  	[dreg:$0x2] =	wrdreg s18  }
0xb0: {  	[dreg:$0x3] =	wrdreg s2  }
0xb1: {  	[dreg:$0x4] =	wrdreg s24  }
0xb2: {  	[dreg:$0x5] =	wrdreg $0x9  }
0xb3: {  	_ =	task.clear_ibuf [dreg:s8], $0x6FFFF;
	_ =	strace $0x90000046  }
0xb4: {  	s29 =	simm.s32 $0x9;
	_ =	strace $0x80000048  }
0xb5: {  	_ =	swait.ge [sflag:s29], $0x1  }
0xb6: {  	[sflag:s29] =	ssyncadd.s32 $0xFFFFFFFF  }
0xb7: {  	_ =	strace $0x90000048  }
0xb8: {  	_ =	sfence  }
0xb9: {  	s30 =	sld [smem:$0x0];
	_ =	sdelay $0x2  }
0xba: {  	s31 =	sshll.u32 s1, $0xD;
	s1 =	sshrl.u32 s1, $0x2  }
0xbb: {  	s3 =	sand.u32 $0x4000, s31;
	s1 =	sadd.s32 s1, s30  }
0xbc: {  	s0 =	sor.u32 s3, s0;
	s1 =	sshll.u32 s1, $0x11  }
0xbd: {  	s0 =	sor.u32 s1, s0  }
0xbe: {  	s0 =	sadd.s32 $0x8F2B, s0  }
0xbf: {  	[sflag:s0] =	ssyncadd.remote.s32 $0x1  }
0xc0: {  	_ =	sfence.sel $0xFFFF  }
0xc1: {  	[dreg:$0x0] =	wrdreg $0xFFFFFFFF;
	(pc) =	sbr.abs _section_cstart, $3  }
0xc2: {  	[dreg:$0x1] =	wrdreg $0xFFFFFFFF  }
0xc3: {  	_ =	task.clear_ibuf [dreg:s8], $0x2FFFF;
	_ =	strace $0x9FFFFFFF  }
0xc4: {  	(tm) =	ssettm $0x7FFFFFFF  }
0xc5: {  	_ =	shalt  }
tec
execute0_lowered:
.L_overlay_start_1:
0x0: {  	(tag) =	ssettag $0x1  }
0x1: {  	s0 =	rddreg [dreg:$0x0]  }
0x2: {  	s1 =	rddreg [dreg:$0x1]  }
0x3: {  	s2 =	rddreg [dreg:$0x2]  }
0x4: {  	s3 =	simm.s32 $0x0;
	s4 =	srdreg.scid;
	s5 =	stileid.u32  }
0x5: {  	s8 =	simm.s32 $0xD;
	s9 =	simm.s32 $0x32;
	s28 =	simm.s32 $0x2  }
0x6: {  	s29 =	simm.s32 $0x13C00;
	s30 =	simm.s32 $0x3;
	s31 =	simm.s32 $0x15800  }
0x7: {  	s10 =	simm.s32 $0x5;
	s11 =	simm.s32 $0x9;
	s12 =	simm.s32 $0x6  }
0x8: {  	s13 =	simm.s32 $0xA;
	s14 =	simm.s32 $0x7;
	s15 =	simm.s32 $0xB  }
0x9: {  	s16 =	simm.s32 $0x8;
	s17 =	simm.s32 $0xC;
	s18 =	simm.s32 $0x0  }
0xa: {  	[smem:$0x7FF] =	sst s3;
	s4 =	sand.u32 $0x1, s4;
	s5 =	sshll.u32 s5, $0x8  }
0xb: {  	s6 =	ssub.s32 $0x2, s4;
	s4 =	sshll.u32 s4, $0x7;
	_ =	strace $0x80000047  }
0xc: {  	s7 =	sshrl.u32 s6, $0x1;
	s4 =	sor.u32 s4, s5;
	s5 =	sadd.s32 $0x400, s2  }
0xd: {  	s2 =	simm.s32 $0x17400;
	s25 =	ssub.s32 s6, s7;
	s26 =	sshll.u32 s4, $0x4  }
0xe: {  	s0 =	sadd.s32 s0, s26;
	s7 =	smax.u32 s25, $0x1;
	s25 =	simm.s32 $0x1  }
0xf: {  	s26 =	simm.s32 $0x12000;
	[dreg:$0x4] =	wrdreg s0;
	s0 =	simm.s32 $0x4  }
.LBB2_1:
0x10: {  	s6 =	rddreg [dreg:$0x4]  }
0x11: {  	[tilespmem:s3], [sflag:$0xD] =	stream.linear.gather [hbm4b:s6+s3], $0x4000, $0x38;
	[tilespmem:$0x19000] =	vst v63  }
0x12: {  	_ =	swait.ge [sflag:s8], $0x4000  }
0x13: {  	[sflag:s8] =	ssyncset.done $0x0  }
0x14: {  	s23 =	simm.s32 $0x4000;
	[sflag:s8] =	ssyncadd.s32 $0xFFFFC000  }
0x15: {  	[tilespmem:s23], [sflag:$0x1] =	stream.indirect.gather [hbm4b:s1+s9], $0x80, s3, s9, $0xb8;
	[tilespmem:$0x19000] =	vst v63  }
0x16: {  	s24 =	simm.s32 $0x80;
	s19 =	simm.s32 $0x5C00  }
0x17: {  	[tilespmem:s19], [sflag:$0x2] =	stream.indirect.gather [hbm4b:s1+s9], $0x80, s24, s9, $0xb8;
	[tilespmem:$0x19000] =	vst v63  }
0x18: {  	s20 =	simm.s32 $0x7800;
	s19 =	simm.s32 $0x100  }
0x19: {  	[tilespmem:s20], [sflag:$0x3] =	stream.indirect.gather [hbm4b:s1+s9], $0x80, s19, s9, $0xb8;
	[tilespmem:$0x19000] =	vst v63  }
0x1a: {  	s21 =	simm.s32 $0x180;
	s22 =	simm.s32 $0x9400  }
0x1b: {  	[tilespmem:s22], [sflag:$0x4] =	stream.indirect.gather [hbm4b:s1+s9], $0x80, s21, s9, $0xb8;
	[tilespmem:$0x19000] =	vst v63  }
0x1c: {  	s23 =	simm.s32 $0x200;
	s24 =	simm.s32 $0xB000  }
0x1d: {  	[tilespmem:s24], [sflag:$0x5] =	stream.indirect.gather [hbm4b:s1+s9], $0x80, s23, s9, $0xb8;
	[tilespmem:$0x19000] =	vst v63  }
0x1e: {  	s19 =	simm.s32 $0x280;
	s20 =	simm.s32 $0xCC00  }
0x1f: {  	[tilespmem:s20], [sflag:$0x6] =	stream.indirect.gather [hbm4b:s1+s9], $0x80, s19, s9, $0xb8;
	[tilespmem:$0x19000] =	vst v63  }
0x20: {  	s21 =	simm.s32 $0x300;
	s22 =	simm.s32 $0xE800  }
0x21: {  	[tilespmem:s22], [sflag:$0x7] =	stream.indirect.gather [hbm4b:s1+s9], $0x80, s21, s9, $0xb8;
	[tilespmem:$0x19000] =	vst v63  }
0x22: {  	s23 =	simm.s32 $0x380;
	s24 =	simm.s32 $0x10400;
	s19 =	simm.s32 $0x0  }
0x23: {  	[tilespmem:s24], [sflag:$0x8] =	stream.indirect.gather [hbm4b:s1+s9], $0x80, s23, s9, $0xb8;
	[tilespmem:$0x19000] =	vst v63  }
.LBB2_2:
0x24: {  	_ =	swait.ge [sflag:s25], $0x1900  }
0x25: {  	p1 =	seq.s32 s19, $0x0;
	[sflag:s25] =	ssyncset.done $0x0  }
0x26: {  	s6 =	simm.s32 @!p1 $0x9;
	[sflag:s25] =	ssyncadd.s32 $0xFFFFE700  }
0x27: {  	_ =	swait.ge @!p1 [sflag:s6], $0x1900  }
0x28: {  	[sflag:s6] =	ssyncset.done @!p1 $0x0  }
0x29: {  	s21 =	simm.s32 $0xF0;
	[sflag:s6] =	ssyncadd.s32 @!p1 $0xFFFFE700  }
0x2a: {  	v0 =	vld [tilespmem:s21+$0x4000]  }
0x2b: {  	v1 =	vld [tilespmem:s21+$0x3F10]  }
0x2c: {  	v2 =	vld [tilespmem:s21+$0x3F20]  }
0x2d: {  	v3 =	vld [tilespmem:s21+$0x3F30]  }
0x2e: {  	v6 =	vld [tilespmem:s21+$0x3F60]  }
0x2f: {  	v4 =	vld [tilespmem:s21+$0x3F40];
	v0 =	vmul.f32 $1.131370830e+01, v0  }
0x30: {  	v5 =	vld [tilespmem:s21+$0x3F50];
	v1 =	vmul.f32 $1.131370830e+01, v1  }
0x31: {  	v7 =	vld [tilespmem:s21+$0x3F70];
	[tilespmem:s21+$0x12000] =	vst v0;
	v0 =	vmul.f32 $1.131370830e+01, v2  }
0x32: {  	v8 =	vld [tilespmem:s21+$0x3F80];
	[tilespmem:s21+$0x11F10] =	vst v1;
	v1 =	vmul.f32 $1.131370830e+01, v3  }
0x33: {  	v2 =	vmul.f32 $1.131370830e+01, v6;
	[tilespmem:s21+$0x11F20] =	vst v0  }
0x34: {  	v9 =	vld [tilespmem:s21+$0x3F90];
	v0 =	vmul.f32 $1.131370830e+01, v4;
	[tilespmem:s21+$0x11F30] =	vst v1  }
0x35: {  	v4 =	vld [tilespmem:s21+$0x3FA0];
	v1 =	vmul.f32 $1.131370830e+01, v5;
	[tilespmem:s21+$0x11F60] =	vst v2  }
0x36: {  	v3 =	vmul.f32 $1.131370830e+01, v7;
	[tilespmem:s21+$0x11F40] =	vst v0;
	v0 =	vld [tilespmem:s21+$0x3FB0]  }
0x37: {  	v5 =	vmul.f32 $1.131370830e+01, v8;
	[tilespmem:s21+$0x11F50] =	vst v1;
	v1 =	vld [tilespmem:s21+$0x3FC0]  }
0x38: {  	v2 =	vld [tilespmem:s21+$0x3FD0];
	[tilespmem:s21+$0x11F70] =	vst v3  }
0x39: {  	v3 =	vld [tilespmem:s21+$0x3FE0];
	[tilespmem:s21+$0x11F80] =	vst v5;
	v5 =	vmul.f32 $1.131370830e+01, v9  }
0x3a: {  	s20 =	sshll.u32 s19, $0x3;
	s22 =	simm.s32 $0x1F0;
	s23 =	simm.s32 $0xBC0;
	v6 =	vmul.f32 $1.131370830e+01, v4;
	v4 =	vld [tilespmem:s21+$0x3FF0]  }
.LBB2_3:
0x3b: {  	p0 =	sne.s32 s23, $0x63C0;
	v7 =	vld [tilespmem:s22+$0x4000];
	[tilespmem:s21+$0x11F90] =	vst v5;
	v0 =	vmul.f32 $1.131370830e+01, v0  }
0x3c: {  	v5 =	vld [tilespmem:s22+$0x3F10];
	[tilespmem:s21+$0x11FA0] =	vst v6;
	v1 =	vmul.f32 $1.131370830e+01, v1  }
0x3d: {  	v6 =	vld [tilespmem:s22+$0x3F20];
	[tilespmem:s21+$0x11FB0] =	vst v0;
	v0 =	vmul.f32 $1.131370830e+01, v2  }
0x3e: {  	v2 =	vld [tilespmem:s22+$0x3F30];
	[tilespmem:s21+$0x11FC0] =	vst v1;
	v1 =	vmul.f32 $1.131370830e+01, v3  }
0x3f: {  	v3 =	vld [tilespmem:s22+$0x3F40];
	[tilespmem:s21+$0x11FD0] =	vst v0;
	v0 =	vmul.f32 $1.131370830e+01, v4  }
0x40: {  	v4 =	vld [tilespmem:s22+$0x3F50];
	v7 =	vmul.f32 $1.131370830e+01, v7;
	[tilespmem:s21+$0x11FE0] =	vst v1  }
0x41: {  	v1 =	vmul.f32 $1.131370830e+01, v5;
	v5 =	vld [tilespmem:s22+$0x3F60];
	[tilespmem:s21+$0x11FF0] =	vst v0;
	s21 =	smov.u32 s22  }
0x42: {  	v0 =	vmul.f32 $1.131370830e+01, v6;
	v6 =	vld [tilespmem:s21+$0x3F70];
	[tilespmem:s21+$0x12000] =	vst v7  }
0x43: {  	[tilespmem:s21+$0x11F10] =	vst v1;
	v1 =	vmul.f32 $1.131370830e+01, v2;
	v2 =	vld [tilespmem:s21+$0x3F80]  }
0x44: {  	[tilespmem:s21+$0x11F20] =	vst v0;
	v0 =	vmul.f32 $1.131370830e+01, v3;
	v3 =	vld [tilespmem:s21+$0x3F90]  }
0x45: {  	[tilespmem:s21+$0x11F30] =	vst v1;
	v1 =	vmul.f32 $1.131370830e+01, v4;
	v4 =	vld [tilespmem:s21+$0x3FA0]  }
.Ltmp0:
0x46: {  	[tilespmem:s21+$0x11F40] =	vst v0;
	v5 =	vmul.f32 $1.131370830e+01, v5;
	v0 =	vld [tilespmem:s21+$0x3FB0];
	(pc) =	sbr.rel @p0 .LBB2_3-.Ltmp0, $4  }
0x47: {  	[tilespmem:s21+$0x11F50] =	vst v1;
	v6 =	vmul.f32 $1.131370830e+01, v6;
	v1 =	vld [tilespmem:s21+$0x3FC0]  }
0x48: {  	[tilespmem:s21+$0x11F60] =	vst v5;
	v7 =	vmul.f32 $1.131370830e+01, v2;
	v2 =	vld [tilespmem:s21+$0x3FD0]  }
0x49: {  	[tilespmem:s21+$0x11F70] =	vst v6;
	v5 =	vmul.f32 $1.131370830e+01, v3;
	v3 =	vld [tilespmem:s21+$0x3FE0]  }
0x4a: {  	s22 =	sshra.s32 s23, $0x2;
	s23 =	sadd.s32 $0x400, s23;
	[tilespmem:s21+$0x11F80] =	vst v7;
	v6 =	vmul.f32 $1.131370830e+01, v4;
	v4 =	vld [tilespmem:s21+$0x3FF0]  }
0x4b: {  	v7 =	vld [tilespmem:s22+$0x4000];
	[tilespmem:s21+$0x11F90] =	vst v5;
	v0 =	vmul.f32 $1.131370830e+01, v0  }
0x4c: {  	v5 =	vld [tilespmem:s22+$0x3F10];
	[tilespmem:s21+$0x11FA0] =	vst v6;
	v1 =	vmul.f32 $1.131370830e+01, v1  }
0x4d: {  	v6 =	vld [tilespmem:s22+$0x3F20];
	[tilespmem:s21+$0x11FB0] =	vst v0;
	v2 =	vmul.f32 $1.131370830e+01, v2  }
0x4e: {  	v0 =	vld [tilespmem:s22+$0x3F30];
	[tilespmem:s21+$0x11FC0] =	vst v1;
	v3 =	vmul.f32 $1.131370830e+01, v3  }
0x4f: {  	v1 =	vld [tilespmem:s22+$0x3F40];
	[tilespmem:s21+$0x11FD0] =	vst v2;
	v4 =	vmul.f32 $1.131370830e+01, v4  }
0x50: {  	v2 =	vld [tilespmem:s22+$0x3F50];
	[tilespmem:s21+$0x11FE0] =	vst v3;
	v7 =	vmul.f32 $1.131370830e+01, v7  }
0x51: {  	v3 =	vld [tilespmem:s22+$0x3F60];
	[tilespmem:s21+$0x11FF0] =	vst v4;
	v4 =	vmul.f32 $1.131370830e+01, v5  }
0x52: {  	v5 =	vld [tilespmem:s22+$0x3F70];
	[tilespmem:s22+$0x12000] =	vst v7;
	v6 =	vmul.f32 $1.131370830e+01, v6  }
0x53: {  	[tilespmem:s22+$0x11F10] =	vst v4;
	v4 =	vld [tilespmem:s22+$0x3F80];
	v0 =	vmul.f32 $1.131370830e+01, v0  }
0x54: {  	[tilespmem:s22+$0x11F20] =	vst v6;
	v6 =	vld [tilespmem:s22+$0x3F90];
	v1 =	vmul.f32 $1.131370830e+01, v1  }
0x55: {  	[tilespmem:s22+$0x11F30] =	vst v0;
	v0 =	vld [tilespmem:s22+$0x3FA0];
	v2 =	vmul.f32 $1.131370830e+01, v2  }
0x56: {  	[tilespmem:s22+$0x11F40] =	vst v1;
	v1 =	vld [tilespmem:s22+$0x3FB0];
	v3 =	vmul.f32 $1.131370830e+01, v3  }
0x57: {  	[tilespmem:s22+$0x11F50] =	vst v2;
	v2 =	vld [tilespmem:s22+$0x3FC0];
	v5 =	vmul.f32 $1.131370830e+01, v5  }
0x58: {  	[tilespmem:s22+$0x11F60] =	vst v3;
	v3 =	vld [tilespmem:s22+$0x3FD0];
	v4 =	vmul.f32 $1.131370830e+01, v4  }
0x59: {  	[tilespmem:s22+$0x11F70] =	vst v5;
	v5 =	vld [tilespmem:s22+$0x3FE0];
	v6 =	vmul.f32 $1.131370830e+01, v6  }
0x5a: {  	[tilespmem:s22+$0x11F80] =	vst v4;
	v0 =	vmul.f32 $1.131370830e+01, v0;
	v4 =	vld [tilespmem:s22+$0x3FF0]  }
0x5b: {  	[tilespmem:s22+$0x11F90] =	vst v6;
	v1 =	vmul.f32 $1.131370830e+01, v1  }
0x5c: {  	[tilespmem:s22+$0x11FA0] =	vst v0;
	v0 =	vmul.f32 $1.131370830e+01, v2  }
0x5d: {  	[tilespmem:s22+$0x11FB0] =	vst v1;
	v1 =	vmul.f32 $1.131370830e+01, v3  }
0x5e: {  	p0 =	seq.s32 s19, $0xF;
	[tilespmem:s22+$0x11FC0] =	vst v0;
	v0 =	vmul.f32 $1.131370830e+01, v5  }
0x5f: {  	s6 =	sshll.u32 @!p0 s19, $0xA;
	[tilespmem:s22+$0x11FD0] =	vst v1;
	v1 =	vmul.f32 $1.131370830e+01, v4  }
0x60: {  	s23 =	sadd.s32 s4, s20;
	s24 =	simm.s32 @!p0 $0x4000;
	s21 =	sand.u32 @!p0 $0x3FFFFC00, s6;
	[tilespmem:s22+$0x11FE0] =	vst v0  }
0x61: {  	s23 =	smul.u32 $0x380, s23;
	s6 =	sadd.s32 @!p0 $0x400, s21;
	[tilespmem:s22+$0x11FF0] =	vst v1;
	s22 =	simm.s32 @!p0 $0x32  }
0x62: {  	[tilespmem:s24], [sflag:$0x1] =	stream.indirect.gather @!p0 [hbm4b:s1+s22], $0x80, s6, s22, $0xb8;
	[tilespmem:$0x19000] =	vst v63  }
0x63: {  	s24 =	sadd.s32 s5, s23  }
0x64: {  	[hbm4b:s24+s3] =	stream.linear.scatter [tilespmem:s26], [sflag:$0x9], $0x1900, $0x38;
	[tilespmem:$0x19000] =	vst v63  }
0x65: {  	_ =	swait.ge [sflag:s28], $0x1900  }
0x66: {  	[sflag:s28] =	ssyncset.done $0x0  }
0x67: {  	s6 =	simm.s32 @!p1 $0xA;
	[sflag:s28] =	ssyncadd.s32 $0xFFFFE700  }
0x68: {  	_ =	swait.ge @!p1 [sflag:s6], $0x1900  }
0x69: {  	[sflag:s6] =	ssyncset.done @!p1 $0x0  }
0x6a: {  	s23 =	simm.s32 $0xF0;
	[sflag:s6] =	ssyncadd.s32 @!p1 $0xFFFFE700  }
0x6b: {  	v0 =	vld [tilespmem:s23+$0x5C00]  }
0x6c: {  	v1 =	vld [tilespmem:s23+$0x5B10]  }
0x6d: {  	v2 =	vld [tilespmem:s23+$0x5B20]  }
0x6e: {  	v3 =	vld [tilespmem:s23+$0x5B30]  }
0x6f: {  	v6 =	vld [tilespmem:s23+$0x5B60]  }
0x70: {  	v4 =	vld [tilespmem:s23+$0x5B40];
	v0 =	vmul.f32 $1.131370830e+01, v0  }
0x71: {  	v5 =	vld [tilespmem:s23+$0x5B50];
	v1 =	vmul.f32 $1.131370830e+01, v1  }
0x72: {  	v7 =	vld [tilespmem:s23+$0x5B70];
	[tilespmem:s23+$0x13C00] =	vst v0;
	v0 =	vmul.f32 $1.131370830e+01, v2  }
0x73: {  	v8 =	vld [tilespmem:s23+$0x5B80];
	[tilespmem:s23+$0x13B10] =	vst v1;
	v1 =	vmul.f32 $1.131370830e+01, v3  }
0x74: {  	v2 =	vmul.f32 $1.131370830e+01, v6;
	[tilespmem:s23+$0x13B20] =	vst v0  }
0x75: {  	v9 =	vld [tilespmem:s23+$0x5B90];
	v0 =	vmul.f32 $1.131370830e+01, v4;
	[tilespmem:s23+$0x13B30] =	vst v1  }
0x76: {  	v4 =	vld [tilespmem:s23+$0x5BA0];
	v1 =	vmul.f32 $1.131370830e+01, v5;
	[tilespmem:s23+$0x13B60] =	vst v2  }
0x77: {  	v3 =	vmul.f32 $1.131370830e+01, v7;
	[tilespmem:s23+$0x13B40] =	vst v0;
	v0 =	vld [tilespmem:s23+$0x5BB0]  }
0x78: {  	v5 =	vmul.f32 $1.131370830e+01, v8;
	[tilespmem:s23+$0x13B50] =	vst v1;
	v1 =	vld [tilespmem:s23+$0x5BC0]  }
0x79: {  	v2 =	vld [tilespmem:s23+$0x5BD0];
	[tilespmem:s23+$0x13B70] =	vst v3  }
0x7a: {  	v3 =	vld [tilespmem:s23+$0x5BE0];
	[tilespmem:s23+$0x13B80] =	vst v5;
	v5 =	vmul.f32 $1.131370830e+01, v9  }
0x7b: {  	s22 =	sor.u32 $0x1, s20;
	s24 =	simm.s32 $0x1F0;
	s6 =	simm.s32 $0xBC0;
	v6 =	vmul.f32 $1.131370830e+01, v4;
	v4 =	vld [tilespmem:s23+$0x5BF0]  }
.LBB2_5:
0x7c: {  	p2 =	sne.s32 s6, $0x63C0;
	v7 =	vld [tilespmem:s24+$0x5C00];
	[tilespmem:s23+$0x13B90] =	vst v5;
	v0 =	vmul.f32 $1.131370830e+01, v0  }
0x7d: {  	v5 =	vld [tilespmem:s24+$0x5B10];
	[tilespmem:s23+$0x13BA0] =	vst v6;
	v1 =	vmul.f32 $1.131370830e+01, v1  }
0x7e: {  	v6 =	vld [tilespmem:s24+$0x5B20];
	[tilespmem:s23+$0x13BB0] =	vst v0;
	v0 =	vmul.f32 $1.131370830e+01, v2  }
0x7f: {  	v2 =	vld [tilespmem:s24+$0x5B30];
	[tilespmem:s23+$0x13BC0] =	vst v1;
	v1 =	vmul.f32 $1.131370830e+01, v3  }
0x80: {  	v3 =	vld [tilespmem:s24+$0x5B40];
	[tilespmem:s23+$0x13BD0] =	vst v0;
	v0 =	vmul.f32 $1.131370830e+01, v4  }
0x81: {  	v4 =	vld [tilespmem:s24+$0x5B50];
	v7 =	vmul.f32 $1.131370830e+01, v7;
	[tilespmem:s23+$0x13BE0] =	vst v1  }
0x82: {  	v1 =	vmul.f32 $1.131370830e+01, v5;
	v5 =	vld [tilespmem:s24+$0x5B60];
	[tilespmem:s23+$0x13BF0] =	vst v0;
	s23 =	smov.u32 s24  }
0x83: {  	v0 =	vmul.f32 $1.131370830e+01, v6;
	v6 =	vld [tilespmem:s23+$0x5B70];
	[tilespmem:s23+$0x13C00] =	vst v7  }
0x84: {  	[tilespmem:s23+$0x13B10] =	vst v1;
	v1 =	vmul.f32 $1.131370830e+01, v2;
	v2 =	vld [tilespmem:s23+$0x5B80]  }
0x85: {  	[tilespmem:s23+$0x13B20] =	vst v0;
	v0 =	vmul.f32 $1.131370830e+01, v3;
	v3 =	vld [tilespmem:s23+$0x5B90]  }
0x86: {  	[tilespmem:s23+$0x13B30] =	vst v1;
	v1 =	vmul.f32 $1.131370830e+01, v4;
	v4 =	vld [tilespmem:s23+$0x5BA0]  }
.Ltmp1:
0x87: {  	[tilespmem:s23+$0x13B40] =	vst v0;
	v5 =	vmul.f32 $1.131370830e+01, v5;
	v0 =	vld [tilespmem:s23+$0x5BB0];
	(pc) =	sbr.rel @p2 .LBB2_5-.Ltmp1, $4  }
0x88: {  	[tilespmem:s23+$0x13B50] =	vst v1;
	v6 =	vmul.f32 $1.131370830e+01, v6;
	v1 =	vld [tilespmem:s23+$0x5BC0]  }
0x89: {  	[tilespmem:s23+$0x13B60] =	vst v5;
	v7 =	vmul.f32 $1.131370830e+01, v2;
	v2 =	vld [tilespmem:s23+$0x5BD0]  }
0x8a: {  	[tilespmem:s23+$0x13B70] =	vst v6;
	v5 =	vmul.f32 $1.131370830e+01, v3;
	v3 =	vld [tilespmem:s23+$0x5BE0]  }
0x8b: {  	s24 =	sshra.s32 s6, $0x2;
	s6 =	sadd.s32 $0x400, s6;
	[tilespmem:s23+$0x13B80] =	vst v7;
	v6 =	vmul.f32 $1.131370830e+01, v4;
	v4 =	vld [tilespmem:s23+$0x5BF0]  }
0x8c: {  	v7 =	vld [tilespmem:s24+$0x5C00];
	[tilespmem:s23+$0x13B90] =	vst v5;
	v0 =	vmul.f32 $1.131370830e+01, v0  }
0x8d: {  	v5 =	vld [tilespmem:s24+$0x5B10];
	[tilespmem:s23+$0x13BA0] =	vst v6;
	v1 =	vmul.f32 $1.131370830e+01, v1  }
0x8e: {  	v6 =	vld [tilespmem:s24+$0x5B20];
	[tilespmem:s23+$0x13BB0] =	vst v0;
	v2 =	vmul.f32 $1.131370830e+01, v2  }
0x8f: {  	v0 =	vld [tilespmem:s24+$0x5B30];
	[tilespmem:s23+$0x13BC0] =	vst v1;
	v3 =	vmul.f32 $1.131370830e+01, v3  }
0x90: {  	v1 =	vld [tilespmem:s24+$0x5B40];
	[tilespmem:s23+$0x13BD0] =	vst v2;
	v4 =	vmul.f32 $1.131370830e+01, v4  }
0x91: {  	v2 =	vld [tilespmem:s24+$0x5B50];
	[tilespmem:s23+$0x13BE0] =	vst v3;
	v7 =	vmul.f32 $1.131370830e+01, v7  }
0x92: {  	v3 =	vld [tilespmem:s24+$0x5B60];
	[tilespmem:s23+$0x13BF0] =	vst v4;
	v4 =	vmul.f32 $1.131370830e+01, v5  }
0x93: {  	v5 =	vld [tilespmem:s24+$0x5B70];
	[tilespmem:s24+$0x13C00] =	vst v7;
	v6 =	vmul.f32 $1.131370830e+01, v6  }
0x94: {  	[tilespmem:s24+$0x13B10] =	vst v4;
	v4 =	vld [tilespmem:s24+$0x5B80];
	v0 =	vmul.f32 $1.131370830e+01, v0  }
0x95: {  	[tilespmem:s24+$0x13B20] =	vst v6;
	v6 =	vld [tilespmem:s24+$0x5B90];
	v1 =	vmul.f32 $1.131370830e+01, v1  }
0x96: {  	[tilespmem:s24+$0x13B30] =	vst v0;
	v0 =	vld [tilespmem:s24+$0x5BA0];
	v2 =	vmul.f32 $1.131370830e+01, v2  }
0x97: {  	[tilespmem:s24+$0x13B40] =	vst v1;
	v1 =	vld [tilespmem:s24+$0x5BB0];
	v3 =	vmul.f32 $1.131370830e+01, v3  }
0x98: {  	[tilespmem:s24+$0x13B50] =	vst v2;
	v2 =	vld [tilespmem:s24+$0x5BC0];
	v5 =	vmul.f32 $1.131370830e+01, v5  }
0x99: {  	[tilespmem:s24+$0x13B60] =	vst v3;
	v3 =	vld [tilespmem:s24+$0x5BD0];
	v4 =	vmul.f32 $1.131370830e+01, v4  }
0x9a: {  	[tilespmem:s24+$0x13B70] =	vst v5;
	v5 =	vld [tilespmem:s24+$0x5BE0];
	v6 =	vmul.f32 $1.131370830e+01, v6  }
0x9b: {  	[tilespmem:s24+$0x13B80] =	vst v4;
	v0 =	vmul.f32 $1.131370830e+01, v0;
	v4 =	vld [tilespmem:s24+$0x5BF0]  }
0x9c: {  	[tilespmem:s24+$0x13B90] =	vst v6;
	v1 =	vmul.f32 $1.131370830e+01, v1  }
0x9d: {  	[tilespmem:s24+$0x13BA0] =	vst v0;
	v0 =	vmul.f32 $1.131370830e+01, v2  }
0x9e: {  	[tilespmem:s24+$0x13BB0] =	vst v1;
	v1 =	vmul.f32 $1.131370830e+01, v3  }
0x9f: {  	[tilespmem:s24+$0x13BC0] =	vst v0;
	v0 =	vmul.f32 $1.131370830e+01, v5  }
0xa0: {  	[tilespmem:s24+$0x13BD0] =	vst v1;
	v1 =	vmul.f32 $1.131370830e+01, v4  }
0xa1: {  	s6 =	sadd.s32 @!p0 $0x480, s21;
	s22 =	sadd.s32 s4, s22;
	[tilespmem:s24+$0x13BE0] =	vst v0  }
0xa2: {  	s22 =	smul.u32 $0x380, s22;
	s23 =	simm.s32 @!p0 $0x32;
	[tilespmem:s24+$0x13BF0] =	vst v1;
	s24 =	simm.s32 @!p0 $0x5C00  }
0xa3: {  	[tilespmem:s24], [sflag:$0x2] =	stream.indirect.gather @!p0 [hbm4b:s1+s23], $0x80, s6, s23, $0xb8;
	[tilespmem:$0x19000] =	vst v63  }
0xa4: {  	s24 =	sadd.s32 s5, s22  }
0xa5: {  	[hbm4b:s24+s3] =	stream.linear.scatter [tilespmem:s29], [sflag:$0xA], $0x1900, $0x38;
	[tilespmem:$0x19000] =	vst v63  }
0xa6: {  	_ =	swait.ge [sflag:s30], $0x1900  }
0xa7: {  	[sflag:s30] =	ssyncset.done $0x0  }
0xa8: {  	s6 =	simm.s32 @!p1 $0xB;
	[sflag:s30] =	ssyncadd.s32 $0xFFFFE700  }
0xa9: {  	_ =	swait.ge @!p1 [sflag:s6], $0x1900  }
0xaa: {  	[sflag:s6] =	ssyncset.done @!p1 $0x0  }
0xab: {  	s23 =	simm.s32 $0xF0;
	[sflag:s6] =	ssyncadd.s32 @!p1 $0xFFFFE700  }
0xac: {  	v0 =	vld [tilespmem:s23+$0x7800]  }
0xad: {  	v1 =	vld [tilespmem:s23+$0x7710]  }
0xae: {  	v2 =	vld [tilespmem:s23+$0x7720]  }
0xaf: {  	v3 =	vld [tilespmem:s23+$0x7730]  }
0xb0: {  	v6 =	vld [tilespmem:s23+$0x7760]  }
0xb1: {  	v4 =	vld [tilespmem:s23+$0x7740];
	v0 =	vmul.f32 $1.131370830e+01, v0  }
0xb2: {  	v5 =	vld [tilespmem:s23+$0x7750];
	v1 =	vmul.f32 $1.131370830e+01, v1  }
0xb3: {  	v7 =	vld [tilespmem:s23+$0x7770];
	[tilespmem:s23+$0x15800] =	vst v0;
	v0 =	vmul.f32 $1.131370830e+01, v2  }
0xb4: {  	v8 =	vld [tilespmem:s23+$0x7780];
	[tilespmem:s23+$0x15710] =	vst v1;
	v1 =	vmul.f32 $1.131370830e+01, v3  }
0xb5: {  	v2 =	vmul.f32 $1.131370830e+01, v6;
	[tilespmem:s23+$0x15720] =	vst v0  }
0xb6: {  	v9 =	vld [tilespmem:s23+$0x7790];
	v0 =	vmul.f32 $1.131370830e+01, v4;
	[tilespmem:s23+$0x15730] =	vst v1  }
0xb7: {  	v4 =	vld [tilespmem:s23+$0x77A0];
	v1 =	vmul.f32 $1.131370830e+01, v5;
	[tilespmem:s23+$0x15760] =	vst v2  }
0xb8: {  	v3 =	vmul.f32 $1.131370830e+01, v7;
	[tilespmem:s23+$0x15740] =	vst v0;
	v0 =	vld [tilespmem:s23+$0x77B0]  }
0xb9: {  	v5 =	vmul.f32 $1.131370830e+01, v8;
	[tilespmem:s23+$0x15750] =	vst v1;
	v1 =	vld [tilespmem:s23+$0x77C0]  }
0xba: {  	v2 =	vld [tilespmem:s23+$0x77D0];
	[tilespmem:s23+$0x15770] =	vst v3  }
0xbb: {  	v3 =	vld [tilespmem:s23+$0x77E0];
	[tilespmem:s23+$0x15780] =	vst v5;
	v5 =	vmul.f32 $1.131370830e+01, v9  }
0xbc: {  	s22 =	sor.u32 $0x2, s20;
	s24 =	simm.s32 $0x1F0;
	s6 =	simm.s32 $0xBC0;
	v6 =	vmul.f32 $1.131370830e+01, v4;
	v4 =	vld [tilespmem:s23+$0x77F0]  }
.LBB2_7:
0xbd: {  	p2 =	sne.s32 s6, $0x63C0;
	v7 =	vld [tilespmem:s24+$0x7800];
	[tilespmem:s23+$0x15790] =	vst v5;
	v0 =	vmul.f32 $1.131370830e+01, v0  }
0xbe: {  	v5 =	vld [tilespmem:s24+$0x7710];
	[tilespmem:s23+$0x157A0] =	vst v6;
	v1 =	vmul.f32 $1.131370830e+01, v1  }
0xbf: {  	v6 =	vld [tilespmem:s24+$0x7720];
	[tilespmem:s23+$0x157B0] =	vst v0;
	v0 =	vmul.f32 $1.131370830e+01, v2  }
0xc0: {  	v2 =	vld [tilespmem:s24+$0x7730];
	[tilespmem:s23+$0x157C0] =	vst v1;
	v1 =	vmul.f32 $1.131370830e+01, v3  }
0xc1: {  	v3 =	vld [tilespmem:s24+$0x7740];
	[tilespmem:s23+$0x157D0] =	vst v0;
	v0 =	vmul.f32 $1.131370830e+01, v4  }
0xc2: {  	v4 =	vld [tilespmem:s24+$0x7750];
	v7 =	vmul.f32 $1.131370830e+01, v7;
	[tilespmem:s23+$0x157E0] =	vst v1  }
0xc3: {  	v1 =	vmul.f32 $1.131370830e+01, v5;
	v5 =	vld [tilespmem:s24+$0x7760];
	[tilespmem:s23+$0x157F0] =	vst v0;
	s23 =	smov.u32 s24  }
0xc4: {  	v0 =	vmul.f32 $1.131370830e+01, v6;
	v6 =	vld [tilespmem:s23+$0x7770];
	[tilespmem:s23+$0x15800] =	vst v7  }
0xc5: {  	[tilespmem:s23+$0x15710] =	vst v1;
	v1 =	vmul.f32 $1.131370830e+01, v2;
	v2 =	vld [tilespmem:s23+$0x7780]  }
0xc6: {  	[tilespmem:s23+$0x15720] =	vst v0;
	v0 =	vmul.f32 $1.131370830e+01, v3;
	v3 =	vld [tilespmem:s23+$0x7790]  }
0xc7: {  	[tilespmem:s23+$0x15730] =	vst v1;
	v1 =	vmul.f32 $1.131370830e+01, v4;
	v4 =	vld [tilespmem:s23+$0x77A0]  }
.Ltmp2:
0xc8: {  	[tilespmem:s23+$0x15740] =	vst v0;
	v5 =	vmul.f32 $1.131370830e+01, v5;
	v0 =	vld [tilespmem:s23+$0x77B0];
	(pc) =	sbr.rel @p2 .LBB2_7-.Ltmp2, $4  }
0xc9: {  	[tilespmem:s23+$0x15750] =	vst v1;
	v6 =	vmul.f32 $1.131370830e+01, v6;
	v1 =	vld [tilespmem:s23+$0x77C0]  }
0xca: {  	[tilespmem:s23+$0x15760] =	vst v5;
	v7 =	vmul.f32 $1.131370830e+01, v2;
	v2 =	vld [tilespmem:s23+$0x77D0]  }
0xcb: {  	[tilespmem:s23+$0x15770] =	vst v6;
	v5 =	vmul.f32 $1.131370830e+01, v3;
	v3 =	vld [tilespmem:s23+$0x77E0]  }
0xcc: {  	s24 =	sshra.s32 s6, $0x2;
	s6 =	sadd.s32 $0x400, s6;
	[tilespmem:s23+$0x15780] =	vst v7;
	v6 =	vmul.f32 $1.131370830e+01, v4;
	v4 =	vld [tilespmem:s23+$0x77F0]  }
0xcd: {  	v7 =	vld [tilespmem:s24+$0x7800];
	[tilespmem:s23+$0x15790] =	vst v5;
	v0 =	vmul.f32 $1.131370830e+01, v0  }
0xce: {  	v5 =	vld [tilespmem:s24+$0x7710];
	[tilespmem:s23+$0x157A0] =	vst v6;
	v1 =	vmul.f32 $1.131370830e+01, v1  }
0xcf: {  	v6 =	vld [tilespmem:s24+$0x7720];
	[tilespmem:s23+$0x157B0] =	vst v0;
	v2 =	vmul.f32 $1.131370830e+01, v2  }
0xd0: {  	v0 =	vld [tilespmem:s24+$0x7730];
	[tilespmem:s23+$0x157C0] =	vst v1;
	v3 =	vmul.f32 $1.131370830e+01, v3  }
0xd1: {  	v1 =	vld [tilespmem:s24+$0x7740];
	[tilespmem:s23+$0x157D0] =	vst v2;
	v4 =	vmul.f32 $1.131370830e+01, v4  }
0xd2: {  	v2 =	vld [tilespmem:s24+$0x7750];
	[tilespmem:s23+$0x157E0] =	vst v3;
	v7 =	vmul.f32 $1.131370830e+01, v7  }
0xd3: {  	v3 =	vld [tilespmem:s24+$0x7760];
	[tilespmem:s23+$0x157F0] =	vst v4;
	v4 =	vmul.f32 $1.131370830e+01, v5  }
0xd4: {  	v5 =	vld [tilespmem:s24+$0x7770];
	[tilespmem:s24+$0x15800] =	vst v7;
	v6 =	vmul.f32 $1.131370830e+01, v6  }
0xd5: {  	[tilespmem:s24+$0x15710] =	vst v4;
	v4 =	vld [tilespmem:s24+$0x7780];
	v0 =	vmul.f32 $1.131370830e+01, v0  }
0xd6: {  	[tilespmem:s24+$0x15720] =	vst v6;
	v6 =	vld [tilespmem:s24+$0x7790];
	v1 =	vmul.f32 $1.131370830e+01, v1  }
0xd7: {  	[tilespmem:s24+$0x15730] =	vst v0;
	v0 =	vld [tilespmem:s24+$0x77A0];
	v2 =	vmul.f32 $1.131370830e+01, v2  }
0xd8: {  	[tilespmem:s24+$0x15740] =	vst v1;
	v1 =	vld [tilespmem:s24+$0x77B0];
	v3 =	vmul.f32 $1.131370830e+01, v3  }
0xd9: {  	[tilespmem:s24+$0x15750] =	vst v2;
	v2 =	vld [tilespmem:s24+$0x77C0];
	v5 =	vmul.f32 $1.131370830e+01, v5  }
0xda: {  	[tilespmem:s24+$0x15760] =	vst v3;
	v3 =	vld [tilespmem:s24+$0x77D0];
	v4 =	vmul.f32 $1.131370830e+01, v4  }
0xdb: {  	[tilespmem:s24+$0x15770] =	vst v5;
	v5 =	vld [tilespmem:s24+$0x77E0];
	v6 =	vmul.f32 $1.131370830e+01, v6  }
0xdc: {  	[tilespmem:s24+$0x15780] =	vst v4;
	v0 =	vmul.f32 $1.131370830e+01, v0;
	v4 =	vld [tilespmem:s24+$0x77F0]  }
0xdd: {  	[tilespmem:s24+$0x15790] =	vst v6;
	v1 =	vmul.f32 $1.131370830e+01, v1  }
0xde: {  	[tilespmem:s24+$0x157A0] =	vst v0;
	v0 =	vmul.f32 $1.131370830e+01, v2  }
0xdf: {  	[tilespmem:s24+$0x157B0] =	vst v1;
	v1 =	vmul.f32 $1.131370830e+01, v3  }
0xe0: {  	[tilespmem:s24+$0x157C0] =	vst v0;
	v0 =	vmul.f32 $1.131370830e+01, v5  }
0xe1: {  	[tilespmem:s24+$0x157D0] =	vst v1;
	v1 =	vmul.f32 $1.131370830e+01, v4  }
0xe2: {  	s6 =	sadd.s32 @!p0 $0x500, s21;
	s22 =	sadd.s32 s4, s22;
	[tilespmem:s24+$0x157E0] =	vst v0  }
0xe3: {  	s22 =	smul.u32 $0x380, s22;
	s23 =	simm.s32 @!p0 $0x32;
	[tilespmem:s24+$0x157F0] =	vst v1;
	s24 =	simm.s32 @!p0 $0x7800  }
0xe4: {  	[tilespmem:s24], [sflag:$0x3] =	stream.indirect.gather @!p0 [hbm4b:s1+s23], $0x80, s6, s23, $0xb8;
	[tilespmem:$0x19000] =	vst v63  }
0xe5: {  	s24 =	sadd.s32 s5, s22  }
0xe6: {  	[hbm4b:s24+s3] =	stream.linear.scatter [tilespmem:s31], [sflag:$0xB], $0x1900, $0x38;
	[tilespmem:$0x19000] =	vst v63  }
0xe7: {  	_ =	swait.ge [sflag:s0], $0x1900  }
0xe8: {  	[sflag:s0] =	ssyncset.done $0x0  }
0xe9: {  	s6 =	simm.s32 @!p1 $0xC;
	[sflag:s0] =	ssyncadd.s32 $0xFFFFE700  }
0xea: {  	_ =	swait.ge @!p1 [sflag:s6], $0x1900  }
0xeb: {  	[sflag:s6] =	ssyncset.done @!p1 $0x0  }
0xec: {  	s23 =	simm.s32 $0xF0;
	[sflag:s6] =	ssyncadd.s32 @!p1 $0xFFFFE700  }
0xed: {  	v0 =	vld [tilespmem:s23+$0x9400]  }
0xee: {  	v1 =	vld [tilespmem:s23+$0x9310]  }
0xef: {  	v2 =	vld [tilespmem:s23+$0x9320]  }
0xf0: {  	v3 =	vld [tilespmem:s23+$0x9330]  }
0xf1: {  	v6 =	vld [tilespmem:s23+$0x9360]  }
0xf2: {  	v4 =	vld [tilespmem:s23+$0x9340];
	v0 =	vmul.f32 $1.131370830e+01, v0  }
0xf3: {  	v5 =	vld [tilespmem:s23+$0x9350];
	v1 =	vmul.f32 $1.131370830e+01, v1  }
0xf4: {  	v7 =	vld [tilespmem:s23+$0x9370];
	[tilespmem:s23+$0x17400] =	vst v0;
	v0 =	vmul.f32 $1.131370830e+01, v2  }
0xf5: {  	v8 =	vld [tilespmem:s23+$0x9380];
	[tilespmem:s23+$0x17310] =	vst v1;
	v1 =	vmul.f32 $1.131370830e+01, v3  }
0xf6: {  	v2 =	vmul.f32 $1.131370830e+01, v6;
	[tilespmem:s23+$0x17320] =	vst v0  }
0xf7: {  	v9 =	vld [tilespmem:s23+$0x9390];
	v0 =	vmul.f32 $1.131370830e+01, v4;
	[tilespmem:s23+$0x17330] =	vst v1  }
0xf8: {  	v4 =	vld [tilespmem:s23+$0x93A0];
	v1 =	vmul.f32 $1.131370830e+01, v5;
	[tilespmem:s23+$0x17360] =	vst v2  }
0xf9: {  	v3 =	vmul.f32 $1.131370830e+01, v7;
	[tilespmem:s23+$0x17340] =	vst v0;
	v0 =	vld [tilespmem:s23+$0x93B0]  }
0xfa: {  	v5 =	vmul.f32 $1.131370830e+01, v8;
	[tilespmem:s23+$0x17350] =	vst v1;
	v1 =	vld [tilespmem:s23+$0x93C0]  }
0xfb: {  	v2 =	vld [tilespmem:s23+$0x93D0];
	[tilespmem:s23+$0x17370] =	vst v3  }
0xfc: {  	v3 =	vld [tilespmem:s23+$0x93E0];
	[tilespmem:s23+$0x17380] =	vst v5;
	v5 =	vmul.f32 $1.131370830e+01, v9  }
0xfd: {  	s22 =	sor.u32 $0x3, s20;
	s24 =	simm.s32 $0x1F0;
	s6 =	simm.s32 $0xBC0;
	v6 =	vmul.f32 $1.131370830e+01, v4;
	v4 =	vld [tilespmem:s23+$0x93F0]  }
.LBB2_9:
0xfe: {  	p1 =	sne.s32 s6, $0x63C0;
	v7 =	vld [tilespmem:s24+$0x9400];
	[tilespmem:s23+$0x17390] =	vst v5;
	v0 =	vmul.f32 $1.131370830e+01, v0  }
0xff: {  	v5 =	vld [tilespmem:s24+$0x9310];
	[tilespmem:s23+$0x173A0] =	vst v6;
	v1 =	vmul.f32 $1.131370830e+01, v1  }
0x100: {  	v6 =	vld [tilespmem:s24+$0x9320];
	[tilespmem:s23+$0x173B0] =	vst v0;
	v0 =	vmul.f32 $1.131370830e+01, v2  }
0x101: {  	v2 =	vld [tilespmem:s24+$0x9330];
	[tilespmem:s23+$0x173C0] =	vst v1;
	v1 =	vmul.f32 $1.131370830e+01, v3  }
0x102: {  	v3 =	vld [tilespmem:s24+$0x9340];
	[tilespmem:s23+$0x173D0] =	vst v0;
	v0 =	vmul.f32 $1.131370830e+01, v4  }
0x103: {  	v4 =	vld [tilespmem:s24+$0x9350];
	v7 =	vmul.f32 $1.131370830e+01, v7;
	[tilespmem:s23+$0x173E0] =	vst v1  }
0x104: {  	v1 =	vmul.f32 $1.131370830e+01, v5;
	v5 =	vld [tilespmem:s24+$0x9360];
	[tilespmem:s23+$0x173F0] =	vst v0;
	s23 =	smov.u32 s24  }
0x105: {  	v0 =	vmul.f32 $1.131370830e+01, v6;
	v6 =	vld [tilespmem:s23+$0x9370];
	[tilespmem:s23+$0x17400] =	vst v7  }
0x106: {  	[tilespmem:s23+$0x17310] =	vst v1;
	v1 =	vmul.f32 $1.131370830e+01, v2;
	v2 =	vld [tilespmem:s23+$0x9380]  }
0x107: {  	[tilespmem:s23+$0x17320] =	vst v0;
	v0 =	vmul.f32 $1.131370830e+01, v3;
	v3 =	vld [tilespmem:s23+$0x9390]  }
0x108: {  	[tilespmem:s23+$0x17330] =	vst v1;
	v1 =	vmul.f32 $1.131370830e+01, v4;
	v4 =	vld [tilespmem:s23+$0x93A0]  }
.Ltmp3:
0x109: {  	[tilespmem:s23+$0x17340] =	vst v0;
	v5 =	vmul.f32 $1.131370830e+01, v5;
	v0 =	vld [tilespmem:s23+$0x93B0];
	(pc) =	sbr.rel @p1 .LBB2_9-.Ltmp3, $4  }
0x10a: {  	[tilespmem:s23+$0x17350] =	vst v1;
	v6 =	vmul.f32 $1.131370830e+01, v6;
	v1 =	vld [tilespmem:s23+$0x93C0]  }
0x10b: {  	[tilespmem:s23+$0x17360] =	vst v5;
	v7 =	vmul.f32 $1.131370830e+01, v2;
	v2 =	vld [tilespmem:s23+$0x93D0]  }
0x10c: {  	[tilespmem:s23+$0x17370] =	vst v6;
	v5 =	vmul.f32 $1.131370830e+01, v3;
	v3 =	vld [tilespmem:s23+$0x93E0]  }
0x10d: {  	s24 =	sshra.s32 s6, $0x2;
	s6 =	sadd.s32 $0x400, s6;
	[tilespmem:s23+$0x17380] =	vst v7;
	v6 =	vmul.f32 $1.131370830e+01, v4;
	v4 =	vld [tilespmem:s23+$0x93F0]  }
0x10e: {  	v7 =	vld [tilespmem:s24+$0x9400];
	[tilespmem:s23+$0x17390] =	vst v5;
	v0 =	vmul.f32 $1.131370830e+01, v0  }
0x10f: {  	v5 =	vld [tilespmem:s24+$0x9310];
	[tilespmem:s23+$0x173A0] =	vst v6;
	v1 =	vmul.f32 $1.131370830e+01, v1  }
0x110: {  	v6 =	vld [tilespmem:s24+$0x9320];
	[tilespmem:s23+$0x173B0] =	vst v0;
	v2 =	vmul.f32 $1.131370830e+01, v2  }
0x111: {  	v0 =	vld [tilespmem:s24+$0x9330];
	[tilespmem:s23+$0x173C0] =	vst v1;
	v3 =	vmul.f32 $1.131370830e+01, v3  }
0x112: {  	v1 =	vld [tilespmem:s24+$0x9340];
	[tilespmem:s23+$0x173D0] =	vst v2;
	v4 =	vmul.f32 $1.131370830e+01, v4  }
0x113: {  	v2 =	vld [tilespmem:s24+$0x9350];
	[tilespmem:s23+$0x173E0] =	vst v3;
	v7 =	vmul.f32 $1.131370830e+01, v7  }
0x114: {  	v3 =	vld [tilespmem:s24+$0x9360];
	[tilespmem:s23+$0x173F0] =	vst v4;
	v4 =	vmul.f32 $1.131370830e+01, v5  }
0x115: {  	v5 =	vld [tilespmem:s24+$0x9370];
	[tilespmem:s24+$0x17400] =	vst v7;
	v6 =	vmul.f32 $1.131370830e+01, v6  }
0x116: {  	[tilespmem:s24+$0x17310] =	vst v4;
	v4 =	vld [tilespmem:s24+$0x9380];
	v0 =	vmul.f32 $1.131370830e+01, v0  }
0x117: {  	[tilespmem:s24+$0x17320] =	vst v6;
	v6 =	vld [tilespmem:s24+$0x9390];
	v1 =	vmul.f32 $1.131370830e+01, v1  }
0x118: {  	[tilespmem:s24+$0x17330] =	vst v0;
	v0 =	vld [tilespmem:s24+$0x93A0];
	v2 =	vmul.f32 $1.131370830e+01, v2  }
0x119: {  	[tilespmem:s24+$0x17340] =	vst v1;
	v1 =	vld [tilespmem:s24+$0x93B0];
	v3 =	vmul.f32 $1.131370830e+01, v3  }
0x11a: {  	[tilespmem:s24+$0x17350] =	vst v2;
	v2 =	vld [tilespmem:s24+$0x93C0];
	v5 =	vmul.f32 $1.131370830e+01, v5  }
0x11b: {  	[tilespmem:s24+$0x17360] =	vst v3;
	v3 =	vld [tilespmem:s24+$0x93D0];
	v4 =	vmul.f32 $1.131370830e+01, v4  }
0x11c: {  	[tilespmem:s24+$0x17370] =	vst v5;
	v5 =	vld [tilespmem:s24+$0x93E0];
	v6 =	vmul.f32 $1.131370830e+01, v6  }
0x11d: {  	[tilespmem:s24+$0x17380] =	vst v4;
	v0 =	vmul.f32 $1.131370830e+01, v0;
	v4 =	vld [tilespmem:s24+$0x93F0]  }
0x11e: {  	[tilespmem:s24+$0x17390] =	vst v6;
	v1 =	vmul.f32 $1.131370830e+01, v1  }
0x11f: {  	[tilespmem:s24+$0x173A0] =	vst v0;
	v0 =	vmul.f32 $1.131370830e+01, v2  }
0x120: {  	[tilespmem:s24+$0x173B0] =	vst v1;
	v1 =	vmul.f32 $1.131370830e+01, v3  }
0x121: {  	[tilespmem:s24+$0x173C0] =	vst v0;
	v0 =	vmul.f32 $1.131370830e+01, v5  }
0x122: {  	[tilespmem:s24+$0x173D0] =	vst v1;
	v1 =	vmul.f32 $1.131370830e+01, v4  }
0x123: {  	s6 =	sadd.s32 @!p0 $0x580, s21;
	s22 =	sadd.s32 s4, s22;
	[tilespmem:s24+$0x173E0] =	vst v0  }
0x124: {  	s22 =	smul.u32 $0x380, s22;
	s23 =	simm.s32 @!p0 $0x32;
	[tilespmem:s24+$0x173F0] =	vst v1;
	s24 =	simm.s32 @!p0 $0x9400  }
0x125: {  	[tilespmem:s24], [sflag:$0x4] =	stream.indirect.gather @!p0 [hbm4b:s1+s23], $0x80, s6, s23, $0xb8;
	[tilespmem:$0x19000] =	vst v63  }
0x126: {  	s24 =	sadd.s32 s5, s22  }
0x127: {  	[hbm4b:s24+s3] =	stream.linear.scatter [tilespmem:s2], [sflag:$0xC], $0x1900, $0x38;
	[tilespmem:$0x19000] =	vst v63  }
0x128: {  	_ =	swait.ge [sflag:s10], $0x1900  }
0x129: {  	[sflag:s10] =	ssyncset.done $0x0  }
0x12a: {  	[sflag:s10] =	ssyncadd.s32 $0xFFFFE700  }
0x12b: {  	_ =	swait.ge [sflag:s11], $0x1900  }
0x12c: {  	[sflag:s11] =	ssyncset.done $0x0  }
0x12d: {  	s22 =	simm.s32 $0xF0;
	[sflag:s11] =	ssyncadd.s32 $0xFFFFE700  }
0x12e: {  	v0 =	vld [tilespmem:s22+$0xB000]  }
0x12f: {  	v1 =	vld [tilespmem:s22+$0xAF10]  }
0x130: {  	v2 =	vld [tilespmem:s22+$0xAF20]  }
0x131: {  	v3 =	vld [tilespmem:s22+$0xAF30]  }
0x132: {  	v6 =	vld [tilespmem:s22+$0xAF60]  }
0x133: {  	v4 =	vld [tilespmem:s22+$0xAF40];
	v0 =	vmul.f32 $1.131370830e+01, v0  }
0x134: {  	v5 =	vld [tilespmem:s22+$0xAF50];
	v1 =	vmul.f32 $1.131370830e+01, v1  }
0x135: {  	v7 =	vld [tilespmem:s22+$0xAF70];
	[tilespmem:s22+$0x12000] =	vst v0;
	v0 =	vmul.f32 $1.131370830e+01, v2  }
0x136: {  	v8 =	vld [tilespmem:s22+$0xAF80];
	[tilespmem:s22+$0x11F10] =	vst v1;
	v1 =	vmul.f32 $1.131370830e+01, v3  }
0x137: {  	v2 =	vmul.f32 $1.131370830e+01, v6;
	[tilespmem:s22+$0x11F20] =	vst v0  }
0x138: {  	v9 =	vld [tilespmem:s22+$0xAF90];
	v0 =	vmul.f32 $1.131370830e+01, v4;
	[tilespmem:s22+$0x11F30] =	vst v1  }
0x139: {  	v4 =	vld [tilespmem:s22+$0xAFA0];
	v1 =	vmul.f32 $1.131370830e+01, v5;
	[tilespmem:s22+$0x11F60] =	vst v2  }
0x13a: {  	v3 =	vmul.f32 $1.131370830e+01, v7;
	[tilespmem:s22+$0x11F40] =	vst v0;
	v0 =	vld [tilespmem:s22+$0xAFB0]  }
0x13b: {  	v5 =	vmul.f32 $1.131370830e+01, v8;
	[tilespmem:s22+$0x11F50] =	vst v1;
	v1 =	vld [tilespmem:s22+$0xAFC0]  }
0x13c: {  	v2 =	vld [tilespmem:s22+$0xAFD0];
	[tilespmem:s22+$0x11F70] =	vst v3  }
0x13d: {  	v3 =	vld [tilespmem:s22+$0xAFE0];
	[tilespmem:s22+$0x11F80] =	vst v5;
	v5 =	vmul.f32 $1.131370830e+01, v9  }
0x13e: {  	s23 =	simm.s32 $0x1F0;
	s6 =	simm.s32 $0xBC0;
	v6 =	vmul.f32 $1.131370830e+01, v4;
	v4 =	vld [tilespmem:s22+$0xAFF0]  }
.LBB2_11:
0x13f: {  	p1 =	sne.s32 s6, $0x63C0;
	v7 =	vld [tilespmem:s23+$0xB000];
	[tilespmem:s22+$0x11F90] =	vst v5;
	v0 =	vmul.f32 $1.131370830e+01, v0  }
0x140: {  	v5 =	vld [tilespmem:s23+$0xAF10];
	[tilespmem:s22+$0x11FA0] =	vst v6;
	v1 =	vmul.f32 $1.131370830e+01, v1  }
0x141: {  	v6 =	vld [tilespmem:s23+$0xAF20];
	[tilespmem:s22+$0x11FB0] =	vst v0;
	v0 =	vmul.f32 $1.131370830e+01, v2  }
0x142: {  	v2 =	vld [tilespmem:s23+$0xAF30];
	[tilespmem:s22+$0x11FC0] =	vst v1;
	v1 =	vmul.f32 $1.131370830e+01, v3  }
0x143: {  	v3 =	vld [tilespmem:s23+$0xAF40];
	[tilespmem:s22+$0x11FD0] =	vst v0;
	v0 =	vmul.f32 $1.131370830e+01, v4  }
0x144: {  	v4 =	vld [tilespmem:s23+$0xAF50];
	v7 =	vmul.f32 $1.131370830e+01, v7;
	[tilespmem:s22+$0x11FE0] =	vst v1  }
0x145: {  	v1 =	vmul.f32 $1.131370830e+01, v5;
	v5 =	vld [tilespmem:s23+$0xAF60];
	[tilespmem:s22+$0x11FF0] =	vst v0;
	s22 =	smov.u32 s23  }
0x146: {  	v0 =	vmul.f32 $1.131370830e+01, v6;
	v6 =	vld [tilespmem:s22+$0xAF70];
	[tilespmem:s22+$0x12000] =	vst v7  }
0x147: {  	[tilespmem:s22+$0x11F10] =	vst v1;
	v1 =	vmul.f32 $1.131370830e+01, v2;
	v2 =	vld [tilespmem:s22+$0xAF80]  }
0x148: {  	[tilespmem:s22+$0x11F20] =	vst v0;
	v0 =	vmul.f32 $1.131370830e+01, v3;
	v3 =	vld [tilespmem:s22+$0xAF90]  }
0x149: {  	[tilespmem:s22+$0x11F30] =	vst v1;
	v1 =	vmul.f32 $1.131370830e+01, v4;
	v4 =	vld [tilespmem:s22+$0xAFA0]  }
.Ltmp4:
0x14a: {  	[tilespmem:s22+$0x11F40] =	vst v0;
	v5 =	vmul.f32 $1.131370830e+01, v5;
	v0 =	vld [tilespmem:s22+$0xAFB0];
	(pc) =	sbr.rel @p1 .LBB2_11-.Ltmp4, $4  }
0x14b: {  	[tilespmem:s22+$0x11F50] =	vst v1;
	v6 =	vmul.f32 $1.131370830e+01, v6;
	v1 =	vld [tilespmem:s22+$0xAFC0]  }
0x14c: {  	[tilespmem:s22+$0x11F60] =	vst v5;
	v7 =	vmul.f32 $1.131370830e+01, v2;
	v2 =	vld [tilespmem:s22+$0xAFD0]  }
0x14d: {  	[tilespmem:s22+$0x11F70] =	vst v6;
	v5 =	vmul.f32 $1.131370830e+01, v3;
	v3 =	vld [tilespmem:s22+$0xAFE0]  }
0x14e: {  	s23 =	sshra.s32 s6, $0x2;
	s6 =	sadd.s32 $0x400, s6;
	[tilespmem:s22+$0x11F80] =	vst v7;
	v6 =	vmul.f32 $1.131370830e+01, v4;
	v4 =	vld [tilespmem:s22+$0xAFF0]  }
0x14f: {  	v7 =	vld [tilespmem:s23+$0xB000];
	[tilespmem:s22+$0x11F90] =	vst v5;
	v0 =	vmul.f32 $1.131370830e+01, v0  }
0x150: {  	v5 =	vld [tilespmem:s23+$0xAF10];
	[tilespmem:s22+$0x11FA0] =	vst v6;
	v1 =	vmul.f32 $1.131370830e+01, v1  }
0x151: {  	v6 =	vld [tilespmem:s23+$0xAF20];
	[tilespmem:s22+$0x11FB0] =	vst v0;
	v2 =	vmul.f32 $1.131370830e+01, v2  }
0x152: {  	v0 =	vld [tilespmem:s23+$0xAF30];
	[tilespmem:s22+$0x11FC0] =	vst v1;
	v3 =	vmul.f32 $1.131370830e+01, v3  }
0x153: {  	v1 =	vld [tilespmem:s23+$0xAF40];
	[tilespmem:s22+$0x11FD0] =	vst v2;
	v4 =	vmul.f32 $1.131370830e+01, v4  }
0x154: {  	v2 =	vld [tilespmem:s23+$0xAF50];
	[tilespmem:s22+$0x11FE0] =	vst v3;
	v7 =	vmul.f32 $1.131370830e+01, v7  }
0x155: {  	v3 =	vld [tilespmem:s23+$0xAF60];
	[tilespmem:s22+$0x11FF0] =	vst v4;
	v4 =	vmul.f32 $1.131370830e+01, v5  }
0x156: {  	v5 =	vld [tilespmem:s23+$0xAF70];
	[tilespmem:s23+$0x12000] =	vst v7;
	v6 =	vmul.f32 $1.131370830e+01, v6  }
0x157: {  	[tilespmem:s23+$0x11F10] =	vst v4;
	v4 =	vld [tilespmem:s23+$0xAF80];
	v0 =	vmul.f32 $1.131370830e+01, v0  }
0x158: {  	[tilespmem:s23+$0x11F20] =	vst v6;
	v6 =	vld [tilespmem:s23+$0xAF90];
	v1 =	vmul.f32 $1.131370830e+01, v1  }
0x159: {  	[tilespmem:s23+$0x11F30] =	vst v0;
	v0 =	vld [tilespmem:s23+$0xAFA0];
	v2 =	vmul.f32 $1.131370830e+01, v2  }
0x15a: {  	[tilespmem:s23+$0x11F40] =	vst v1;
	v1 =	vld [tilespmem:s23+$0xAFB0];
	v3 =	vmul.f32 $1.131370830e+01, v3  }
0x15b: {  	[tilespmem:s23+$0x11F50] =	vst v2;
	v2 =	vld [tilespmem:s23+$0xAFC0];
	v5 =	vmul.f32 $1.131370830e+01, v5  }
0x15c: {  	[tilespmem:s23+$0x11F60] =	vst v3;
	v3 =	vld [tilespmem:s23+$0xAFD0];
	v4 =	vmul.f32 $1.131370830e+01, v4  }
0x15d: {  	[tilespmem:s23+$0x11F70] =	vst v5;
	v5 =	vld [tilespmem:s23+$0xAFE0];
	v6 =	vmul.f32 $1.131370830e+01, v6  }
0x15e: {  	[tilespmem:s23+$0x11F80] =	vst v4;
	v0 =	vmul.f32 $1.131370830e+01, v0;
	v4 =	vld [tilespmem:s23+$0xAFF0]  }
0x15f: {  	[tilespmem:s23+$0x11F90] =	vst v6;
	v1 =	vmul.f32 $1.131370830e+01, v1  }
0x160: {  	[tilespmem:s23+$0x11FA0] =	vst v0;
	v0 =	vmul.f32 $1.131370830e+01, v2  }
0x161: {  	[tilespmem:s23+$0x11FB0] =	vst v1;
	v1 =	vmul.f32 $1.131370830e+01, v3  }
0x162: {  	[tilespmem:s23+$0x11FC0] =	vst v0;
	v0 =	vmul.f32 $1.131370830e+01, v5  }
0x163: {  	s6 =	sor.u32 $0x4, s20;
	[tilespmem:s23+$0x11FD0] =	vst v1;
	v1 =	vmul.f32 $1.131370830e+01, v4  }
0x164: {  	s24 =	simm.s32 @!p0 $0xB000;
	s6 =	sadd.s32 s4, s6;
	[tilespmem:s23+$0x11FE0] =	vst v0  }
0x165: {  	s6 =	smul.u32 $0x380, s6;
	s22 =	sadd.s32 @!p0 $0x600, s21;
	[tilespmem:s23+$0x11FF0] =	vst v1;
	s23 =	simm.s32 @!p0 $0x32  }
0x166: {  	[tilespmem:s24], [sflag:$0x5] =	stream.indirect.gather @!p0 [hbm4b:s1+s23], $0x80, s22, s23, $0xb8;
	[tilespmem:$0x19000] =	vst v63  }
0x167: {  	s6 =	sadd.s32 s5, s6  }
0x168: {  	[hbm4b:s6+s3] =	stream.linear.scatter [tilespmem:s26], [sflag:$0x9], $0x1900, $0x38;
	[tilespmem:$0x19000] =	vst v63  }
0x169: {  	_ =	swait.ge [sflag:s12], $0x1900  }
0x16a: {  	[sflag:s12] =	ssyncset.done $0x0  }
0x16b: {  	[sflag:s12] =	ssyncadd.s32 $0xFFFFE700  }
0x16c: {  	_ =	swait.ge [sflag:s13], $0x1900  }
0x16d: {  	[sflag:s13] =	ssyncset.done $0x0  }
0x16e: {  	s22 =	simm.s32 $0xF0;
	[sflag:s13] =	ssyncadd.s32 $0xFFFFE700  }
0x16f: {  	v0 =	vld [tilespmem:s22+$0xCC00]  }
0x170: {  	v1 =	vld [tilespmem:s22+$0xCB10]  }
0x171: {  	v2 =	vld [tilespmem:s22+$0xCB20]  }
0x172: {  	v3 =	vld [tilespmem:s22+$0xCB30]  }
0x173: {  	v6 =	vld [tilespmem:s22+$0xCB60]  }
0x174: {  	v4 =	vld [tilespmem:s22+$0xCB40];
	v0 =	vmul.f32 $1.131370830e+01, v0  }
0x175: {  	v5 =	vld [tilespmem:s22+$0xCB50];
	v1 =	vmul.f32 $1.131370830e+01, v1  }
0x176: {  	v7 =	vld [tilespmem:s22+$0xCB70];
	[tilespmem:s22+$0x13C00] =	vst v0;
	v0 =	vmul.f32 $1.131370830e+01, v2  }
0x177: {  	v8 =	vld [tilespmem:s22+$0xCB80];
	[tilespmem:s22+$0x13B10] =	vst v1;
	v1 =	vmul.f32 $1.131370830e+01, v3  }
0x178: {  	v2 =	vmul.f32 $1.131370830e+01, v6;
	[tilespmem:s22+$0x13B20] =	vst v0  }
0x179: {  	v9 =	vld [tilespmem:s22+$0xCB90];
	v0 =	vmul.f32 $1.131370830e+01, v4;
	[tilespmem:s22+$0x13B30] =	vst v1  }
0x17a: {  	v4 =	vld [tilespmem:s22+$0xCBA0];
	v1 =	vmul.f32 $1.131370830e+01, v5;
	[tilespmem:s22+$0x13B60] =	vst v2  }
0x17b: {  	v3 =	vmul.f32 $1.131370830e+01, v7;
	[tilespmem:s22+$0x13B40] =	vst v0;
	v0 =	vld [tilespmem:s22+$0xCBB0]  }
0x17c: {  	v5 =	vmul.f32 $1.131370830e+01, v8;
	[tilespmem:s22+$0x13B50] =	vst v1;
	v1 =	vld [tilespmem:s22+$0xCBC0]  }
0x17d: {  	v2 =	vld [tilespmem:s22+$0xCBD0];
	[tilespmem:s22+$0x13B70] =	vst v3  }
0x17e: {  	v3 =	vld [tilespmem:s22+$0xCBE0];
	[tilespmem:s22+$0x13B80] =	vst v5;
	v5 =	vmul.f32 $1.131370830e+01, v9  }
0x17f: {  	s23 =	simm.s32 $0x1F0;
	s6 =	simm.s32 $0xBC0;
	v6 =	vmul.f32 $1.131370830e+01, v4;
	v4 =	vld [tilespmem:s22+$0xCBF0]  }
.LBB2_13:
0x180: {  	p1 =	sne.s32 s6, $0x63C0;
	v7 =	vld [tilespmem:s23+$0xCC00];
	[tilespmem:s22+$0x13B90] =	vst v5;
	v0 =	vmul.f32 $1.131370830e+01, v0  }
0x181: {  	v5 =	vld [tilespmem:s23+$0xCB10];
	[tilespmem:s22+$0x13BA0] =	vst v6;
	v1 =	vmul.f32 $1.131370830e+01, v1  }
0x182: {  	v6 =	vld [tilespmem:s23+$0xCB20];
	[tilespmem:s22+$0x13BB0] =	vst v0;
	v0 =	vmul.f32 $1.131370830e+01, v2  }
0x183: {  	v2 =	vld [tilespmem:s23+$0xCB30];
	[tilespmem:s22+$0x13BC0] =	vst v1;
	v1 =	vmul.f32 $1.131370830e+01, v3  }
0x184: {  	v3 =	vld [tilespmem:s23+$0xCB40];
	[tilespmem:s22+$0x13BD0] =	vst v0;
	v0 =	vmul.f32 $1.131370830e+01, v4  }
0x185: {  	v4 =	vld [tilespmem:s23+$0xCB50];
	v7 =	vmul.f32 $1.131370830e+01, v7;
	[tilespmem:s22+$0x13BE0] =	vst v1  }
0x186: {  	v1 =	vmul.f32 $1.131370830e+01, v5;
	v5 =	vld [tilespmem:s23+$0xCB60];
	[tilespmem:s22+$0x13BF0] =	vst v0;
	s22 =	smov.u32 s23  }
0x187: {  	v0 =	vmul.f32 $1.131370830e+01, v6;
	v6 =	vld [tilespmem:s22+$0xCB70];
	[tilespmem:s22+$0x13C00] =	vst v7  }
0x188: {  	[tilespmem:s22+$0x13B10] =	vst v1;
	v1 =	vmul.f32 $1.131370830e+01, v2;
	v2 =	vld [tilespmem:s22+$0xCB80]  }
0x189: {  	[tilespmem:s22+$0x13B20] =	vst v0;
	v0 =	vmul.f32 $1.131370830e+01, v3;
	v3 =	vld [tilespmem:s22+$0xCB90]  }
0x18a: {  	[tilespmem:s22+$0x13B30] =	vst v1;
	v1 =	vmul.f32 $1.131370830e+01, v4;
	v4 =	vld [tilespmem:s22+$0xCBA0]  }
.Ltmp5:
0x18b: {  	[tilespmem:s22+$0x13B40] =	vst v0;
	v5 =	vmul.f32 $1.131370830e+01, v5;
	v0 =	vld [tilespmem:s22+$0xCBB0];
	(pc) =	sbr.rel @p1 .LBB2_13-.Ltmp5, $4  }
0x18c: {  	[tilespmem:s22+$0x13B50] =	vst v1;
	v6 =	vmul.f32 $1.131370830e+01, v6;
	v1 =	vld [tilespmem:s22+$0xCBC0]  }
0x18d: {  	[tilespmem:s22+$0x13B60] =	vst v5;
	v7 =	vmul.f32 $1.131370830e+01, v2;
	v2 =	vld [tilespmem:s22+$0xCBD0]  }
0x18e: {  	[tilespmem:s22+$0x13B70] =	vst v6;
	v5 =	vmul.f32 $1.131370830e+01, v3;
	v3 =	vld [tilespmem:s22+$0xCBE0]  }
0x18f: {  	s23 =	sshra.s32 s6, $0x2;
	s6 =	sadd.s32 $0x400, s6;
	[tilespmem:s22+$0x13B80] =	vst v7;
	v6 =	vmul.f32 $1.131370830e+01, v4;
	v4 =	vld [tilespmem:s22+$0xCBF0]  }
0x190: {  	v7 =	vld [tilespmem:s23+$0xCC00];
	[tilespmem:s22+$0x13B90] =	vst v5;
	v0 =	vmul.f32 $1.131370830e+01, v0  }
0x191: {  	v5 =	vld [tilespmem:s23+$0xCB10];
	[tilespmem:s22+$0x13BA0] =	vst v6;
	v1 =	vmul.f32 $1.131370830e+01, v1  }
0x192: {  	v6 =	vld [tilespmem:s23+$0xCB20];
	[tilespmem:s22+$0x13BB0] =	vst v0;
	v2 =	vmul.f32 $1.131370830e+01, v2  }
0x193: {  	v0 =	vld [tilespmem:s23+$0xCB30];
	[tilespmem:s22+$0x13BC0] =	vst v1;
	v3 =	vmul.f32 $1.131370830e+01, v3  }
0x194: {  	v1 =	vld [tilespmem:s23+$0xCB40];
	[tilespmem:s22+$0x13BD0] =	vst v2;
	v4 =	vmul.f32 $1.131370830e+01, v4  }
0x195: {  	v2 =	vld [tilespmem:s23+$0xCB50];
	[tilespmem:s22+$0x13BE0] =	vst v3;
	v7 =	vmul.f32 $1.131370830e+01, v7  }
0x196: {  	v3 =	vld [tilespmem:s23+$0xCB60];
	[tilespmem:s22+$0x13BF0] =	vst v4;
	v4 =	vmul.f32 $1.131370830e+01, v5  }
0x197: {  	v5 =	vld [tilespmem:s23+$0xCB70];
	[tilespmem:s23+$0x13C00] =	vst v7;
	v6 =	vmul.f32 $1.131370830e+01, v6  }
0x198: {  	[tilespmem:s23+$0x13B10] =	vst v4;
	v4 =	vld [tilespmem:s23+$0xCB80];
	v0 =	vmul.f32 $1.131370830e+01, v0  }
0x199: {  	[tilespmem:s23+$0x13B20] =	vst v6;
	v6 =	vld [tilespmem:s23+$0xCB90];
	v1 =	vmul.f32 $1.131370830e+01, v1  }
0x19a: {  	[tilespmem:s23+$0x13B30] =	vst v0;
	v0 =	vld [tilespmem:s23+$0xCBA0];
	v2 =	vmul.f32 $1.131370830e+01, v2  }
0x19b: {  	[tilespmem:s23+$0x13B40] =	vst v1;
	v1 =	vld [tilespmem:s23+$0xCBB0];
	v3 =	vmul.f32 $1.131370830e+01, v3  }
0x19c: {  	[tilespmem:s23+$0x13B50] =	vst v2;
	v2 =	vld [tilespmem:s23+$0xCBC0];
	v5 =	vmul.f32 $1.131370830e+01, v5  }
0x19d: {  	[tilespmem:s23+$0x13B60] =	vst v3;
	v3 =	vld [tilespmem:s23+$0xCBD0];
	v4 =	vmul.f32 $1.131370830e+01, v4  }
0x19e: {  	[tilespmem:s23+$0x13B70] =	vst v5;
	v5 =	vld [tilespmem:s23+$0xCBE0];
	v6 =	vmul.f32 $1.131370830e+01, v6  }
0x19f: {  	[tilespmem:s23+$0x13B80] =	vst v4;
	v0 =	vmul.f32 $1.131370830e+01, v0;
	v4 =	vld [tilespmem:s23+$0xCBF0]  }
0x1a0: {  	[tilespmem:s23+$0x13B90] =	vst v6;
	v1 =	vmul.f32 $1.131370830e+01, v1  }
0x1a1: {  	[tilespmem:s23+$0x13BA0] =	vst v0;
	v0 =	vmul.f32 $1.131370830e+01, v2  }
0x1a2: {  	[tilespmem:s23+$0x13BB0] =	vst v1;
	v1 =	vmul.f32 $1.131370830e+01, v3  }
0x1a3: {  	[tilespmem:s23+$0x13BC0] =	vst v0;
	v0 =	vmul.f32 $1.131370830e+01, v5  }
0x1a4: {  	s6 =	sor.u32 $0x5, s20;
	[tilespmem:s23+$0x13BD0] =	vst v1;
	v1 =	vmul.f32 $1.131370830e+01, v4  }
0x1a5: {  	s24 =	simm.s32 @!p0 $0xCC00;
	s6 =	sadd.s32 s4, s6;
	[tilespmem:s23+$0x13BE0] =	vst v0  }
0x1a6: {  	s6 =	smul.u32 $0x380, s6;
	s22 =	sadd.s32 @!p0 $0x680, s21;
	[tilespmem:s23+$0x13BF0] =	vst v1;
	s23 =	simm.s32 @!p0 $0x32  }
0x1a7: {  	[tilespmem:s24], [sflag:$0x6] =	stream.indirect.gather @!p0 [hbm4b:s1+s23], $0x80, s22, s23, $0xb8;
	[tilespmem:$0x19000] =	vst v63  }
0x1a8: {  	s6 =	sadd.s32 s5, s6  }
0x1a9: {  	[hbm4b:s6+s3] =	stream.linear.scatter [tilespmem:s29], [sflag:$0xA], $0x1900, $0x38;
	[tilespmem:$0x19000] =	vst v63  }
0x1aa: {  	_ =	swait.ge [sflag:s14], $0x1900  }
0x1ab: {  	[sflag:s14] =	ssyncset.done $0x0  }
0x1ac: {  	[sflag:s14] =	ssyncadd.s32 $0xFFFFE700  }
0x1ad: {  	_ =	swait.ge [sflag:s15], $0x1900  }
0x1ae: {  	[sflag:s15] =	ssyncset.done $0x0  }
0x1af: {  	s22 =	simm.s32 $0xF0;
	[sflag:s15] =	ssyncadd.s32 $0xFFFFE700  }
0x1b0: {  	v0 =	vld [tilespmem:s22+$0xE800]  }
0x1b1: {  	v1 =	vld [tilespmem:s22+$0xE710]  }
0x1b2: {  	v2 =	vld [tilespmem:s22+$0xE720]  }
0x1b3: {  	v3 =	vld [tilespmem:s22+$0xE730]  }
0x1b4: {  	v6 =	vld [tilespmem:s22+$0xE760]  }
0x1b5: {  	v4 =	vld [tilespmem:s22+$0xE740];
	v0 =	vmul.f32 $1.131370830e+01, v0  }
0x1b6: {  	v5 =	vld [tilespmem:s22+$0xE750];
	v1 =	vmul.f32 $1.131370830e+01, v1  }
0x1b7: {  	v7 =	vld [tilespmem:s22+$0xE770];
	[tilespmem:s22+$0x15800] =	vst v0;
	v0 =	vmul.f32 $1.131370830e+01, v2  }
0x1b8: {  	v8 =	vld [tilespmem:s22+$0xE780];
	[tilespmem:s22+$0x15710] =	vst v1;
	v1 =	vmul.f32 $1.131370830e+01, v3  }
0x1b9: {  	v2 =	vmul.f32 $1.131370830e+01, v6;
	[tilespmem:s22+$0x15720] =	vst v0  }
0x1ba: {  	v9 =	vld [tilespmem:s22+$0xE790];
	v0 =	vmul.f32 $1.131370830e+01, v4;
	[tilespmem:s22+$0x15730] =	vst v1  }
0x1bb: {  	v4 =	vld [tilespmem:s22+$0xE7A0];
	v1 =	vmul.f32 $1.131370830e+01, v5;
	[tilespmem:s22+$0x15760] =	vst v2  }
0x1bc: {  	v3 =	vmul.f32 $1.131370830e+01, v7;
	[tilespmem:s22+$0x15740] =	vst v0;
	v0 =	vld [tilespmem:s22+$0xE7B0]  }
0x1bd: {  	v5 =	vmul.f32 $1.131370830e+01, v8;
	[tilespmem:s22+$0x15750] =	vst v1;
	v1 =	vld [tilespmem:s22+$0xE7C0]  }
0x1be: {  	v2 =	vld [tilespmem:s22+$0xE7D0];
	[tilespmem:s22+$0x15770] =	vst v3  }
0x1bf: {  	v3 =	vld [tilespmem:s22+$0xE7E0];
	[tilespmem:s22+$0x15780] =	vst v5;
	v5 =	vmul.f32 $1.131370830e+01, v9  }
0x1c0: {  	s23 =	simm.s32 $0x1F0;
	s6 =	simm.s32 $0xBC0;
	v6 =	vmul.f32 $1.131370830e+01, v4;
	v4 =	vld [tilespmem:s22+$0xE7F0]  }
.LBB2_15:
0x1c1: {  	p1 =	sne.s32 s6, $0x63C0;
	v7 =	vld [tilespmem:s23+$0xE800];
	[tilespmem:s22+$0x15790] =	vst v5;
	v0 =	vmul.f32 $1.131370830e+01, v0  }
0x1c2: {  	v5 =	vld [tilespmem:s23+$0xE710];
	[tilespmem:s22+$0x157A0] =	vst v6;
	v1 =	vmul.f32 $1.131370830e+01, v1  }
0x1c3: {  	v6 =	vld [tilespmem:s23+$0xE720];
	[tilespmem:s22+$0x157B0] =	vst v0;
	v0 =	vmul.f32 $1.131370830e+01, v2  }
0x1c4: {  	v2 =	vld [tilespmem:s23+$0xE730];
	[tilespmem:s22+$0x157C0] =	vst v1;
	v1 =	vmul.f32 $1.131370830e+01, v3  }
0x1c5: {  	v3 =	vld [tilespmem:s23+$0xE740];
	[tilespmem:s22+$0x157D0] =	vst v0;
	v0 =	vmul.f32 $1.131370830e+01, v4  }
0x1c6: {  	v4 =	vld [tilespmem:s23+$0xE750];
	v7 =	vmul.f32 $1.131370830e+01, v7;
	[tilespmem:s22+$0x157E0] =	vst v1  }
0x1c7: {  	v1 =	vmul.f32 $1.131370830e+01, v5;
	v5 =	vld [tilespmem:s23+$0xE760];
	[tilespmem:s22+$0x157F0] =	vst v0;
	s22 =	smov.u32 s23  }
0x1c8: {  	v0 =	vmul.f32 $1.131370830e+01, v6;
	v6 =	vld [tilespmem:s22+$0xE770];
	[tilespmem:s22+$0x15800] =	vst v7  }
0x1c9: {  	[tilespmem:s22+$0x15710] =	vst v1;
	v1 =	vmul.f32 $1.131370830e+01, v2;
	v2 =	vld [tilespmem:s22+$0xE780]  }
0x1ca: {  	[tilespmem:s22+$0x15720] =	vst v0;
	v0 =	vmul.f32 $1.131370830e+01, v3;
	v3 =	vld [tilespmem:s22+$0xE790]  }
0x1cb: {  	[tilespmem:s22+$0x15730] =	vst v1;
	v1 =	vmul.f32 $1.131370830e+01, v4;
	v4 =	vld [tilespmem:s22+$0xE7A0]  }
.Ltmp6:
0x1cc: {  	[tilespmem:s22+$0x15740] =	vst v0;
	v5 =	vmul.f32 $1.131370830e+01, v5;
	v0 =	vld [tilespmem:s22+$0xE7B0];
	(pc) =	sbr.rel @p1 .LBB2_15-.Ltmp6, $4  }
0x1cd: {  	[tilespmem:s22+$0x15750] =	vst v1;
	v6 =	vmul.f32 $1.131370830e+01, v6;
	v1 =	vld [tilespmem:s22+$0xE7C0]  }
0x1ce: {  	[tilespmem:s22+$0x15760] =	vst v5;
	v7 =	vmul.f32 $1.131370830e+01, v2;
	v2 =	vld [tilespmem:s22+$0xE7D0]  }
0x1cf: {  	[tilespmem:s22+$0x15770] =	vst v6;
	v5 =	vmul.f32 $1.131370830e+01, v3;
	v3 =	vld [tilespmem:s22+$0xE7E0]  }
0x1d0: {  	s23 =	sshra.s32 s6, $0x2;
	s6 =	sadd.s32 $0x400, s6;
	[tilespmem:s22+$0x15780] =	vst v7;
	v6 =	vmul.f32 $1.131370830e+01, v4;
	v4 =	vld [tilespmem:s22+$0xE7F0]  }
0x1d1: {  	v7 =	vld [tilespmem:s23+$0xE800];
	[tilespmem:s22+$0x15790] =	vst v5;
	v0 =	vmul.f32 $1.131370830e+01, v0  }
0x1d2: {  	v5 =	vld [tilespmem:s23+$0xE710];
	[tilespmem:s22+$0x157A0] =	vst v6;
	v1 =	vmul.f32 $1.131370830e+01, v1  }
0x1d3: {  	v6 =	vld [tilespmem:s23+$0xE720];
	[tilespmem:s22+$0x157B0] =	vst v0;
	v2 =	vmul.f32 $1.131370830e+01, v2  }
0x1d4: {  	v0 =	vld [tilespmem:s23+$0xE730];
	[tilespmem:s22+$0x157C0] =	vst v1;
	v3 =	vmul.f32 $1.131370830e+01, v3  }
0x1d5: {  	v1 =	vld [tilespmem:s23+$0xE740];
	[tilespmem:s22+$0x157D0] =	vst v2;
	v4 =	vmul.f32 $1.131370830e+01, v4  }
0x1d6: {  	v2 =	vld [tilespmem:s23+$0xE750];
	[tilespmem:s22+$0x157E0] =	vst v3;
	v7 =	vmul.f32 $1.131370830e+01, v7  }
0x1d7: {  	v3 =	vld [tilespmem:s23+$0xE760];
	[tilespmem:s22+$0x157F0] =	vst v4;
	v4 =	vmul.f32 $1.131370830e+01, v5  }
0x1d8: {  	v5 =	vld [tilespmem:s23+$0xE770];
	[tilespmem:s23+$0x15800] =	vst v7;
	v6 =	vmul.f32 $1.131370830e+01, v6  }
0x1d9: {  	[tilespmem:s23+$0x15710] =	vst v4;
	v4 =	vld [tilespmem:s23+$0xE780];
	v0 =	vmul.f32 $1.131370830e+01, v0  }
0x1da: {  	[tilespmem:s23+$0x15720] =	vst v6;
	v6 =	vld [tilespmem:s23+$0xE790];
	v1 =	vmul.f32 $1.131370830e+01, v1  }
0x1db: {  	[tilespmem:s23+$0x15730] =	vst v0;
	v0 =	vld [tilespmem:s23+$0xE7A0];
	v2 =	vmul.f32 $1.131370830e+01, v2  }
0x1dc: {  	[tilespmem:s23+$0x15740] =	vst v1;
	v1 =	vld [tilespmem:s23+$0xE7B0];
	v3 =	vmul.f32 $1.131370830e+01, v3  }
0x1dd: {  	[tilespmem:s23+$0x15750] =	vst v2;
	v2 =	vld [tilespmem:s23+$0xE7C0];
	v5 =	vmul.f32 $1.131370830e+01, v5  }
0x1de: {  	[tilespmem:s23+$0x15760] =	vst v3;
	v3 =	vld [tilespmem:s23+$0xE7D0];
	v4 =	vmul.f32 $1.131370830e+01, v4  }
0x1df: {  	[tilespmem:s23+$0x15770] =	vst v5;
	v5 =	vld [tilespmem:s23+$0xE7E0];
	v6 =	vmul.f32 $1.131370830e+01, v6  }
0x1e0: {  	[tilespmem:s23+$0x15780] =	vst v4;
	v0 =	vmul.f32 $1.131370830e+01, v0;
	v4 =	vld [tilespmem:s23+$0xE7F0]  }
0x1e1: {  	[tilespmem:s23+$0x15790] =	vst v6;
	v1 =	vmul.f32 $1.131370830e+01, v1  }
0x1e2: {  	[tilespmem:s23+$0x157A0] =	vst v0;
	v0 =	vmul.f32 $1.131370830e+01, v2  }
0x1e3: {  	[tilespmem:s23+$0x157B0] =	vst v1;
	v1 =	vmul.f32 $1.131370830e+01, v3  }
0x1e4: {  	[tilespmem:s23+$0x157C0] =	vst v0;
	v0 =	vmul.f32 $1.131370830e+01, v5  }
0x1e5: {  	s6 =	sor.u32 $0x6, s20;
	[tilespmem:s23+$0x157D0] =	vst v1;
	v1 =	vmul.f32 $1.131370830e+01, v4  }
0x1e6: {  	s24 =	simm.s32 @!p0 $0xE800;
	s6 =	sadd.s32 s4, s6;
	[tilespmem:s23+$0x157E0] =	vst v0  }
0x1e7: {  	s6 =	smul.u32 $0x380, s6;
	s22 =	sadd.s32 @!p0 $0x700, s21;
	[tilespmem:s23+$0x157F0] =	vst v1;
	s23 =	simm.s32 @!p0 $0x32  }
0x1e8: {  	[tilespmem:s24], [sflag:$0x7] =	stream.indirect.gather @!p0 [hbm4b:s1+s23], $0x80, s22, s23, $0xb8;
	[tilespmem:$0x19000] =	vst v63  }
0x1e9: {  	s6 =	sadd.s32 s5, s6  }
0x1ea: {  	[hbm4b:s6+s3] =	stream.linear.scatter [tilespmem:s31], [sflag:$0xB], $0x1900, $0x38;
	[tilespmem:$0x19000] =	vst v63  }
0x1eb: {  	_ =	swait.ge [sflag:s16], $0x1900  }
0x1ec: {  	[sflag:s16] =	ssyncset.done $0x0  }
0x1ed: {  	[sflag:s16] =	ssyncadd.s32 $0xFFFFE700  }
0x1ee: {  	_ =	swait.ge [sflag:s17], $0x1900  }
0x1ef: {  	[sflag:s17] =	ssyncset.done $0x0  }
0x1f0: {  	s22 =	simm.s32 $0xF0;
	[sflag:s17] =	ssyncadd.s32 $0xFFFFE700  }
0x1f1: {  	v0 =	vld [tilespmem:s22+$0x10400]  }
0x1f2: {  	v1 =	vld [tilespmem:s22+$0x10310]  }
0x1f3: {  	v2 =	vld [tilespmem:s22+$0x10320]  }
0x1f4: {  	v3 =	vld [tilespmem:s22+$0x10330]  }
0x1f5: {  	v6 =	vld [tilespmem:s22+$0x10360]  }
0x1f6: {  	v4 =	vld [tilespmem:s22+$0x10340];
	v0 =	vmul.f32 $1.131370830e+01, v0  }
0x1f7: {  	v5 =	vld [tilespmem:s22+$0x10350];
	v1 =	vmul.f32 $1.131370830e+01, v1  }
0x1f8: {  	v7 =	vld [tilespmem:s22+$0x10370];
	[tilespmem:s22+$0x17400] =	vst v0;
	v0 =	vmul.f32 $1.131370830e+01, v2  }
0x1f9: {  	v8 =	vld [tilespmem:s22+$0x10380];
	[tilespmem:s22+$0x17310] =	vst v1;
	v1 =	vmul.f32 $1.131370830e+01, v3  }
0x1fa: {  	v2 =	vmul.f32 $1.131370830e+01, v6;
	[tilespmem:s22+$0x17320] =	vst v0  }
0x1fb: {  	v9 =	vld [tilespmem:s22+$0x10390];
	v0 =	vmul.f32 $1.131370830e+01, v4;
	[tilespmem:s22+$0x17330] =	vst v1  }
0x1fc: {  	v4 =	vld [tilespmem:s22+$0x103A0];
	v1 =	vmul.f32 $1.131370830e+01, v5;
	[tilespmem:s22+$0x17360] =	vst v2  }
0x1fd: {  	v3 =	vmul.f32 $1.131370830e+01, v7;
	[tilespmem:s22+$0x17340] =	vst v0;
	v0 =	vld [tilespmem:s22+$0x103B0]  }
0x1fe: {  	v5 =	vmul.f32 $1.131370830e+01, v8;
	[tilespmem:s22+$0x17350] =	vst v1;
	v1 =	vld [tilespmem:s22+$0x103C0]  }
0x1ff: {  	v2 =	vld [tilespmem:s22+$0x103D0];
	[tilespmem:s22+$0x17370] =	vst v3  }
0x200: {  	v3 =	vld [tilespmem:s22+$0x103E0];
	[tilespmem:s22+$0x17380] =	vst v5;
	v5 =	vmul.f32 $1.131370830e+01, v9  }
0x201: {  	s23 =	simm.s32 $0x1F0;
	s6 =	simm.s32 $0xBC0;
	v6 =	vmul.f32 $1.131370830e+01, v4;
	v4 =	vld [tilespmem:s22+$0x103F0]  }
.LBB2_17:
0x202: {  	p1 =	sne.s32 s6, $0x63C0;
	v7 =	vld [tilespmem:s23+$0x10400];
	[tilespmem:s22+$0x17390] =	vst v5;
	v0 =	vmul.f32 $1.131370830e+01, v0  }
0x203: {  	v5 =	vld [tilespmem:s23+$0x10310];
	[tilespmem:s22+$0x173A0] =	vst v6;
	v1 =	vmul.f32 $1.131370830e+01, v1  }
0x204: {  	v6 =	vld [tilespmem:s23+$0x10320];
	[tilespmem:s22+$0x173B0] =	vst v0;
	v0 =	vmul.f32 $1.131370830e+01, v2  }
0x205: {  	v2 =	vld [tilespmem:s23+$0x10330];
	[tilespmem:s22+$0x173C0] =	vst v1;
	v1 =	vmul.f32 $1.131370830e+01, v3  }
0x206: {  	v3 =	vld [tilespmem:s23+$0x10340];
	[tilespmem:s22+$0x173D0] =	vst v0;
	v0 =	vmul.f32 $1.131370830e+01, v4  }
0x207: {  	v4 =	vld [tilespmem:s23+$0x10350];
	v7 =	vmul.f32 $1.131370830e+01, v7;
	[tilespmem:s22+$0x173E0] =	vst v1  }
0x208: {  	v1 =	vmul.f32 $1.131370830e+01, v5;
	v5 =	vld [tilespmem:s23+$0x10360];
	[tilespmem:s22+$0x173F0] =	vst v0;
	s22 =	smov.u32 s23  }
0x209: {  	v0 =	vmul.f32 $1.131370830e+01, v6;
	v6 =	vld [tilespmem:s22+$0x10370];
	[tilespmem:s22+$0x17400] =	vst v7  }
0x20a: {  	[tilespmem:s22+$0x17310] =	vst v1;
	v1 =	vmul.f32 $1.131370830e+01, v2;
	v2 =	vld [tilespmem:s22+$0x10380]  }
0x20b: {  	[tilespmem:s22+$0x17320] =	vst v0;
	v0 =	vmul.f32 $1.131370830e+01, v3;
	v3 =	vld [tilespmem:s22+$0x10390]  }
0x20c: {  	[tilespmem:s22+$0x17330] =	vst v1;
	v1 =	vmul.f32 $1.131370830e+01, v4;
	v4 =	vld [tilespmem:s22+$0x103A0]  }
.Ltmp7:
0x20d: {  	[tilespmem:s22+$0x17340] =	vst v0;
	v5 =	vmul.f32 $1.131370830e+01, v5;
	v0 =	vld [tilespmem:s22+$0x103B0];
	(pc) =	sbr.rel @p1 .LBB2_17-.Ltmp7, $4  }
0x20e: {  	[tilespmem:s22+$0x17350] =	vst v1;
	v6 =	vmul.f32 $1.131370830e+01, v6;
	v1 =	vld [tilespmem:s22+$0x103C0]  }
0x20f: {  	[tilespmem:s22+$0x17360] =	vst v5;
	v7 =	vmul.f32 $1.131370830e+01, v2;
	v2 =	vld [tilespmem:s22+$0x103D0]  }
0x210: {  	[tilespmem:s22+$0x17370] =	vst v6;
	v5 =	vmul.f32 $1.131370830e+01, v3;
	v3 =	vld [tilespmem:s22+$0x103E0]  }
0x211: {  	s23 =	sshra.s32 s6, $0x2;
	s6 =	sadd.s32 $0x400, s6;
	[tilespmem:s22+$0x17380] =	vst v7;
	v6 =	vmul.f32 $1.131370830e+01, v4;
	v4 =	vld [tilespmem:s22+$0x103F0]  }
0x212: {  	v7 =	vld [tilespmem:s23+$0x10400];
	[tilespmem:s22+$0x17390] =	vst v5;
	v0 =	vmul.f32 $1.131370830e+01, v0  }
0x213: {  	v5 =	vld [tilespmem:s23+$0x10310];
	[tilespmem:s22+$0x173A0] =	vst v6;
	v1 =	vmul.f32 $1.131370830e+01, v1  }
0x214: {  	v6 =	vld [tilespmem:s23+$0x10320];
	[tilespmem:s22+$0x173B0] =	vst v0;
	v2 =	vmul.f32 $1.131370830e+01, v2  }
0x215: {  	v0 =	vld [tilespmem:s23+$0x10330];
	[tilespmem:s22+$0x173C0] =	vst v1;
	v3 =	vmul.f32 $1.131370830e+01, v3  }
0x216: {  	v1 =	vld [tilespmem:s23+$0x10340];
	[tilespmem:s22+$0x173D0] =	vst v2;
	v4 =	vmul.f32 $1.131370830e+01, v4  }
0x217: {  	v2 =	vld [tilespmem:s23+$0x10350];
	[tilespmem:s22+$0x173E0] =	vst v3;
	v7 =	vmul.f32 $1.131370830e+01, v7  }
0x218: {  	v3 =	vld [tilespmem:s23+$0x10360];
	[tilespmem:s22+$0x173F0] =	vst v4;
	v50 =	vmul.f32 $1.131370830e+01, v5  }
0x219: {  	v51 =	vld [tilespmem:s23+$0x10370];
	[tilespmem:s23+$0x17400] =	vst v7;
	v6 =	vmul.f32 $1.131370830e+01, v6  }
0x21a: {  	v52 =	vld [tilespmem:s23+$0x10380];
	[tilespmem:s23+$0x17310] =	vst v50;
	v0 =	vmul.f32 $1.131370830e+01, v0  }
0x21b: {  	v53 =	vld [tilespmem:s23+$0x10390];
	[tilespmem:s23+$0x17320] =	vst v6;
	v1 =	vmul.f32 $1.131370830e+01, v1  }
0x21c: {  	v54 =	vld [tilespmem:s23+$0x103A0];
	[tilespmem:s23+$0x17330] =	vst v0;
	v2 =	vmul.f32 $1.131370830e+01, v2  }
0x21d: {  	v55 =	vld [tilespmem:s23+$0x103B0];
	[tilespmem:s23+$0x17340] =	vst v1;
	v3 =	vmul.f32 $1.131370830e+01, v3  }
0x21e: {  	v56 =	vld [tilespmem:s23+$0x103C0];
	[tilespmem:s23+$0x17350] =	vst v2;
	v5 =	vmul.f32 $1.131370830e+01, v51  }
0x21f: {  	v57 =	vld [tilespmem:s23+$0x103D0];
	v4 =	vmul.f32 $1.131370830e+01, v52;
	[tilespmem:s23+$0x17360] =	vst v3  }
0x220: {  	v58 =	vld [tilespmem:s23+$0x103E0];
	v6 =	vmul.f32 $1.131370830e+01, v53;
	[tilespmem:s23+$0x17370] =	vst v5  }
0x221: {  	v59 =	vld [tilespmem:s23+$0x103F0];
	v0 =	vmul.f32 $1.131370830e+01, v54;
	[tilespmem:s23+$0x17380] =	vst v4  }
0x222: {  	v1 =	vmul.f32 $1.131370830e+01, v55;
	[tilespmem:s23+$0x17390] =	vst v6  }
0x223: {  	v60 =	vmul.f32 $1.131370830e+01, v56;
	[tilespmem:s23+$0x173A0] =	vst v0  }
0x224: {  	v61 =	vmul.f32 $1.131370830e+01, v57;
	[tilespmem:s23+$0x173B0] =	vst v1  }
0x225: {  	v62 =	vmul.f32 $1.131370830e+01, v58;
	[tilespmem:s23+$0x173C0] =	vst v60  }
0x226: {  	v63 =	vmul.f32 $1.131370830e+01, v59;
	[tilespmem:s23+$0x173D0] =	vst v61  }
0x227: {  	s6 =	sor.u32 $0x7, s20;
	s20 =	sadd.s32 @!p0 $0x780, s21;
	[tilespmem:s23+$0x173E0] =	vst v62  }
0x228: {  	s21 =	simm.s32 @!p0 $0x32;
	s19 =	sadd.s32 $0x1, s19;
	s22 =	simm.s32 @!p0 $0x10400;
	[tilespmem:s23+$0x173F0] =	vst v63  }
0x229: {  	[tilespmem:s22], [sflag:$0x8] =	stream.indirect.gather @!p0 [hbm4b:s1+s21], $0x80, s20, s21, $0xb8;
	[tilespmem:$0x19000] =	vst v63  }
0x22a: {  	p0 =	sne.s32 s19, $0x10  }
.Ltmp8:
0x22b: {  	s6 =	sadd.s32 s4, s6;
	(pc) =	sbr.rel @p0 .LBB2_2-.Ltmp8, $3  }
0x22c: {  	s6 =	smul.u32 $0x380, s6;
	_ =	sdelay $0x1  }
0x22d: {  	s6 =	sadd.s32 s5, s6  }
0x22e: {  	[hbm4b:s6+s3] =	stream.linear.scatter [tilespmem:s2], [sflag:$0xC], $0x1900, $0x38;
	[tilespmem:$0x19000] =	vst v63  }
0x22f: {  	_ =	swait.ge [sflag:s11], $0x1900  }
0x230: {  	[sflag:s11] =	ssyncset.done $0x0  }
0x231: {  	[sflag:s11] =	ssyncadd.s32 $0xFFFFE700  }
0x232: {  	_ =	swait.ge [sflag:s13], $0x1900  }
0x233: {  	[sflag:s13] =	ssyncset.done $0x0  }
0x234: {  	s18 =	sadd.s32 $0x1, s18;
	[sflag:s13] =	ssyncadd.s32 $0xFFFFE700  }
0x235: {  	p0 =	sne.s32 s18, s7;
	_ =	swait.ge [sflag:s15], $0x1900  }
.Ltmp9:
0x236: {  	[sflag:s15] =	ssyncset.done $0x0;
	(pc) =	sbr.rel @p0 .LBB2_1-.Ltmp9, $4  }
0x237: {  	[sflag:s15] =	ssyncadd.s32 $0xFFFFE700  }
0x238: {  	_ =	swait.ge [sflag:s17], $0x1900  }
0x239: {  	[sflag:s17] =	ssyncset.done $0x0  }
0x23a: {  	[sflag:s17] =	ssyncadd.s32 $0xFFFFE700  }
0x23b: {  	_ =	sfence.sel $0x180000  }
0x23c: {  	[bflag:$0x0] =	sbarrier.arrive $0xFFFF  }
0x23d: {  	_ =	strace $0x90000047  }
0x23e: {  	s0 =	stileid.u32;
	[bflag:$0x2] =	sbarrier.arrive $0xFFFF  }
0x23f: {  	p0 =	sne.s32 s0, $0x0;
	s0 =	rddreg [dreg:$0x3]  }
0x240: {  	s0 =	sadd.s32 @!p0 $0x100000, s0  }
0x241: {  	[sflag:s0] =	ssyncadd.tile.s32 @!p0 $0x1;
	_ =	shalt  }
.Lfunc_end2:
_tile_overlayer_lowered:
.L_overlay_start_2:
0x242: {  	(tag) =	ssettag $0x2  }
0x243: {  	s0 =	rddreg [dreg:$0x0];
	s2 =	stileid.u32  }
0x244: {  	s1 =	rddreg [dreg:$0x1];
	p0 =	sne.s32 s2, $0x0  }
0x245: {  	s3 =	rddreg [dreg:$0x2];
	[bflag:$0x3] =	sbarrier.arrive $0xFFFF;
	s2 =	simm.s32 @!p0 $0x1C0D  }
0x246: {  	[timem:s3], [sflag:s2] =	dma.local @!p0 [hbm:s0], s1  }
0x247: {  	s0 =	simm.s32 @!p0 $0xD  }
0x248: {  	_ =	swait.ge @!p0 [sflag:s0], s1  }
0x249: {  	s1 =	ssub.s32 @!p0 $0x0, s1;
	[sflag:s0] =	ssyncset.done @!p0 $0x0  }
0x24a: {  	[sflag:s0] =	ssyncadd.s32 @!p0 s1  }
0x24b: {  	[bflag:$0x3] =	sbarrier.arrive $0xFFFF  }
0x24c: {  	_ =	shalt  }

</sc_bundles>
